<compile_context>
chip_gen: v7x
topology: tpu7x:2x2x1
jax: 0.10.2.dev20260603
libtpu: 0.0.44.dev20260713+nightly
codegen_flags: <defaults>
</compile_context>

<pallas_src>
import functools

import jax
import jax.numpy as jnp
from jax import lax
from jax.experimental import pallas as pl
from jax.experimental.pallas import tpu as pltpu
from jax.experimental.pallas import tpu_sc as plsc

F32 = jnp.float32

NC = 2
NS = 16
NW = NC * NS



def _edge_enc_body(eat_ref, w_ref, b_ref, out_ref):
    out_ref[...] = jax.nn.relu(
        lax.dot_general(eat_ref[...], w_ref[...], (((0,), (0,)), ((), ())),
                        preferred_element_type=F32)
        + b_ref[...]
    )


def _edge_encoder(edge_attr, We0, be0, E, DE, D):
    ea_t = edge_attr.T
    TE = 6400
    grid = E // TE
    return pl.pallas_call(
        _edge_enc_body,
        grid=(grid,),
        in_specs=[
            pl.BlockSpec((DE, TE), lambda i: (0, i)),
            pl.BlockSpec((DE, D), lambda i: (0, 0)),
            pl.BlockSpec((1, D), lambda i: (0, 0)),
        ],
        out_specs=pl.BlockSpec((TE, D), lambda i: (i, 0)),
        out_shape=jax.ShapeDtypeStruct((E, D), F32),
    )(ea_t, We0, be0.reshape(1, D))



def _make_sc_scatter(N, E, D, with_e):
    EPT = E // NW
    CH = 80
    NCHUNK = EPT // CH
    DUMP_T = 10
    RPO = N // DUMP_T

    def body(*refs):
        if with_e:
            (e_hbm, x_hbm, ei_hbm, out_hbm,
             srcall, idxd, erows, grows, acc, sems, semi) = refs
        else:
            (x_hbm, ei_hbm, out_hbm,
             srcall, idxd, grows, acc, sems) = refs
            e_hbm = None
            erows = None

        c = lax.axis_index("c")
        s = lax.axis_index("s")

        def zrow(i, carry):
            for k in range(D // 16):
                grows[0, i, pl.ds(k * 16, 16)] = jnp.zeros((16,), F32)
            return carry

        lax.fori_loop(0, CH, zrow, 0)

        @pl.when(s < DUMP_T)
        def _():
            for j in range(RPO // CH):
                pltpu.sync_copy(grows.at[0],
                                acc.at[pl.ds(s * RPO + j * CH, CH)])
            rem = RPO % CH
            if rem:
                pltpu.sync_copy(
                    grows.at[0].at[pl.ds(0, rem)],
                    acc.at[pl.ds(s * RPO + (RPO // CH) * CH, rem)])

        ebase = (c * NS + s) * EPT
        if not with_e:
            pltpu.sync_copy(ei_hbm.at[pl.ds(ebase, EPT)], srcall)
        plsc.subcore_barrier()

        if with_e:
            def idx_load(cj):
                r = lax.rem(cj, 3)
                hb = ebase + cj * CH
                pltpu.async_copy(ei_hbm.at[pl.ds(hb, CH)], srcall.at[r],
                                 semi.at[r])
                pltpu.async_copy(ei_hbm.at[pl.ds(E + hb, CH)], idxd.at[r],
                                 semi.at[r])

            def rows_start(cj, b):
                r = lax.rem(cj, 3)
                hb = ebase + cj * CH
                pltpu.make_async_copy(ei_hbm.at[pl.ds(0, CH)], srcall.at[r],
                                      semi.at[r]).wait()
                pltpu.make_async_copy(ei_hbm.at[pl.ds(0, CH)], idxd.at[r],
                                      semi.at[r]).wait()
                pltpu.async_copy(e_hbm.at[pl.ds(hb, CH)], erows.at[b],
                                 sems.at[b])
                pltpu.async_copy(x_hbm.at[srcall.at[r]],
                                 grows.at[b], sems.at[b])

            def finish(ci, b):
                r = lax.rem(ci, 3)
                pltpu.make_async_copy(e_hbm.at[pl.ds(0, CH)], erows.at[b],
                                      sems.at[b]).wait()
                pltpu.make_async_copy(x_hbm.at[pl.ds(0, CH)], grows.at[b],
                                      sems.at[b]).wait()
                pltpu.sync_copy(erows.at[b], acc.at[idxd.at[r]], add=True)
                pltpu.sync_copy(grows.at[b], acc.at[idxd.at[r]], add=True)

            idx_load(0)
            idx_load(1)
            rows_start(0, 0)

            def chunk(ci, carry):
                b = lax.rem(ci, 2)

                @pl.when(ci + 2 < NCHUNK)
                def _():
                    idx_load(ci + 2)

                @pl.when(ci + 1 < NCHUNK)
                def _():
                    rows_start(ci + 1, 1 - b)

                finish(ci, b)
                return carry

            lax.fori_loop(0, NCHUNK, chunk, 0)
        else:
            def start(ci, b):
                hb = ebase + ci * CH
                pltpu.async_copy(ei_hbm.at[pl.ds(E + hb, CH)], idxd.at[b],
                                 sems.at[b])
                pltpu.async_copy(x_hbm.at[srcall.at[pl.ds(ci * CH, CH)]],
                                 grows.at[b], sems.at[b])

            def finish(b):
                pltpu.make_async_copy(ei_hbm.at[pl.ds(0, CH)], idxd.at[b],
                                      sems.at[b]).wait()
                pltpu.make_async_copy(x_hbm.at[pl.ds(0, CH)], grows.at[b],
                                      sems.at[b]).wait()
                pltpu.sync_copy(grows.at[b], acc.at[idxd.at[b]], add=True)

            start(0, 0)

            def chunk(ci, carry):
                b = lax.rem(ci, 2)

                @pl.when(ci + 1 < NCHUNK)
                def _():
                    start(ci + 1, 1 - b)

                finish(b)
                return carry

            lax.fori_loop(0, NCHUNK, chunk, 0)
        plsc.subcore_barrier()

        @pl.when(s < DUMP_T)
        def _():
            rb = s * RPO
            pltpu.sync_copy(acc.at[pl.ds(rb, RPO)],
                            out_hbm.at[c, pl.ds(rb, RPO)])

    scratch = [
        pltpu.VMEM((3, CH) if with_e else (EPT,), jnp.int32),
        pltpu.VMEM((3 if with_e else 2, CH), jnp.int32),
    ]
    if with_e:
        scratch.append(pltpu.VMEM((2, CH, D), F32))
    scratch += [
        pltpu.VMEM((2, CH, D), F32),
        pltpu.VMEM_SHARED((N, D), F32),
        pltpu.SemaphoreType.DMA((2,)),
    ]
    if with_e:
        scratch.append(pltpu.SemaphoreType.DMA((3,)))

    return functools.partial(
        pl.kernel,
        out_type=jax.ShapeDtypeStruct((NC, N, D), F32),
        mesh=plsc.VectorSubcoreMesh(core_axis_name="c", subcore_axis_name="s"),
        scratch_types=scratch,
    )(body)



def _mlp1_body(parts_ref, x_ref, w1_ref, b1_ref, w2_ref, b2_ref,
               h1_ref, agg_ref, r_ref):
    agg = parts_ref[0] + parts_ref[1]
    u = jax.nn.relu(
        jnp.dot(agg, w1_ref[...], preferred_element_type=F32) + b1_ref[...])
    r = jax.nn.relu(
        jnp.dot(u, w2_ref[...], preferred_element_type=F32) + b2_ref[...])
    agg_ref[...] = agg
    r_ref[...] = r
    h1_ref[...] = x_ref[...] + r


def _mlp1(parts, x, A1, a1, A2, a2, N, D, H):
    TN = 1000
    grid = N // TN
    return pl.pallas_call(
        _mlp1_body,
        grid=(grid,),
        in_specs=[
            pl.BlockSpec((NC, TN, D), lambda i: (0, i, 0)),
            pl.BlockSpec((TN, D), lambda i: (i, 0)),
            pl.BlockSpec((D, H), lambda i: (0, 0)),
            pl.BlockSpec((1, H), lambda i: (0, 0)),
            pl.BlockSpec((H, D), lambda i: (0, 0)),
            pl.BlockSpec((1, D), lambda i: (0, 0)),
        ],
        out_specs=[
            pl.BlockSpec((TN, D), lambda i: (i, 0)),
            pl.BlockSpec((TN, D), lambda i: (i, 0)),
            pl.BlockSpec((TN, D), lambda i: (i, 0)),
        ],
        out_shape=[
            jax.ShapeDtypeStruct((N, D), F32),
            jax.ShapeDtypeStruct((N, D), F32),
            jax.ShapeDtypeStruct((N, D), F32),
        ],
    )(parts, x, A1, a1.reshape(1, H), A2, a2.reshape(1, D))



def _mlp2_body(ngrid, G, h1_ref, agg1_ref, parts_ref, gid_ref,
               w1_ref, b1_ref, w2_ref, b2_ref,
               p1_ref, pb1_ref, p2_ref, pb2_ref,
               out_ref, pooled_ref):
    i = pl.program_id(0)
    agg2 = agg1_ref[...] + parts_ref[0] + parts_ref[1]
    u = jax.nn.relu(
        jnp.dot(agg2, w1_ref[...], preferred_element_type=F32) + b1_ref[...])
    r2 = jax.nn.relu(
        jnp.dot(u, w2_ref[...], preferred_element_type=F32) + b2_ref[...])
    h2 = h1_ref[...] + r2
    gid = gid_ref[0]
    onehot = (gid == lax.broadcasted_iota(jnp.int32, (G, gid.shape[1]), 0))
    onehot = onehot.astype(F32)

    @pl.when(i == 0)
    def _():
        pooled_ref[...] = jnp.zeros_like(pooled_ref)

    pooled_ref[...] += jnp.dot(onehot, h2, preferred_element_type=F32)

    @pl.when(i == ngrid - 1)
    def _():
        pooled = pooled_ref[...]
        v = jax.nn.relu(
            jnp.dot(pooled, p1_ref[...], preferred_element_type=F32)
            + pb1_ref[...])
        out_ref[...] = (
            jnp.dot(v, p2_ref[...], preferred_element_type=F32) + pb2_ref[...])


def _mlp2_pool(h1, agg1, parts, graph_ids, B1, b1, B2, b2, P1, p1, P2, p2,
               N, D, H, G):
    TN = 1000
    grid = N // TN
    gid3 = graph_ids.reshape(grid, 1, TN)
    return pl.pallas_call(
        functools.partial(_mlp2_body, grid, G),
        grid=(grid,),
        in_specs=[
            pl.BlockSpec((TN, D), lambda i: (i, 0)),
            pl.BlockSpec((TN, D), lambda i: (i, 0)),
            pl.BlockSpec((NC, TN, D), lambda i: (0, i, 0)),
            pl.BlockSpec((1, 1, TN), lambda i: (i, 0, 0)),
            pl.BlockSpec((D, H), lambda i: (0, 0)),
            pl.BlockSpec((1, H), lambda i: (0, 0)),
            pl.BlockSpec((H, D), lambda i: (0, 0)),
            pl.BlockSpec((1, D), lambda i: (0, 0)),
            pl.BlockSpec((D, D), lambda i: (0, 0)),
            pl.BlockSpec((1, D), lambda i: (0, 0)),
            pl.BlockSpec((D, D), lambda i: (0, 0)),
            pl.BlockSpec((1, D), lambda i: (0, 0)),
        ],
        out_specs=pl.BlockSpec((G, D), lambda i: (0, 0)),
        out_shape=jax.ShapeDtypeStruct((G, D), F32),
        scratch_shapes=[pltpu.VMEM((G, D), F32)],
    )(h1, agg1, parts, gid3, B1, b1.reshape(1, H), B2, b2.reshape(1, D),
      P1, p1.reshape(1, D), P2, p2.reshape(1, D))



def kernel(x, edge_attr, We0, be0, A1, a1, A2, a2, B1, b1, B2, b2,
           P1, p1, P2, p2, edge_index, graph_ids):
    N, D = x.shape
    E, DE = edge_attr.shape
    H = A1.shape[1]
    G = 256

    ei_flat = edge_index.reshape(2 * E)
    e = _edge_encoder(edge_attr, We0, be0, E, DE, D)
    parts1 = _make_sc_scatter(N, E, D, with_e=True)(e, x, ei_flat)
    h1, agg1, r1 = _mlp1(parts1, x, A1, a1, A2, a2, N, D, H)
    parts2 = _make_sc_scatter(N, E, D, with_e=False)(r1, ei_flat)
    out = _mlp2_pool(h1, agg1, parts2, graph_ids,
                     B1, b1, B2, b2, P1, p1, P2, p2, N, D, H, G)
    return out

# --- scband reference (transcript-rebuilt; emitter-appended) ---
"""Pipeline reference for scband-med-model-20864951124627 (READ-ONLY COPY).

The authoritative reference and input builder live on the scoring server;
editing this copy changes nothing except your own understanding.
"""

import jax, jax.numpy as jnp
import numpy as np

N = 10000   # nodes
E = 320000  # edges
D = 128     # latent_size
DE = 16     # edge feature dim
H = 512     # mlp_hidden_size
G = 256     # graphs in batch


def setup_inputs(seed: int = 0) -> dict:
    key = jax.random.key(seed)
    ks = jax.random.split(key, 20)
    x = jax.random.normal(ks[0], (N, D), dtype=jnp.float32)
    edge_index = jax.random.randint(ks[1], (2, E), 0, N, dtype=jnp.int32)
    edge_attr = jax.random.normal(ks[2], (E, DE), dtype=jnp.float32)
    graph_ids = jnp.sort(jax.random.randint(ks[3], (N,), 0, G, dtype=jnp.int32))
    s = lambda fan_in: 1.0 / np.sqrt(fan_in)
    We0 = jax.random.normal(ks[4], (DE, D), dtype=jnp.float32) * s(DE)
    be0 = jnp.zeros((D,), dtype=jnp.float32)
    A1 = jax.random.normal(ks[5], (D, H), dtype=jnp.float32) * s(D)
    a1 = jnp.zeros((H,), dtype=jnp.float32)
    A2 = jax.random.normal(ks[6], (H, D), dtype=jnp.float32) * s(H)
    a2 = jnp.zeros((D,), dtype=jnp.float32)
    B1 = jax.random.normal(ks[7], (D, H), dtype=jnp.float32) * s(D)
    b1 = jnp.zeros((H,), dtype=jnp.float32)
    B2 = jax.random.normal(ks[8], (H, D), dtype=jnp.float32) * s(H)
    b2 = jnp.zeros((D,), dtype=jnp.float32)
    P1 = jax.random.normal(ks[9], (D, D), dtype=jnp.float32) * s(D)
    p1 = jnp.zeros((D,), dtype=jnp.float32)
    P2 = jax.random.normal(ks[10], (D, D), dtype=jnp.float32) * s(D)
    p2 = jnp.zeros((D,), dtype=jnp.float32)
    return {"x": x, "edge_attr": edge_attr, "We0": We0, "be0": be0,
            "A1": A1, "a1": a1, "A2": A2, "a2": a2,
            "B1": B1, "b1": b1, "B2": B2, "b2": b2,
            "P1": P1, "p1": p1, "P2": P2, "p2": p2,
            "edge_index": edge_index, "graph_ids": graph_ids}


def reference(x, edge_attr, We0, be0, A1, a1, A2, a2, B1, b1, B2, b2, P1, p1, P2, p2, edge_index, graph_ids):
    src = edge_index[0]
    dst = edge_index[1]
    # edge encoder
    e = jax.nn.relu(edge_attr @ We0 + be0)  # [E, D]
    h = x
    # message-passing layer 1: gather src features, add edge embedding, scatter-add to dst
    msg = h[src] + e
    agg = jax.ops.segment_sum(msg, dst, num_segments=N)
    h = h + jax.nn.relu(jax.nn.relu(agg @ A1 + a1) @ A2 + a2)
    # message-passing layer 2
    msg = h[src] + e
    agg = jax.ops.segment_sum(msg, dst, num_segments=N)
    h = h + jax.nn.relu(jax.nn.relu(agg @ B1 + b1) @ B2 + b2)
    # graph sum pooling -> [G, D]
    pooled = jax.ops.segment_sum(h, graph_ids, num_segments=G)
    # proj head: Linear(128,128) -> ReLU -> Linear(128,128)
    out = jax.nn.relu(pooled @ P1 + p1) @ P2 + p2
    return out

if __name__ == "__main__":
    import jax
    _d = setup_inputs()
    print(jax.jit(kernel)(*tuple(_d.values())))

</pallas_src>

<mosaic_0001>
#map = affine_map<(d0, d1) -> (0, 0)>
#map1 = affine_map<(d0, d1) -> (0)>
#map2 = affine_map<(d0, d1) -> (0, 0, 0)>
module attributes {stable_mosaic.version = 14 : i64} {
  func.func @body(%arg0: i32, %arg1: i32, %arg2: memref<320000x128xf32, #tpu.memory_space<hbm>>, %arg3: memref<10000x128xf32, #tpu.memory_space<hbm>>, %arg4: memref<640000xi32, #tpu.memory_space<hbm>>, %arg5: memref<2x10000x128xf32, #tpu.memory_space<hbm>>, %arg6: memref<3x80xi32, #tpu.memory_space<vmem>>, %arg7: memref<3x80xi32, #tpu.memory_space<vmem>>, %arg8: memref<2x80x128xf32, #tpu.memory_space<vmem>>, %arg9: memref<2x80x128xf32, #tpu.memory_space<vmem>>, %arg10: memref<10000x128xf32, #tpu.memory_space<vmem_shared>>, %arg11: memref<2x!tpu.dma_semaphore, #tpu.memory_space<semaphore_mem>>, %arg12: memref<3x!tpu.dma_semaphore, #tpu.memory_space<semaphore_mem>>) attributes {dimension_semantics = [#tpu.dimension_semantics<core_parallel>, #tpu.dimension_semantics<subcore_parallel>], iteration_bounds = array<i64: 2, 16>, scalar_prefetch = 0 : i64, scratch_operands = 7 : i64, tpu.core_type = #tpu.core_type<sc_vector_subcore>, window_params = [{transform_indices = #map}, {transform_indices = #map}, {transform_indices = #map1}, {transform_indices = #map2}]} {
    %scan3A = arith.constant 0 : i32
    %scan3A_0 = arith.constant 0 : i32
    %scan3A_1 = arith.constant 80 : i32
    %scan3A_2 = arith.addi %scan3A_0, %scan3A_1 : i32
    %scan3A_3 = arith.constant 1 : i32
    scf.for %scan3A_132 = %scan3A_0 to %scan3A_2 step %scan3A_3  : i32 {
      %broadcast_in_dim3A = arith.constant 0.000000e+00 : f32
      %broadcast_in_dim3A_133 = vector.broadcast %broadcast_in_dim3A : f32 to vector<16xf32>
      %swap3A = arith.constant 0 : i32
      %swap3A_134 = arith.index_cast %swap3A : i32 to index
      %swap3A_135 = arith.index_cast %scan3A_132 : i32 to index
      %swap3A_136 = arith.constant 0 : index
      %swap3A_137 = tpu.vector_load %arg9[%swap3A_134, %swap3A_135, %swap3A_136] {strides = array<i32>} : memref<2x80x128xf32, #tpu.memory_space<vmem>>, vector<1x1x16xf32>,
      %swap3A_138 = vector.shape_cast %swap3A_137 : vector<1x1x16xf32> to vector<16xf32>
      %swap3A_139 = vector.shape_cast %broadcast_in_dim3A_133 : vector<16xf32> to vector<1x1x16xf32>
      tpu.vector_store %arg9[%swap3A_134, %swap3A_135, %swap3A_136], %swap3A_139 {strides = array<i32>} : memref<2x80x128xf32, #tpu.memory_space<vmem>>, vector<1x1x16xf32>,
      %broadcast_in_dim3A_140 = arith.constant 0.000000e+00 : f32
      %broadcast_in_dim3A_141 = vector.broadcast %broadcast_in_dim3A_140 : f32 to vector<16xf32>
      %swap3A_142 = arith.constant 0 : i32
      %swap3A_143 = arith.index_cast %swap3A_142 : i32 to index
      %swap3A_144 = arith.index_cast %scan3A_132 : i32 to index
      %swap3A_145 = arith.constant 16 : index
      %swap3A_146 = tpu.vector_load %arg9[%swap3A_143, %swap3A_144, %swap3A_145] {strides = array<i32>} : memref<2x80x128xf32, #tpu.memory_space<vmem>>, vector<1x1x16xf32>,
      %swap3A_147 = vector.shape_cast %swap3A_146 : vector<1x1x16xf32> to vector<16xf32>
      %swap3A_148 = vector.shape_cast %broadcast_in_dim3A_141 : vector<16xf32> to vector<1x1x16xf32>
      tpu.vector_store %arg9[%swap3A_143, %swap3A_144, %swap3A_145], %swap3A_148 {strides = array<i32>} : memref<2x80x128xf32, #tpu.memory_space<vmem>>, vector<1x1x16xf32>,
      %broadcast_in_dim3A_149 = arith.constant 0.000000e+00 : f32
      %broadcast_in_dim3A_150 = vector.broadcast %broadcast_in_dim3A_149 : f32 to vector<16xf32>
      %swap3A_151 = arith.constant 0 : i32
      %swap3A_152 = arith.index_cast %swap3A_151 : i32 to index
      %swap3A_153 = arith.index_cast %scan3A_132 : i32 to index
      %swap3A_154 = arith.constant 32 : index
      %swap3A_155 = tpu.vector_load %arg9[%swap3A_152, %swap3A_153, %swap3A_154] {strides = array<i32>} : memref<2x80x128xf32, #tpu.memory_space<vmem>>, vector<1x1x16xf32>,
      %swap3A_156 = vector.shape_cast %swap3A_155 : vector<1x1x16xf32> to vector<16xf32>
      %swap3A_157 = vector.shape_cast %broadcast_in_dim3A_150 : vector<16xf32> to vector<1x1x16xf32>
      tpu.vector_store %arg9[%swap3A_152, %swap3A_153, %swap3A_154], %swap3A_157 {strides = array<i32>} : memref<2x80x128xf32, #tpu.memory_space<vmem>>, vector<1x1x16xf32>,
      %broadcast_in_dim3A_158 = arith.constant 0.000000e+00 : f32
      %broadcast_in_dim3A_159 = vector.broadcast %broadcast_in_dim3A_158 : f32 to vector<16xf32>
      %swap3A_160 = arith.constant 0 : i32
      %swap3A_161 = arith.index_cast %swap3A_160 : i32 to index
      %swap3A_162 = arith.index_cast %scan3A_132 : i32 to index
      %swap3A_163 = arith.constant 48 : index
      %swap3A_164 = tpu.vector_load %arg9[%swap3A_161, %swap3A_162, %swap3A_163] {strides = array<i32>} : memref<2x80x128xf32, #tpu.memory_space<vmem>>, vector<1x1x16xf32>,
      %swap3A_165 = vector.shape_cast %swap3A_164 : vector<1x1x16xf32> to vector<16xf32>
      %swap3A_166 = vector.shape_cast %broadcast_in_dim3A_159 : vector<16xf32> to vector<1x1x16xf32>
      tpu.vector_store %arg9[%swap3A_161, %swap3A_162, %swap3A_163], %swap3A_166 {strides = array<i32>} : memref<2x80x128xf32, #tpu.memory_space<vmem>>, vector<1x1x16xf32>,
      %broadcast_in_dim3A_167 = arith.constant 0.000000e+00 : f32
      %broadcast_in_dim3A_168 = vector.broadcast %broadcast_in_dim3A_167 : f32 to vector<16xf32>
      %swap3A_169 = arith.constant 0 : i32
      %swap3A_170 = arith.index_cast %swap3A_169 : i32 to index
      %swap3A_171 = arith.index_cast %scan3A_132 : i32 to index
      %swap3A_172 = arith.constant 64 : index
      %swap3A_173 = tpu.vector_load %arg9[%swap3A_170, %swap3A_171, %swap3A_172] {strides = array<i32>} : memref<2x80x128xf32, #tpu.memory_space<vmem>>, vector<1x1x16xf32>,
      %swap3A_174 = vector.shape_cast %swap3A_173 : vector<1x1x16xf32> to vector<16xf32>
      %swap3A_175 = vector.shape_cast %broadcast_in_dim3A_168 : vector<16xf32> to vector<1x1x16xf32>
      tpu.vector_store %arg9[%swap3A_170, %swap3A_171, %swap3A_172], %swap3A_175 {strides = array<i32>} : memref<2x80x128xf32, #tpu.memory_space<vmem>>, vector<1x1x16xf32>,
      %broadcast_in_dim3A_176 = arith.constant 0.000000e+00 : f32
      %broadcast_in_dim3A_177 = vector.broadcast %broadcast_in_dim3A_176 : f32 to vector<16xf32>
      %swap3A_178 = arith.constant 0 : i32
      %swap3A_179 = arith.index_cast %swap3A_178 : i32 to index
      %swap3A_180 = arith.index_cast %scan3A_132 : i32 to index
      %swap3A_181 = arith.constant 80 : index
      %swap3A_182 = tpu.vector_load %arg9[%swap3A_179, %swap3A_180, %swap3A_181] {strides = array<i32>} : memref<2x80x128xf32, #tpu.memory_space<vmem>>, vector<1x1x16xf32>,
      %swap3A_183 = vector.shape_cast %swap3A_182 : vector<1x1x16xf32> to vector<16xf32>
      %swap3A_184 = vector.shape_cast %broadcast_in_dim3A_177 : vector<16xf32> to vector<1x1x16xf32>
      tpu.vector_store %arg9[%swap3A_179, %swap3A_180, %swap3A_181], %swap3A_184 {strides = array<i32>} : memref<2x80x128xf32, #tpu.memory_space<vmem>>, vector<1x1x16xf32>,
      %broadcast_in_dim3A_185 = arith.constant 0.000000e+00 : f32
      %broadcast_in_dim3A_186 = vector.broadcast %broadcast_in_dim3A_185 : f32 to vector<16xf32>
      %swap3A_187 = arith.constant 0 : i32
      %swap3A_188 = arith.index_cast %swap3A_187 : i32 to index
      %swap3A_189 = arith.index_cast %scan3A_132 : i32 to index
      %swap3A_190 = arith.constant 96 : index
      %swap3A_191 = tpu.vector_load %arg9[%swap3A_188, %swap3A_189, %swap3A_190] {strides = array<i32>} : memref<2x80x128xf32, #tpu.memory_space<vmem>>, vector<1x1x16xf32>,
      %swap3A_192 = vector.shape_cast %swap3A_191 : vector<1x1x16xf32> to vector<16xf32>
      %swap3A_193 = vector.shape_cast %broadcast_in_dim3A_186 : vector<16xf32> to vector<1x1x16xf32>
      tpu.vector_store %arg9[%swap3A_188, %swap3A_189, %swap3A_190], %swap3A_193 {strides = array<i32>} : memref<2x80x128xf32, #tpu.memory_space<vmem>>, vector<1x1x16xf32>,
      %broadcast_in_dim3A_194 = arith.constant 0.000000e+00 : f32
      %broadcast_in_dim3A_195 = vector.broadcast %broadcast_in_dim3A_194 : f32 to vector<16xf32>
      %swap3A_196 = arith.constant 0 : i32
      %swap3A_197 = arith.index_cast %swap3A_196 : i32 to index
      %swap3A_198 = arith.index_cast %scan3A_132 : i32 to index
      %swap3A_199 = arith.constant 112 : index
      %swap3A_200 = tpu.vector_load %arg9[%swap3A_197, %swap3A_198, %swap3A_199] {strides = array<i32>} : memref<2x80x128xf32, #tpu.memory_space<vmem>>, vector<1x1x16xf32>,
      %swap3A_201 = vector.shape_cast %swap3A_200 : vector<1x1x16xf32> to vector<16xf32>
      %swap3A_202 = vector.shape_cast %broadcast_in_dim3A_195 : vector<16xf32> to vector<1x1x16xf32>
      tpu.vector_store %arg9[%swap3A_197, %swap3A_198, %swap3A_199], %swap3A_202 {strides = array<i32>} : memref<2x80x128xf32, #tpu.memory_space<vmem>>, vector<1x1x16xf32>,
    }
    %scan3A_4 = arith.constant 80 : i32
    %lt3A = arith.constant 10 : i32
    %lt3A_5 = arith.cmpi slt, %arg1, %lt3A : i32
    %convert_element_type3A = arith.extui %lt3A_5 : i1 to i32
    %cond3A = arith.constant 0 : i32
    %cond3A_6 = arith.cmpi ne, %convert_element_type3A, %cond3A : i32
    scf.if %cond3A_6 {
      %mul3A_132 = arith.constant 1000 : i32
      %mul3A_133 = arith.muli %arg1, %mul3A_132 : i32
      %add3A_134 = arith.constant 0 : i32
      %add3A_135 = arith.addi %mul3A_133, %add3A_134 : i32
      %run_scoped3A = arith.constant 0 : i32
      "tpu.region"() ({
        %run_scoped3A_196 = tpu.sem_alloc : memref<!tpu.dma_semaphore, #tpu.memory_space<semaphore_mem>>
        %dma_start3A_197 = arith.constant 0 : i32
        %dma_start3A_198 = arith.constant 0 : i32
        %dma_start3A_199 = tpu.memref_slice %arg9[%run_scoped3A, %dma_start3A_197, %dma_start3A_198] : memref<2x80x128xf32, #tpu.memory_space<vmem>> -> memref<1x80x128xf32, #tpu.memory_space<vmem>>
        %dma_start3A_200 = tpu.memref_squeeze %dma_start3A_199 : memref<1x80x128xf32, #tpu.memory_space<vmem>> -> memref<80x128xf32, #tpu.memory_space<vmem>>
        %dma_start3A_201 = arith.constant 0 : i32
        %dma_start3A_202 = tpu.memref_slice %arg10[%add3A_135, %dma_start3A_201] : memref<10000x128xf32, #tpu.memory_space<vmem_shared>> -> memref<80x128xf32, #tpu.memory_space<vmem_shared>>
        %dma_start3A_203 = arith.constant 0 : i32
        %dma_start3A_204 = tpu.memref_slice %arg10[%add3A_135, %dma_start3A_203] : memref<10000x128xf32, #tpu.memory_space<vmem_shared>> -> memref<80x128xf32, #tpu.memory_space<vmem_shared>>
        %dma_start3A_205 = arith.constant 0 : i32
        %dma_start3A_206 = arith.constant 0 : i32
        %dma_start3A_207 = tpu.memref_slice %arg9[%run_scoped3A, %dma_start3A_205, %dma_start3A_206] : memref<2x80x128xf32, #tpu.memory_space<vmem>> -> memref<1x80x128xf32, #tpu.memory_space<vmem>>
        %dma_start3A_208 = tpu.memref_squeeze %dma_start3A_207 : memref<1x80x128xf32, #tpu.memory_space<vmem>> -> memref<80x128xf32, #tpu.memory_space<vmem>>
        tpu.enqueue_dma source(%dma_start3A_208 : memref<80x128xf32, #tpu.memory_space<vmem>>) target(%dma_start3A_204 : memref<80x128xf32, #tpu.memory_space<vmem_shared>>) target_semaphore(%run_scoped3A_196 : memref<!tpu.dma_semaphore, #tpu.memory_space<semaphore_mem>>)
        %dma_wait3A_209 = arith.constant 0 : i32
        %dma_wait3A_210 = arith.constant 0 : i32
        %dma_wait3A_211 = tpu.memref_slice %arg9[%run_scoped3A, %dma_wait3A_209, %dma_wait3A_210] : memref<2x80x128xf32, #tpu.memory_space<vmem>> -> memref<1x80x128xf32, #tpu.memory_space<vmem>>
        %dma_wait3A_212 = tpu.memref_squeeze %dma_wait3A_211 : memref<1x80x128xf32, #tpu.memory_space<vmem>> -> memref<80x128xf32, #tpu.memory_space<vmem>>
        %dma_wait3A_213 = arith.constant 0 : i32
        %dma_wait3A_214 = tpu.memref_slice %arg10[%add3A_135, %dma_wait3A_213] : memref<10000x128xf32, #tpu.memory_space<vmem_shared>> -> memref<80x128xf32, #tpu.memory_space<vmem_shared>>
        %dma_wait3A_215 = arith.constant 0 : i32
        %dma_wait3A_216 = tpu.memref_slice %arg10[%add3A_135, %dma_wait3A_215] : memref<10000x128xf32, #tpu.memory_space<vmem_shared>> -> memref<80x128xf32, #tpu.memory_space<vmem_shared>>
        %dma_wait3A_217 = arith.constant 0 : i32
        %dma_wait3A_218 = arith.constant 0 : i32
        %dma_wait3A_219 = tpu.memref_slice %arg9[%run_scoped3A, %dma_wait3A_217, %dma_wait3A_218] : memref<2x80x128xf32, #tpu.memory_space<vmem>> -> memref<1x80x128xf32, #tpu.memory_space<vmem>>
        %dma_wait3A_220 = tpu.memref_squeeze %dma_wait3A_219 : memref<1x80x128xf32, #tpu.memory_space<vmem>> -> memref<80x128xf32, #tpu.memory_space<vmem>>
        tpu.wait_dma2 semaphore(%run_scoped3A_196 : memref<!tpu.dma_semaphore, #tpu.memory_space<semaphore_mem>>) src(%dma_wait3A_220 : memref<80x128xf32, #tpu.memory_space<vmem>>) dst(%dma_wait3A_216 : memref<80x128xf32, #tpu.memory_space<vmem_shared>>)
        tpu.yield
      }) : () -> ()
      %mul3A_136 = arith.constant 1000 : i32
      %mul3A_137 = arith.muli %arg1, %mul3A_136 : i32
      %add3A_138 = arith.constant 80 : i32
      %add3A_139 = arith.addi %mul3A_137, %add3A_138 : i32
      %run_scoped3A_140 = arith.constant 0 : i32
      "tpu.region"() ({
        %run_scoped3A_196 = tpu.sem_alloc : memref<!tpu.dma_semaphore, #tpu.memory_space<semaphore_mem>>
        %dma_start3A_197 = arith.constant 0 : i32
        %dma_start3A_198 = arith.constant 0 : i32
        %dma_start3A_199 = tpu.memref_slice %arg9[%run_scoped3A_140, %dma_start3A_197, %dma_start3A_198] : memref<2x80x128xf32, #tpu.memory_space<vmem>> -> memref<1x80x128xf32, #tpu.memory_space<vmem>>
        %dma_start3A_200 = tpu.memref_squeeze %dma_start3A_199 : memref<1x80x128xf32, #tpu.memory_space<vmem>> -> memref<80x128xf32, #tpu.memory_space<vmem>>
        %dma_start3A_201 = arith.constant 0 : i32
        %dma_start3A_202 = tpu.memref_slice %arg10[%add3A_139, %dma_start3A_201] : memref<10000x128xf32, #tpu.memory_space<vmem_shared>> -> memref<80x128xf32, #tpu.memory_space<vmem_shared>>
        %dma_start3A_203 = arith.constant 0 : i32
        %dma_start3A_204 = tpu.memref_slice %arg10[%add3A_139, %dma_start3A_203] : memref<10000x128xf32, #tpu.memory_space<vmem_shared>> -> memref<80x128xf32, #tpu.memory_space<vmem_shared>>
        %dma_start3A_205 = arith.constant 0 : i32
        %dma_start3A_206 = arith.constant 0 : i32
        %dma_start3A_207 = tpu.memref_slice %arg9[%run_scoped3A_140, %dma_start3A_205, %dma_start3A_206] : memref<2x80x128xf32, #tpu.memory_space<vmem>> -> memref<1x80x128xf32, #tpu.memory_space<vmem>>
        %dma_start3A_208 = tpu.memref_squeeze %dma_start3A_207 : memref<1x80x128xf32, #tpu.memory_space<vmem>> -> memref<80x128xf32, #tpu.memory_space<vmem>>
        tpu.enqueue_dma source(%dma_start3A_208 : memref<80x128xf32, #tpu.memory_space<vmem>>) target(%dma_start3A_204 : memref<80x128xf32, #tpu.memory_space<vmem_shared>>) target_semaphore(%run_scoped3A_196 : memref<!tpu.dma_semaphore, #tpu.memory_space<semaphore_mem>>)
        %dma_wait3A_209 = arith.constant 0 : i32
        %dma_wait3A_210 = arith.constant 0 : i32
        %dma_wait3A_211 = tpu.memref_slice %arg9[%run_scoped3A_140, %dma_wait3A_209, %dma_wait3A_210] : memref<2x80x128xf32, #tpu.memory_space<vmem>> -> memref<1x80x128xf32, #tpu.memory_space<vmem>>
        %dma_wait3A_212 = tpu.memref_squeeze %dma_wait3A_211 : memref<1x80x128xf32, #tpu.memory_space<vmem>> -> memref<80x128xf32, #tpu.memory_space<vmem>>
        %dma_wait3A_213 = arith.constant 0 : i32
        %dma_wait3A_214 = tpu.memref_slice %arg10[%add3A_139, %dma_wait3A_213] : memref<10000x128xf32, #tpu.memory_space<vmem_shared>> -> memref<80x128xf32, #tpu.memory_space<vmem_shared>>
        %dma_wait3A_215 = arith.constant 0 : i32
        %dma_wait3A_216 = tpu.memref_slice %arg10[%add3A_139, %dma_wait3A_215] : memref<10000x128xf32, #tpu.memory_space<vmem_shared>> -> memref<80x128xf32, #tpu.memory_space<vmem_shared>>
        %dma_wait3A_217 = arith.constant 0 : i32
        %dma_wait3A_218 = arith.constant 0 : i32
        %dma_wait3A_219 = tpu.memref_slice %arg9[%run_scoped3A_140, %dma_wait3A_217, %dma_wait3A_218] : memref<2x80x128xf32, #tpu.memory_space<vmem>> -> memref<1x80x128xf32, #tpu.memory_space<vmem>>
        %dma_wait3A_220 = tpu.memref_squeeze %dma_wait3A_219 : memref<1x80x128xf32, #tpu.memory_space<vmem>> -> memref<80x128xf32, #tpu.memory_space<vmem>>
        tpu.wait_dma2 semaphore(%run_scoped3A_196 : memref<!tpu.dma_semaphore, #tpu.memory_space<semaphore_mem>>) src(%dma_wait3A_220 : memref<80x128xf32, #tpu.memory_space<vmem>>) dst(%dma_wait3A_216 : memref<80x128xf32, #tpu.memory_space<vmem_shared>>)
        tpu.yield
      }) : () -> ()
      %mul3A_141 = arith.constant 1000 : i32
      %mul3A_142 = arith.muli %arg1, %mul3A_141 : i32
      %add3A_143 = arith.constant 160 : i32
      %add3A_144 = arith.addi %mul3A_142, %add3A_143 : i32
      %run_scoped3A_145 = arith.constant 0 : i32
      "tpu.region"() ({
        %run_scoped3A_196 = tpu.sem_alloc : memref<!tpu.dma_semaphore, #tpu.memory_space<semaphore_mem>>
        %dma_start3A_197 = arith.constant 0 : i32
        %dma_start3A_198 = arith.constant 0 : i32
        %dma_start3A_199 = tpu.memref_slice %arg9[%run_scoped3A_145, %dma_start3A_197, %dma_start3A_198] : memref<2x80x128xf32, #tpu.memory_space<vmem>> -> memref<1x80x128xf32, #tpu.memory_space<vmem>>
        %dma_start3A_200 = tpu.memref_squeeze %dma_start3A_199 : memref<1x80x128xf32, #tpu.memory_space<vmem>> -> memref<80x128xf32, #tpu.memory_space<vmem>>
        %dma_start3A_201 = arith.constant 0 : i32
        %dma_start3A_202 = tpu.memref_slice %arg10[%add3A_144, %dma_start3A_201] : memref<10000x128xf32, #tpu.memory_space<vmem_shared>> -> memref<80x128xf32, #tpu.memory_space<vmem_shared>>
        %dma_start3A_203 = arith.constant 0 : i32
        %dma_start3A_204 = tpu.memref_slice %arg10[%add3A_144, %dma_start3A_203] : memref<10000x128xf32, #tpu.memory_space<vmem_shared>> -> memref<80x128xf32, #tpu.memory_space<vmem_shared>>
        %dma_start3A_205 = arith.constant 0 : i32
        %dma_start3A_206 = arith.constant 0 : i32
        %dma_start3A_207 = tpu.memref_slice %arg9[%run_scoped3A_145, %dma_start3A_205, %dma_start3A_206] : memref<2x80x128xf32, #tpu.memory_space<vmem>> -> memref<1x80x128xf32, #tpu.memory_space<vmem>>
        %dma_start3A_208 = tpu.memref_squeeze %dma_start3A_207 : memref<1x80x128xf32, #tpu.memory_space<vmem>> -> memref<80x128xf32, #tpu.memory_space<vmem>>
        tpu.enqueue_dma source(%dma_start3A_208 : memref<80x128xf32, #tpu.memory_space<vmem>>) target(%dma_start3A_204 : memref<80x128xf32, #tpu.memory_space<vmem_shared>>) target_semaphore(%run_scoped3A_196 : memref<!tpu.dma_semaphore, #tpu.memory_space<semaphore_mem>>)
        %dma_wait3A_209 = arith.constant 0 : i32
        %dma_wait3A_210 = arith.constant 0 : i32
        %dma_wait3A_211 = tpu.memref_slice %arg9[%run_scoped3A_145, %dma_wait3A_209, %dma_wait3A_210] : memref<2x80x128xf32, #tpu.memory_space<vmem>> -> memref<1x80x128xf32, #tpu.memory_space<vmem>>
        %dma_wait3A_212 = tpu.memref_squeeze %dma_wait3A_211 : memref<1x80x128xf32, #tpu.memory_space<vmem>> -> memref<80x128xf32, #tpu.memory_space<vmem>>
        %dma_wait3A_213 = arith.constant 0 : i32
        %dma_wait3A_214 = tpu.memref_slice %arg10[%add3A_144, %dma_wait3A_213] : memref<10000x128xf32, #tpu.memory_space<vmem_shared>> -> memref<80x128xf32, #tpu.memory_space<vmem_shared>>
        %dma_wait3A_215 = arith.constant 0 : i32
        %dma_wait3A_216 = tpu.memref_slice %arg10[%add3A_144, %dma_wait3A_215] : memref<10000x128xf32, #tpu.memory_space<vmem_shared>> -> memref<80x128xf32, #tpu.memory_space<vmem_shared>>
        %dma_wait3A_217 = arith.constant 0 : i32
        %dma_wait3A_218 = arith.constant 0 : i32
        %dma_wait3A_219 = tpu.memref_slice %arg9[%run_scoped3A_145, %dma_wait3A_217, %dma_wait3A_218] : memref<2x80x128xf32, #tpu.memory_space<vmem>> -> memref<1x80x128xf32, #tpu.memory_space<vmem>>
        %dma_wait3A_220 = tpu.memref_squeeze %dma_wait3A_219 : memref<1x80x128xf32, #tpu.memory_space<vmem>> -> memref<80x128xf32, #tpu.memory_space<vmem>>
        tpu.wait_dma2 semaphore(%run_scoped3A_196 : memref<!tpu.dma_semaphore, #tpu.memory_space<semaphore_mem>>) src(%dma_wait3A_220 : memref<80x128xf32, #tpu.memory_space<vmem>>) dst(%dma_wait3A_216 : memref<80x128xf32, #tpu.memory_space<vmem_shared>>)
        tpu.yield
      }) : () -> ()
      %mul3A_146 = arith.constant 1000 : i32
      %mul3A_147 = arith.muli %arg1, %mul3A_146 : i32
      %add3A_148 = arith.constant 240 : i32
      %add3A_149 = arith.addi %mul3A_147, %add3A_148 : i32
      %run_scoped3A_150 = arith.constant 0 : i32
      "tpu.region"() ({
        %run_scoped3A_196 = tpu.sem_alloc : memref<!tpu.dma_semaphore, #tpu.memory_space<semaphore_mem>>
        %dma_start3A_197 = arith.constant 0 : i32
        %dma_start3A_198 = arith.constant 0 : i32
        %dma_start3A_199 = tpu.memref_slice %arg9[%run_scoped3A_150, %dma_start3A_197, %dma_start3A_198] : memref<2x80x128xf32, #tpu.memory_space<vmem>> -> memref<1x80x128xf32, #tpu.memory_space<vmem>>
        %dma_start3A_200 = tpu.memref_squeeze %dma_start3A_199 : memref<1x80x128xf32, #tpu.memory_space<vmem>> -> memref<80x128xf32, #tpu.memory_space<vmem>>
        %dma_start3A_201 = arith.constant 0 : i32
        %dma_start3A_202 = tpu.memref_slice %arg10[%add3A_149, %dma_start3A_201] : memref<10000x128xf32, #tpu.memory_space<vmem_shared>> -> memref<80x128xf32, #tpu.memory_space<vmem_shared>>
        %dma_start3A_203 = arith.constant 0 : i32
        %dma_start3A_204 = tpu.memref_slice %arg10[%add3A_149, %dma_start3A_203] : memref<10000x128xf32, #tpu.memory_space<vmem_shared>> -> memref<80x128xf32, #tpu.memory_space<vmem_shared>>
        %dma_start3A_205 = arith.constant 0 : i32
        %dma_start3A_206 = arith.constant 0 : i32
        %dma_start3A_207 = tpu.memref_slice %arg9[%run_scoped3A_150, %dma_start3A_205, %dma_start3A_206] : memref<2x80x128xf32, #tpu.memory_space<vmem>> -> memref<1x80x128xf32, #tpu.memory_space<vmem>>
        %dma_start3A_208 = tpu.memref_squeeze %dma_start3A_207 : memref<1x80x128xf32, #tpu.memory_space<vmem>> -> memref<80x128xf32, #tpu.memory_space<vmem>>
        tpu.enqueue_dma source(%dma_start3A_208 : memref<80x128xf32, #tpu.memory_space<vmem>>) target(%dma_start3A_204 : memref<80x128xf32, #tpu.memory_space<vmem_shared>>) target_semaphore(%run_scoped3A_196 : memref<!tpu.dma_semaphore, #tpu.memory_space<semaphore_mem>>)
        %dma_wait3A_209 = arith.constant 0 : i32
        %dma_wait3A_210 = arith.constant 0 : i32
        %dma_wait3A_211 = tpu.memref_slice %arg9[%run_scoped3A_150, %dma_wait3A_209, %dma_wait3A_210] : memref<2x80x128xf32, #tpu.memory_space<vmem>> -> memref<1x80x128xf32, #tpu.memory_space<vmem>>
        %dma_wait3A_212 = tpu.memref_squeeze %dma_wait3A_211 : memref<1x80x128xf32, #tpu.memory_space<vmem>> -> memref<80x128xf32, #tpu.memory_space<vmem>>
        %dma_wait3A_213 = arith.constant 0 : i32
        %dma_wait3A_214 = tpu.memref_slice %arg10[%add3A_149, %dma_wait3A_213] : memref<10000x128xf32, #tpu.memory_space<vmem_shared>> -> memref<80x128xf32, #tpu.memory_space<vmem_shared>>
        %dma_wait3A_215 = arith.constant 0 : i32
        %dma_wait3A_216 = tpu.memref_slice %arg10[%add3A_149, %dma_wait3A_215] : memref<10000x128xf32, #tpu.memory_space<vmem_shared>> -> memref<80x128xf32, #tpu.memory_space<vmem_shared>>
        %dma_wait3A_217 = arith.constant 0 : i32
        %dma_wait3A_218 = arith.constant 0 : i32
        %dma_wait3A_219 = tpu.memref_slice %arg9[%run_scoped3A_150, %dma_wait3A_217, %dma_wait3A_218] : memref<2x80x128xf32, #tpu.memory_space<vmem>> -> memref<1x80x128xf32, #tpu.memory_space<vmem>>
        %dma_wait3A_220 = tpu.memref_squeeze %dma_wait3A_219 : memref<1x80x128xf32, #tpu.memory_space<vmem>> -> memref<80x128xf32, #tpu.memory_space<vmem>>
        tpu.wait_dma2 semaphore(%run_scoped3A_196 : memref<!tpu.dma_semaphore, #tpu.memory_space<semaphore_mem>>) src(%dma_wait3A_220 : memref<80x128xf32, #tpu.memory_space<vmem>>) dst(%dma_wait3A_216 : memref<80x128xf32, #tpu.memory_space<vmem_shared>>)
        tpu.yield
      }) : () -> ()
      %mul3A_151 = arith.constant 1000 : i32
      %mul3A_152 = arith.muli %arg1, %mul3A_151 : i32
      %add3A_153 = arith.constant 320 : i32
      %add3A_154 = arith.addi %mul3A_152, %add3A_153 : i32
      %run_scoped3A_155 = arith.constant 0 : i32
      "tpu.region"() ({
        %run_scoped3A_196 = tpu.sem_alloc : memref<!tpu.dma_semaphore, #tpu.memory_space<semaphore_mem>>
        %dma_start3A_197 = arith.constant 0 : i32
        %dma_start3A_198 = arith.constant 0 : i32
        %dma_start3A_199 = tpu.memref_slice %arg9[%run_scoped3A_155, %dma_start3A_197, %dma_start3A_198] : memref<2x80x128xf32, #tpu.memory_space<vmem>> -> memref<1x80x128xf32, #tpu.memory_space<vmem>>
        %dma_start3A_200 = tpu.memref_squeeze %dma_start3A_199 : memref<1x80x128xf32, #tpu.memory_space<vmem>> -> memref<80x128xf32, #tpu.memory_space<vmem>>
        %dma_start3A_201 = arith.constant 0 : i32
        %dma_start3A_202 = tpu.memref_slice %arg10[%add3A_154, %dma_start3A_201] : memref<10000x128xf32, #tpu.memory_space<vmem_shared>> -> memref<80x128xf32, #tpu.memory_space<vmem_shared>>
        %dma_start3A_203 = arith.constant 0 : i32
        %dma_start3A_204 = tpu.memref_slice %arg10[%add3A_154, %dma_start3A_203] : memref<10000x128xf32, #tpu.memory_space<vmem_shared>> -> memref<80x128xf32, #tpu.memory_space<vmem_shared>>
        %dma_start3A_205 = arith.constant 0 : i32
        %dma_start3A_206 = arith.constant 0 : i32
        %dma_start3A_207 = tpu.memref_slice %arg9[%run_scoped3A_155, %dma_start3A_205, %dma_start3A_206] : memref<2x80x128xf32, #tpu.memory_space<vmem>> -> memref<1x80x128xf32, #tpu.memory_space<vmem>>
        %dma_start3A_208 = tpu.memref_squeeze %dma_start3A_207 : memref<1x80x128xf32, #tpu.memory_space<vmem>> -> memref<80x128xf32, #tpu.memory_space<vmem>>
        tpu.enqueue_dma source(%dma_start3A_208 : memref<80x128xf32, #tpu.memory_space<vmem>>) target(%dma_start3A_204 : memref<80x128xf32, #tpu.memory_space<vmem_shared>>) target_semaphore(%run_scoped3A_196 : memref<!tpu.dma_semaphore, #tpu.memory_space<semaphore_mem>>)
        %dma_wait3A_209 = arith.constant 0 : i32
        %dma_wait3A_210 = arith.constant 0 : i32
        %dma_wait3A_211 = tpu.memref_slice %arg9[%run_scoped3A_155, %dma_wait3A_209, %dma_wait3A_210] : memref<2x80x128xf32, #tpu.memory_space<vmem>> -> memref<1x80x128xf32, #tpu.memory_space<vmem>>
        %dma_wait3A_212 = tpu.memref_squeeze %dma_wait3A_211 : memref<1x80x128xf32, #tpu.memory_space<vmem>> -> memref<80x128xf32, #tpu.memory_space<vmem>>
        %dma_wait3A_213 = arith.constant 0 : i32
        %dma_wait3A_214 = tpu.memref_slice %arg10[%add3A_154, %dma_wait3A_213] : memref<10000x128xf32, #tpu.memory_space<vmem_shared>> -> memref<80x128xf32, #tpu.memory_space<vmem_shared>>
        %dma_wait3A_215 = arith.constant 0 : i32
        %dma_wait3A_216 = tpu.memref_slice %arg10[%add3A_154, %dma_wait3A_215] : memref<10000x128xf32, #tpu.memory_space<vmem_shared>> -> memref<80x128xf32, #tpu.memory_space<vmem_shared>>
        %dma_wait3A_217 = arith.constant 0 : i32
        %dma_wait3A_218 = arith.constant 0 : i32
        %dma_wait3A_219 = tpu.memref_slice %arg9[%run_scoped3A_155, %dma_wait3A_217, %dma_wait3A_218] : memref<2x80x128xf32, #tpu.memory_space<vmem>> -> memref<1x80x128xf32, #tpu.memory_space<vmem>>
        %dma_wait3A_220 = tpu.memref_squeeze %dma_wait3A_219 : memref<1x80x128xf32, #tpu.memory_space<vmem>> -> memref<80x128xf32, #tpu.memory_space<vmem>>
        tpu.wait_dma2 semaphore(%run_scoped3A_196 : memref<!tpu.dma_semaphore, #tpu.memory_space<semaphore_mem>>) src(%dma_wait3A_220 : memref<80x128xf32, #tpu.memory_space<vmem>>) dst(%dma_wait3A_216 : memref<80x128xf32, #tpu.memory_space<vmem_shared>>)
        tpu.yield
      }) : () -> ()
      %mul3A_156 = arith.constant 1000 : i32
      %mul3A_157 = arith.muli %arg1, %mul3A_156 : i32
      %add3A_158 = arith.constant 400 : i32
      %add3A_159 = arith.addi %mul3A_157, %add3A_158 : i32
      %run_scoped3A_160 = arith.constant 0 : i32
      "tpu.region"() ({
        %run_scoped3A_196 = tpu.sem_alloc : memref<!tpu.dma_semaphore, #tpu.memory_space<semaphore_mem>>
        %dma_start3A_197 = arith.constant 0 : i32
        %dma_start3A_198 = arith.constant 0 : i32
        %dma_start3A_199 = tpu.memref_slice %arg9[%run_scoped3A_160, %dma_start3A_197, %dma_start3A_198] : memref<2x80x128xf32, #tpu.memory_space<vmem>> -> memref<1x80x128xf32, #tpu.memory_space<vmem>>
        %dma_start3A_200 = tpu.memref_squeeze %dma_start3A_199 : memref<1x80x128xf32, #tpu.memory_space<vmem>> -> memref<80x128xf32, #tpu.memory_space<vmem>>
        %dma_start3A_201 = arith.constant 0 : i32
        %dma_start3A_202 = tpu.memref_slice %arg10[%add3A_159, %dma_start3A_201] : memref<10000x128xf32, #tpu.memory_space<vmem_shared>> -> memref<80x128xf32, #tpu.memory_space<vmem_shared>>
        %dma_start3A_203 = arith.constant 0 : i32
        %dma_start3A_204 = tpu.memref_slice %arg10[%add3A_159, %dma_start3A_203] : memref<10000x128xf32, #tpu.memory_space<vmem_shared>> -> memref<80x128xf32, #tpu.memory_space<vmem_shared>>
        %dma_start3A_205 = arith.constant 0 : i32
        %dma_start3A_206 = arith.constant 0 : i32
        %dma_start3A_207 = tpu.memref_slice %arg9[%run_scoped3A_160, %dma_start3A_205, %dma_start3A_206] : memref<2x80x128xf32, #tpu.memory_space<vmem>> -> memref<1x80x128xf32, #tpu.memory_space<vmem>>
        %dma_start3A_208 = tpu.memref_squeeze %dma_start3A_207 : memref<1x80x128xf32, #tpu.memory_space<vmem>> -> memref<80x128xf32, #tpu.memory_space<vmem>>
        tpu.enqueue_dma source(%dma_start3A_208 : memref<80x128xf32, #tpu.memory_space<vmem>>) target(%dma_start3A_204 : memref<80x128xf32, #tpu.memory_space<vmem_shared>>) target_semaphore(%run_scoped3A_196 : memref<!tpu.dma_semaphore, #tpu.memory_space<semaphore_mem>>)
        %dma_wait3A_209 = arith.constant 0 : i32
        %dma_wait3A_210 = arith.constant 0 : i32
        %dma_wait3A_211 = tpu.memref_slice %arg9[%run_scoped3A_160, %dma_wait3A_209, %dma_wait3A_210] : memref<2x80x128xf32, #tpu.memory_space<vmem>> -> memref<1x80x128xf32, #tpu.memory_space<vmem>>
        %dma_wait3A_212 = tpu.memref_squeeze %dma_wait3A_211 : memref<1x80x128xf32, #tpu.memory_space<vmem>> -> memref<80x128xf32, #tpu.memory_space<vmem>>
        %dma_wait3A_213 = arith.constant 0 : i32
        %dma_wait3A_214 = tpu.memref_slice %arg10[%add3A_159, %dma_wait3A_213] : memref<10000x128xf32, #tpu.memory_space<vmem_shared>> -> memref<80x128xf32, #tpu.memory_space<vmem_shared>>
        %dma_wait3A_215 = arith.constant 0 : i32
        %dma_wait3A_216 = tpu.memref_slice %arg10[%add3A_159, %dma_wait3A_215] : memref<10000x128xf32, #tpu.memory_space<vmem_shared>> -> memref<80x128xf32, #tpu.memory_space<vmem_shared>>
        %dma_wait3A_217 = arith.constant 0 : i32
        %dma_wait3A_218 = arith.constant 0 : i32
        %dma_wait3A_219 = tpu.memref_slice %arg9[%run_scoped3A_160, %dma_wait3A_217, %dma_wait3A_218] : memref<2x80x128xf32, #tpu.memory_space<vmem>> -> memref<1x80x128xf32, #tpu.memory_space<vmem>>
        %dma_wait3A_220 = tpu.memref_squeeze %dma_wait3A_219 : memref<1x80x128xf32, #tpu.memory_space<vmem>> -> memref<80x128xf32, #tpu.memory_space<vmem>>
        tpu.wait_dma2 semaphore(%run_scoped3A_196 : memref<!tpu.dma_semaphore, #tpu.memory_space<semaphore_mem>>) src(%dma_wait3A_220 : memref<80x128xf32, #tpu.memory_space<vmem>>) dst(%dma_wait3A_216 : memref<80x128xf32, #tpu.memory_space<vmem_shared>>)
        tpu.yield
      }) : () -> ()
      %mul3A_161 = arith.constant 1000 : i32
      %mul3A_162 = arith.muli %arg1, %mul3A_161 : i32
      %add3A_163 = arith.constant 480 : i32
      %add3A_164 = arith.addi %mul3A_162, %add3A_163 : i32
      %run_scoped3A_165 = arith.constant 0 : i32
      "tpu.region"() ({
        %run_scoped3A_196 = tpu.sem_alloc : memref<!tpu.dma_semaphore, #tpu.memory_space<semaphore_mem>>
        %dma_start3A_197 = arith.constant 0 : i32
        %dma_start3A_198 = arith.constant 0 : i32
        %dma_start3A_199 = tpu.memref_slice %arg9[%run_scoped3A_165, %dma_start3A_197, %dma_start3A_198] : memref<2x80x128xf32, #tpu.memory_space<vmem>> -> memref<1x80x128xf32, #tpu.memory_space<vmem>>
        %dma_start3A_200 = tpu.memref_squeeze %dma_start3A_199 : memref<1x80x128xf32, #tpu.memory_space<vmem>> -> memref<80x128xf32, #tpu.memory_space<vmem>>
        %dma_start3A_201 = arith.constant 0 : i32
        %dma_start3A_202 = tpu.memref_slice %arg10[%add3A_164, %dma_start3A_201] : memref<10000x128xf32, #tpu.memory_space<vmem_shared>> -> memref<80x128xf32, #tpu.memory_space<vmem_shared>>
        %dma_start3A_203 = arith.constant 0 : i32
        %dma_start3A_204 = tpu.memref_slice %arg10[%add3A_164, %dma_start3A_203] : memref<10000x128xf32, #tpu.memory_space<vmem_shared>> -> memref<80x128xf32, #tpu.memory_space<vmem_shared>>
        %dma_start3A_205 = arith.constant 0 : i32
        %dma_start3A_206 = arith.constant 0 : i32
        %dma_start3A_207 = tpu.memref_slice %arg9[%run_scoped3A_165, %dma_start3A_205, %dma_start3A_206] : memref<2x80x128xf32, #tpu.memory_space<vmem>> -> memref<1x80x128xf32, #tpu.memory_space<vmem>>
        %dma_start3A_208 = tpu.memref_squeeze %dma_start3A_207 : memref<1x80x128xf32, #tpu.memory_space<vmem>> -> memref<80x128xf32, #tpu.memory_space<vmem>>
        tpu.enqueue_dma source(%dma_start3A_208 : memref<80x128xf32, #tpu.memory_space<vmem>>) target(%dma_start3A_204 : memref<80x128xf32, #tpu.memory_space<vmem_shared>>) target_semaphore(%run_scoped3A_196 : memref<!tpu.dma_semaphore, #tpu.memory_space<semaphore_mem>>)
        %dma_wait3A_209 = arith.constant 0 : i32
        %dma_wait3A_210 = arith.constant 0 : i32
        %dma_wait3A_211 = tpu.memref_slice %arg9[%run_scoped3A_165, %dma_wait3A_209, %dma_wait3A_210] : memref<2x80x128xf32, #tpu.memory_space<vmem>> -> memref<1x80x128xf32, #tpu.memory_space<vmem>>
        %dma_wait3A_212 = tpu.memref_squeeze %dma_wait3A_211 : memref<1x80x128xf32, #tpu.memory_space<vmem>> -> memref<80x128xf32, #tpu.memory_space<vmem>>
        %dma_wait3A_213 = arith.constant 0 : i32
        %dma_wait3A_214 = tpu.memref_slice %arg10[%add3A_164, %dma_wait3A_213] : memref<10000x128xf32, #tpu.memory_space<vmem_shared>> -> memref<80x128xf32, #tpu.memory_space<vmem_shared>>
        %dma_wait3A_215 = arith.constant 0 : i32
        %dma_wait3A_216 = tpu.memref_slice %arg10[%add3A_164, %dma_wait3A_215] : memref<10000x128xf32, #tpu.memory_space<vmem_shared>> -> memref<80x128xf32, #tpu.memory_space<vmem_shared>>
        %dma_wait3A_217 = arith.constant 0 : i32
        %dma_wait3A_218 = arith.constant 0 : i32
        %dma_wait3A_219 = tpu.memref_slice %arg9[%run_scoped3A_165, %dma_wait3A_217, %dma_wait3A_218] : memref<2x80x128xf32, #tpu.memory_space<vmem>> -> memref<1x80x128xf32, #tpu.memory_space<vmem>>
        %dma_wait3A_220 = tpu.memref_squeeze %dma_wait3A_219 : memref<1x80x128xf32, #tpu.memory_space<vmem>> -> memref<80x128xf32, #tpu.memory_space<vmem>>
        tpu.wait_dma2 semaphore(%run_scoped3A_196 : memref<!tpu.dma_semaphore, #tpu.memory_space<semaphore_mem>>) src(%dma_wait3A_220 : memref<80x128xf32, #tpu.memory_space<vmem>>) dst(%dma_wait3A_216 : memref<80x128xf32, #tpu.memory_space<vmem_shared>>)
        tpu.yield
      }) : () -> ()
      %mul3A_166 = arith.constant 1000 : i32
      %mul3A_167 = arith.muli %arg1, %mul3A_166 : i32
      %add3A_168 = arith.constant 560 : i32
      %add3A_169 = arith.addi %mul3A_167, %add3A_168 : i32
      %run_scoped3A_170 = arith.constant 0 : i32
      "tpu.region"() ({
        %run_scoped3A_196 = tpu.sem_alloc : memref<!tpu.dma_semaphore, #tpu.memory_space<semaphore_mem>>
        %dma_start3A_197 = arith.constant 0 : i32
        %dma_start3A_198 = arith.constant 0 : i32
        %dma_start3A_199 = tpu.memref_slice %arg9[%run_scoped3A_170, %dma_start3A_197, %dma_start3A_198] : memref<2x80x128xf32, #tpu.memory_space<vmem>> -> memref<1x80x128xf32, #tpu.memory_space<vmem>>
        %dma_start3A_200 = tpu.memref_squeeze %dma_start3A_199 : memref<1x80x128xf32, #tpu.memory_space<vmem>> -> memref<80x128xf32, #tpu.memory_space<vmem>>
        %dma_start3A_201 = arith.constant 0 : i32
        %dma_start3A_202 = tpu.memref_slice %arg10[%add3A_169, %dma_start3A_201] : memref<10000x128xf32, #tpu.memory_space<vmem_shared>> -> memref<80x128xf32, #tpu.memory_space<vmem_shared>>
        %dma_start3A_203 = arith.constant 0 : i32
        %dma_start3A_204 = tpu.memref_slice %arg10[%add3A_169, %dma_start3A_203] : memref<10000x128xf32, #tpu.memory_space<vmem_shared>> -> memref<80x128xf32, #tpu.memory_space<vmem_shared>>
        %dma_start3A_205 = arith.constant 0 : i32
        %dma_start3A_206 = arith.constant 0 : i32
        %dma_start3A_207 = tpu.memref_slice %arg9[%run_scoped3A_170, %dma_start3A_205, %dma_start3A_206] : memref<2x80x128xf32, #tpu.memory_space<vmem>> -> memref<1x80x128xf32, #tpu.memory_space<vmem>>
        %dma_start3A_208 = tpu.memref_squeeze %dma_start3A_207 : memref<1x80x128xf32, #tpu.memory_space<vmem>> -> memref<80x128xf32, #tpu.memory_space<vmem>>
        tpu.enqueue_dma source(%dma_start3A_208 : memref<80x128xf32, #tpu.memory_space<vmem>>) target(%dma_start3A_204 : memref<80x128xf32, #tpu.memory_space<vmem_shared>>) target_semaphore(%run_scoped3A_196 : memref<!tpu.dma_semaphore, #tpu.memory_space<semaphore_mem>>)
        %dma_wait3A_209 = arith.constant 0 : i32
        %dma_wait3A_210 = arith.constant 0 : i32
        %dma_wait3A_211 = tpu.memref_slice %arg9[%run_scoped3A_170, %dma_wait3A_209, %dma_wait3A_210] : memref<2x80x128xf32, #tpu.memory_space<vmem>> -> memref<1x80x128xf32, #tpu.memory_space<vmem>>
        %dma_wait3A_212 = tpu.memref_squeeze %dma_wait3A_211 : memref<1x80x128xf32, #tpu.memory_space<vmem>> -> memref<80x128xf32, #tpu.memory_space<vmem>>
        %dma_wait3A_213 = arith.constant 0 : i32
        %dma_wait3A_214 = tpu.memref_slice %arg10[%add3A_169, %dma_wait3A_213] : memref<10000x128xf32, #tpu.memory_space<vmem_shared>> -> memref<80x128xf32, #tpu.memory_space<vmem_shared>>
        %dma_wait3A_215 = arith.constant 0 : i32
        %dma_wait3A_216 = tpu.memref_slice %arg10[%add3A_169, %dma_wait3A_215] : memref<10000x128xf32, #tpu.memory_space<vmem_shared>> -> memref<80x128xf32, #tpu.memory_space<vmem_shared>>
        %dma_wait3A_217 = arith.constant 0 : i32
        %dma_wait3A_218 = arith.constant 0 : i32
        %dma_wait3A_219 = tpu.memref_slice %arg9[%run_scoped3A_170, %dma_wait3A_217, %dma_wait3A_218] : memref<2x80x128xf32, #tpu.memory_space<vmem>> -> memref<1x80x128xf32, #tpu.memory_space<vmem>>
        %dma_wait3A_220 = tpu.memref_squeeze %dma_wait3A_219 : memref<1x80x128xf32, #tpu.memory_space<vmem>> -> memref<80x128xf32, #tpu.memory_space<vmem>>
        tpu.wait_dma2 semaphore(%run_scoped3A_196 : memref<!tpu.dma_semaphore, #tpu.memory_space<semaphore_mem>>) src(%dma_wait3A_220 : memref<80x128xf32, #tpu.memory_space<vmem>>) dst(%dma_wait3A_216 : memref<80x128xf32, #tpu.memory_space<vmem_shared>>)
        tpu.yield
      }) : () -> ()
      %mul3A_171 = arith.constant 1000 : i32
      %mul3A_172 = arith.muli %arg1, %mul3A_171 : i32
      %add3A_173 = arith.constant 640 : i32
      %add3A_174 = arith.addi %mul3A_172, %add3A_173 : i32
      %run_scoped3A_175 = arith.constant 0 : i32
      "tpu.region"() ({
        %run_scoped3A_196 = tpu.sem_alloc : memref<!tpu.dma_semaphore, #tpu.memory_space<semaphore_mem>>
        %dma_start3A_197 = arith.constant 0 : i32
        %dma_start3A_198 = arith.constant 0 : i32
        %dma_start3A_199 = tpu.memref_slice %arg9[%run_scoped3A_175, %dma_start3A_197, %dma_start3A_198] : memref<2x80x128xf32, #tpu.memory_space<vmem>> -> memref<1x80x128xf32, #tpu.memory_space<vmem>>
        %dma_start3A_200 = tpu.memref_squeeze %dma_start3A_199 : memref<1x80x128xf32, #tpu.memory_space<vmem>> -> memref<80x128xf32, #tpu.memory_space<vmem>>
        %dma_start3A_201 = arith.constant 0 : i32
        %dma_start3A_202 = tpu.memref_slice %arg10[%add3A_174, %dma_start3A_201] : memref<10000x128xf32, #tpu.memory_space<vmem_shared>> -> memref<80x128xf32, #tpu.memory_space<vmem_shared>>
        %dma_start3A_203 = arith.constant 0 : i32
        %dma_start3A_204 = tpu.memref_slice %arg10[%add3A_174, %dma_start3A_203] : memref<10000x128xf32, #tpu.memory_space<vmem_shared>> -> memref<80x128xf32, #tpu.memory_space<vmem_shared>>
        %dma_start3A_205 = arith.constant 0 : i32
        %dma_start3A_206 = arith.constant 0 : i32
        %dma_start3A_207 = tpu.memref_slice %arg9[%run_scoped3A_175, %dma_start3A_205, %dma_start3A_206] : memref<2x80x128xf32, #tpu.memory_space<vmem>> -> memref<1x80x128xf32, #tpu.memory_space<vmem>>
        %dma_start3A_208 = tpu.memref_squeeze %dma_start3A_207 : memref<1x80x128xf32, #tpu.memory_space<vmem>> -> memref<80x128xf32, #tpu.memory_space<vmem>>
        tpu.enqueue_dma source(%dma_start3A_208 : memref<80x128xf32, #tpu.memory_space<vmem>>) target(%dma_start3A_204 : memref<80x128xf32, #tpu.memory_space<vmem_shared>>) target_semaphore(%run_scoped3A_196 : memref<!tpu.dma_semaphore, #tpu.memory_space<semaphore_mem>>)
        %dma_wait3A_209 = arith.constant 0 : i32
        %dma_wait3A_210 = arith.constant 0 : i32
        %dma_wait3A_211 = tpu.memref_slice %arg9[%run_scoped3A_175, %dma_wait3A_209, %dma_wait3A_210] : memref<2x80x128xf32, #tpu.memory_space<vmem>> -> memref<1x80x128xf32, #tpu.memory_space<vmem>>
        %dma_wait3A_212 = tpu.memref_squeeze %dma_wait3A_211 : memref<1x80x128xf32, #tpu.memory_space<vmem>> -> memref<80x128xf32, #tpu.memory_space<vmem>>
        %dma_wait3A_213 = arith.constant 0 : i32
        %dma_wait3A_214 = tpu.memref_slice %arg10[%add3A_174, %dma_wait3A_213] : memref<10000x128xf32, #tpu.memory_space<vmem_shared>> -> memref<80x128xf32, #tpu.memory_space<vmem_shared>>
        %dma_wait3A_215 = arith.constant 0 : i32
        %dma_wait3A_216 = tpu.memref_slice %arg10[%add3A_174, %dma_wait3A_215] : memref<10000x128xf32, #tpu.memory_space<vmem_shared>> -> memref<80x128xf32, #tpu.memory_space<vmem_shared>>
        %dma_wait3A_217 = arith.constant 0 : i32
        %dma_wait3A_218 = arith.constant 0 : i32
        %dma_wait3A_219 = tpu.memref_slice %arg9[%run_scoped3A_175, %dma_wait3A_217, %dma_wait3A_218] : memref<2x80x128xf32, #tpu.memory_space<vmem>> -> memref<1x80x128xf32, #tpu.memory_space<vmem>>
        %dma_wait3A_220 = tpu.memref_squeeze %dma_wait3A_219 : memref<1x80x128xf32, #tpu.memory_space<vmem>> -> memref<80x128xf32, #tpu.memory_space<vmem>>
        tpu.wait_dma2 semaphore(%run_scoped3A_196 : memref<!tpu.dma_semaphore, #tpu.memory_space<semaphore_mem>>) src(%dma_wait3A_220 : memref<80x128xf32, #tpu.memory_space<vmem>>) dst(%dma_wait3A_216 : memref<80x128xf32, #tpu.memory_space<vmem_shared>>)
        tpu.yield
      }) : () -> ()
      %mul3A_176 = arith.constant 1000 : i32
      %mul3A_177 = arith.muli %arg1, %mul3A_176 : i32
      %add3A_178 = arith.constant 720 : i32
      %add3A_179 = arith.addi %mul3A_177, %add3A_178 : i32
      %run_scoped3A_180 = arith.constant 0 : i32
      "tpu.region"() ({
        %run_scoped3A_196 = tpu.sem_alloc : memref<!tpu.dma_semaphore, #tpu.memory_space<semaphore_mem>>
        %dma_start3A_197 = arith.constant 0 : i32
        %dma_start3A_198 = arith.constant 0 : i32
        %dma_start3A_199 = tpu.memref_slice %arg9[%run_scoped3A_180, %dma_start3A_197, %dma_start3A_198] : memref<2x80x128xf32, #tpu.memory_space<vmem>> -> memref<1x80x128xf32, #tpu.memory_space<vmem>>
        %dma_start3A_200 = tpu.memref_squeeze %dma_start3A_199 : memref<1x80x128xf32, #tpu.memory_space<vmem>> -> memref<80x128xf32, #tpu.memory_space<vmem>>
        %dma_start3A_201 = arith.constant 0 : i32
        %dma_start3A_202 = tpu.memref_slice %arg10[%add3A_179, %dma_start3A_201] : memref<10000x128xf32, #tpu.memory_space<vmem_shared>> -> memref<80x128xf32, #tpu.memory_space<vmem_shared>>
        %dma_start3A_203 = arith.constant 0 : i32
        %dma_start3A_204 = tpu.memref_slice %arg10[%add3A_179, %dma_start3A_203] : memref<10000x128xf32, #tpu.memory_space<vmem_shared>> -> memref<80x128xf32, #tpu.memory_space<vmem_shared>>
        %dma_start3A_205 = arith.constant 0 : i32
        %dma_start3A_206 = arith.constant 0 : i32
        %dma_start3A_207 = tpu.memref_slice %arg9[%run_scoped3A_180, %dma_start3A_205, %dma_start3A_206] : memref<2x80x128xf32, #tpu.memory_space<vmem>> -> memref<1x80x128xf32, #tpu.memory_space<vmem>>
        %dma_start3A_208 = tpu.memref_squeeze %dma_start3A_207 : memref<1x80x128xf32, #tpu.memory_space<vmem>> -> memref<80x128xf32, #tpu.memory_space<vmem>>
        tpu.enqueue_dma source(%dma_start3A_208 : memref<80x128xf32, #tpu.memory_space<vmem>>) target(%dma_start3A_204 : memref<80x128xf32, #tpu.memory_space<vmem_shared>>) target_semaphore(%run_scoped3A_196 : memref<!tpu.dma_semaphore, #tpu.memory_space<semaphore_mem>>)
        %dma_wait3A_209 = arith.constant 0 : i32
        %dma_wait3A_210 = arith.constant 0 : i32
        %dma_wait3A_211 = tpu.memref_slice %arg9[%run_scoped3A_180, %dma_wait3A_209, %dma_wait3A_210] : memref<2x80x128xf32, #tpu.memory_space<vmem>> -> memref<1x80x128xf32, #tpu.memory_space<vmem>>
        %dma_wait3A_212 = tpu.memref_squeeze %dma_wait3A_211 : memref<1x80x128xf32, #tpu.memory_space<vmem>> -> memref<80x128xf32, #tpu.memory_space<vmem>>
        %dma_wait3A_213 = arith.constant 0 : i32
        %dma_wait3A_214 = tpu.memref_slice %arg10[%add3A_179, %dma_wait3A_213] : memref<10000x128xf32, #tpu.memory_space<vmem_shared>> -> memref<80x128xf32, #tpu.memory_space<vmem_shared>>
        %dma_wait3A_215 = arith.constant 0 : i32
        %dma_wait3A_216 = tpu.memref_slice %arg10[%add3A_179, %dma_wait3A_215] : memref<10000x128xf32, #tpu.memory_space<vmem_shared>> -> memref<80x128xf32, #tpu.memory_space<vmem_shared>>
        %dma_wait3A_217 = arith.constant 0 : i32
        %dma_wait3A_218 = arith.constant 0 : i32
        %dma_wait3A_219 = tpu.memref_slice %arg9[%run_scoped3A_180, %dma_wait3A_217, %dma_wait3A_218] : memref<2x80x128xf32, #tpu.memory_space<vmem>> -> memref<1x80x128xf32, #tpu.memory_space<vmem>>
        %dma_wait3A_220 = tpu.memref_squeeze %dma_wait3A_219 : memref<1x80x128xf32, #tpu.memory_space<vmem>> -> memref<80x128xf32, #tpu.memory_space<vmem>>
        tpu.wait_dma2 semaphore(%run_scoped3A_196 : memref<!tpu.dma_semaphore, #tpu.memory_space<semaphore_mem>>) src(%dma_wait3A_220 : memref<80x128xf32, #tpu.memory_space<vmem>>) dst(%dma_wait3A_216 : memref<80x128xf32, #tpu.memory_space<vmem_shared>>)
        tpu.yield
      }) : () -> ()
      %mul3A_181 = arith.constant 1000 : i32
      %mul3A_182 = arith.muli %arg1, %mul3A_181 : i32
      %add3A_183 = arith.constant 800 : i32
      %add3A_184 = arith.addi %mul3A_182, %add3A_183 : i32
      %run_scoped3A_185 = arith.constant 0 : i32
      "tpu.region"() ({
        %run_scoped3A_196 = tpu.sem_alloc : memref<!tpu.dma_semaphore, #tpu.memory_space<semaphore_mem>>
        %dma_start3A_197 = arith.constant 0 : i32
        %dma_start3A_198 = arith.constant 0 : i32
        %dma_start3A_199 = tpu.memref_slice %arg9[%run_scoped3A_185, %dma_start3A_197, %dma_start3A_198] : memref<2x80x128xf32, #tpu.memory_space<vmem>> -> memref<1x80x128xf32, #tpu.memory_space<vmem>>
        %dma_start3A_200 = tpu.memref_squeeze %dma_start3A_199 : memref<1x80x128xf32, #tpu.memory_space<vmem>> -> memref<80x128xf32, #tpu.memory_space<vmem>>
        %dma_start3A_201 = arith.constant 0 : i32
        %dma_start3A_202 = tpu.memref_slice %arg10[%add3A_184, %dma_start3A_201] : memref<10000x128xf32, #tpu.memory_space<vmem_shared>> -> memref<80x128xf32, #tpu.memory_space<vmem_shared>>
        %dma_start3A_203 = arith.constant 0 : i32
        %dma_start3A_204 = tpu.memref_slice %arg10[%add3A_184, %dma_start3A_203] : memref<10000x128xf32, #tpu.memory_space<vmem_shared>> -> memref<80x128xf32, #tpu.memory_space<vmem_shared>>
        %dma_start3A_205 = arith.constant 0 : i32
        %dma_start3A_206 = arith.constant 0 : i32
        %dma_start3A_207 = tpu.memref_slice %arg9[%run_scoped3A_185, %dma_start3A_205, %dma_start3A_206] : memref<2x80x128xf32, #tpu.memory_space<vmem>> -> memref<1x80x128xf32, #tpu.memory_space<vmem>>
        %dma_start3A_208 = tpu.memref_squeeze %dma_start3A_207 : memref<1x80x128xf32, #tpu.memory_space<vmem>> -> memref<80x128xf32, #tpu.memory_space<vmem>>
        tpu.enqueue_dma source(%dma_start3A_208 : memref<80x128xf32, #tpu.memory_space<vmem>>) target(%dma_start3A_204 : memref<80x128xf32, #tpu.memory_space<vmem_shared>>) target_semaphore(%run_scoped3A_196 : memref<!tpu.dma_semaphore, #tpu.memory_space<semaphore_mem>>)
        %dma_wait3A_209 = arith.constant 0 : i32
        %dma_wait3A_210 = arith.constant 0 : i32
        %dma_wait3A_211 = tpu.memref_slice %arg9[%run_scoped3A_185, %dma_wait3A_209, %dma_wait3A_210] : memref<2x80x128xf32, #tpu.memory_space<vmem>> -> memref<1x80x128xf32, #tpu.memory_space<vmem>>
        %dma_wait3A_212 = tpu.memref_squeeze %dma_wait3A_211 : memref<1x80x128xf32, #tpu.memory_space<vmem>> -> memref<80x128xf32, #tpu.memory_space<vmem>>
        %dma_wait3A_213 = arith.constant 0 : i32
        %dma_wait3A_214 = tpu.memref_slice %arg10[%add3A_184, %dma_wait3A_213] : memref<10000x128xf32, #tpu.memory_space<vmem_shared>> -> memref<80x128xf32, #tpu.memory_space<vmem_shared>>
        %dma_wait3A_215 = arith.constant 0 : i32
        %dma_wait3A_216 = tpu.memref_slice %arg10[%add3A_184, %dma_wait3A_215] : memref<10000x128xf32, #tpu.memory_space<vmem_shared>> -> memref<80x128xf32, #tpu.memory_space<vmem_shared>>
        %dma_wait3A_217 = arith.constant 0 : i32
        %dma_wait3A_218 = arith.constant 0 : i32
        %dma_wait3A_219 = tpu.memref_slice %arg9[%run_scoped3A_185, %dma_wait3A_217, %dma_wait3A_218] : memref<2x80x128xf32, #tpu.memory_space<vmem>> -> memref<1x80x128xf32, #tpu.memory_space<vmem>>
        %dma_wait3A_220 = tpu.memref_squeeze %dma_wait3A_219 : memref<1x80x128xf32, #tpu.memory_space<vmem>> -> memref<80x128xf32, #tpu.memory_space<vmem>>
        tpu.wait_dma2 semaphore(%run_scoped3A_196 : memref<!tpu.dma_semaphore, #tpu.memory_space<semaphore_mem>>) src(%dma_wait3A_220 : memref<80x128xf32, #tpu.memory_space<vmem>>) dst(%dma_wait3A_216 : memref<80x128xf32, #tpu.memory_space<vmem_shared>>)
        tpu.yield
      }) : () -> ()
      %mul3A_186 = arith.constant 1000 : i32
      %mul3A_187 = arith.muli %arg1, %mul3A_186 : i32
      %add3A_188 = arith.constant 880 : i32
      %add3A_189 = arith.addi %mul3A_187, %add3A_188 : i32
      %run_scoped3A_190 = arith.constant 0 : i32
      "tpu.region"() ({
        %run_scoped3A_196 = tpu.sem_alloc : memref<!tpu.dma_semaphore, #tpu.memory_space<semaphore_mem>>
        %dma_start3A_197 = arith.constant 0 : i32
        %dma_start3A_198 = arith.constant 0 : i32
        %dma_start3A_199 = tpu.memref_slice %arg9[%run_scoped3A_190, %dma_start3A_197, %dma_start3A_198] : memref<2x80x128xf32, #tpu.memory_space<vmem>> -> memref<1x80x128xf32, #tpu.memory_space<vmem>>
        %dma_start3A_200 = tpu.memref_squeeze %dma_start3A_199 : memref<1x80x128xf32, #tpu.memory_space<vmem>> -> memref<80x128xf32, #tpu.memory_space<vmem>>
        %dma_start3A_201 = arith.constant 0 : i32
        %dma_start3A_202 = tpu.memref_slice %arg10[%add3A_189, %dma_start3A_201] : memref<10000x128xf32, #tpu.memory_space<vmem_shared>> -> memref<80x128xf32, #tpu.memory_space<vmem_shared>>
        %dma_start3A_203 = arith.constant 0 : i32
        %dma_start3A_204 = tpu.memref_slice %arg10[%add3A_189, %dma_start3A_203] : memref<10000x128xf32, #tpu.memory_space<vmem_shared>> -> memref<80x128xf32, #tpu.memory_space<vmem_shared>>
        %dma_start3A_205 = arith.constant 0 : i32
        %dma_start3A_206 = arith.constant 0 : i32
        %dma_start3A_207 = tpu.memref_slice %arg9[%run_scoped3A_190, %dma_start3A_205, %dma_start3A_206] : memref<2x80x128xf32, #tpu.memory_space<vmem>> -> memref<1x80x128xf32, #tpu.memory_space<vmem>>
        %dma_start3A_208 = tpu.memref_squeeze %dma_start3A_207 : memref<1x80x128xf32, #tpu.memory_space<vmem>> -> memref<80x128xf32, #tpu.memory_space<vmem>>
        tpu.enqueue_dma source(%dma_start3A_208 : memref<80x128xf32, #tpu.memory_space<vmem>>) target(%dma_start3A_204 : memref<80x128xf32, #tpu.memory_space<vmem_shared>>) target_semaphore(%run_scoped3A_196 : memref<!tpu.dma_semaphore, #tpu.memory_space<semaphore_mem>>)
        %dma_wait3A_209 = arith.constant 0 : i32
        %dma_wait3A_210 = arith.constant 0 : i32
        %dma_wait3A_211 = tpu.memref_slice %arg9[%run_scoped3A_190, %dma_wait3A_209, %dma_wait3A_210] : memref<2x80x128xf32, #tpu.memory_space<vmem>> -> memref<1x80x128xf32, #tpu.memory_space<vmem>>
        %dma_wait3A_212 = tpu.memref_squeeze %dma_wait3A_211 : memref<1x80x128xf32, #tpu.memory_space<vmem>> -> memref<80x128xf32, #tpu.memory_space<vmem>>
        %dma_wait3A_213 = arith.constant 0 : i32
        %dma_wait3A_214 = tpu.memref_slice %arg10[%add3A_189, %dma_wait3A_213] : memref<10000x128xf32, #tpu.memory_space<vmem_shared>> -> memref<80x128xf32, #tpu.memory_space<vmem_shared>>
        %dma_wait3A_215 = arith.constant 0 : i32
        %dma_wait3A_216 = tpu.memref_slice %arg10[%add3A_189, %dma_wait3A_215] : memref<10000x128xf32, #tpu.memory_space<vmem_shared>> -> memref<80x128xf32, #tpu.memory_space<vmem_shared>>
        %dma_wait3A_217 = arith.constant 0 : i32
        %dma_wait3A_218 = arith.constant 0 : i32
        %dma_wait3A_219 = tpu.memref_slice %arg9[%run_scoped3A_190, %dma_wait3A_217, %dma_wait3A_218] : memref<2x80x128xf32, #tpu.memory_space<vmem>> -> memref<1x80x128xf32, #tpu.memory_space<vmem>>
        %dma_wait3A_220 = tpu.memref_squeeze %dma_wait3A_219 : memref<1x80x128xf32, #tpu.memory_space<vmem>> -> memref<80x128xf32, #tpu.memory_space<vmem>>
        tpu.wait_dma2 semaphore(%run_scoped3A_196 : memref<!tpu.dma_semaphore, #tpu.memory_space<semaphore_mem>>) src(%dma_wait3A_220 : memref<80x128xf32, #tpu.memory_space<vmem>>) dst(%dma_wait3A_216 : memref<80x128xf32, #tpu.memory_space<vmem_shared>>)
        tpu.yield
      }) : () -> ()
      %mul3A_191 = arith.constant 1000 : i32
      %mul3A_192 = arith.muli %arg1, %mul3A_191 : i32
      %add3A_193 = arith.constant 960 : i32
      %add3A_194 = arith.addi %mul3A_192, %add3A_193 : i32
      %run_scoped3A_195 = arith.constant 0 : i32
      "tpu.region"() ({
        %run_scoped3A_196 = tpu.sem_alloc : memref<!tpu.dma_semaphore, #tpu.memory_space<semaphore_mem>>
        %dma_start3A_197 = arith.constant 0 : i32
        %dma_start3A_198 = arith.constant 0 : i32
        %dma_start3A_199 = tpu.memref_slice %arg9[%run_scoped3A_195, %dma_start3A_197, %dma_start3A_198] : memref<2x80x128xf32, #tpu.memory_space<vmem>> -> memref<1x80x128xf32, #tpu.memory_space<vmem>>
        %dma_start3A_200 = tpu.memref_squeeze %dma_start3A_199 : memref<1x80x128xf32, #tpu.memory_space<vmem>> -> memref<80x128xf32, #tpu.memory_space<vmem>>
        %dma_start3A_201 = arith.constant 0 : i32
        %dma_start3A_202 = arith.constant 0 : i32
        %dma_start3A_203 = tpu.memref_slice %dma_start3A_200[%dma_start3A_201, %dma_start3A_202] : memref<80x128xf32, #tpu.memory_space<vmem>> -> memref<40x128xf32, #tpu.memory_space<vmem>>
        %dma_start3A_204 = arith.constant 0 : i32
        %dma_start3A_205 = tpu.memref_slice %arg10[%add3A_194, %dma_start3A_204] : memref<10000x128xf32, #tpu.memory_space<vmem_shared>> -> memref<40x128xf32, #tpu.memory_space<vmem_shared>>
        %dma_start3A_206 = arith.constant 0 : i32
        %dma_start3A_207 = tpu.memref_slice %arg10[%add3A_194, %dma_start3A_206] : memref<10000x128xf32, #tpu.memory_space<vmem_shared>> -> memref<40x128xf32, #tpu.memory_space<vmem_shared>>
        %dma_start3A_208 = arith.constant 0 : i32
        %dma_start3A_209 = arith.constant 0 : i32
        %dma_start3A_210 = tpu.memref_slice %arg9[%run_scoped3A_195, %dma_start3A_208, %dma_start3A_209] : memref<2x80x128xf32, #tpu.memory_space<vmem>> -> memref<1x80x128xf32, #tpu.memory_space<vmem>>
        %dma_start3A_211 = tpu.memref_squeeze %dma_start3A_210 : memref<1x80x128xf32, #tpu.memory_space<vmem>> -> memref<80x128xf32, #tpu.memory_space<vmem>>
        %dma_start3A_212 = arith.constant 0 : i32
        %dma_start3A_213 = arith.constant 0 : i32
        %dma_start3A_214 = tpu.memref_slice %dma_start3A_211[%dma_start3A_212, %dma_start3A_213] : memref<80x128xf32, #tpu.memory_space<vmem>> -> memref<40x128xf32, #tpu.memory_space<vmem>>
        tpu.enqueue_dma source(%dma_start3A_214 : memref<40x128xf32, #tpu.memory_space<vmem>>) target(%dma_start3A_207 : memref<40x128xf32, #tpu.memory_space<vmem_shared>>) target_semaphore(%run_scoped3A_196 : memref<!tpu.dma_semaphore, #tpu.memory_space<semaphore_mem>>)
        %dma_wait3A_215 = arith.constant 0 : i32
        %dma_wait3A_216 = arith.constant 0 : i32
        %dma_wait3A_217 = tpu.memref_slice %arg9[%run_scoped3A_195, %dma_wait3A_215, %dma_wait3A_216] : memref<2x80x128xf32, #tpu.memory_space<vmem>> -> memref<1x80x128xf32, #tpu.memory_space<vmem>>
        %dma_wait3A_218 = tpu.memref_squeeze %dma_wait3A_217 : memref<1x80x128xf32, #tpu.memory_space<vmem>> -> memref<80x128xf32, #tpu.memory_space<vmem>>
        %dma_wait3A_219 = arith.constant 0 : i32
        %dma_wait3A_220 = arith.constant 0 : i32
        %dma_wait3A_221 = tpu.memref_slice %dma_wait3A_218[%dma_wait3A_219, %dma_wait3A_220] : memref<80x128xf32, #tpu.memory_space<vmem>> -> memref<40x128xf32, #tpu.memory_space<vmem>>
        %dma_wait3A_222 = arith.constant 0 : i32
        %dma_wait3A_223 = tpu.memref_slice %arg10[%add3A_194, %dma_wait3A_222] : memref<10000x128xf32, #tpu.memory_space<vmem_shared>> -> memref<40x128xf32, #tpu.memory_space<vmem_shared>>
        %dma_wait3A_224 = arith.constant 0 : i32
        %dma_wait3A_225 = tpu.memref_slice %arg10[%add3A_194, %dma_wait3A_224] : memref<10000x128xf32, #tpu.memory_space<vmem_shared>> -> memref<40x128xf32, #tpu.memory_space<vmem_shared>>
        %dma_wait3A_226 = arith.constant 0 : i32
        %dma_wait3A_227 = arith.constant 0 : i32
        %dma_wait3A_228 = tpu.memref_slice %arg9[%run_scoped3A_195, %dma_wait3A_226, %dma_wait3A_227] : memref<2x80x128xf32, #tpu.memory_space<vmem>> -> memref<1x80x128xf32, #tpu.memory_space<vmem>>
        %dma_wait3A_229 = tpu.memref_squeeze %dma_wait3A_228 : memref<1x80x128xf32, #tpu.memory_space<vmem>> -> memref<80x128xf32, #tpu.memory_space<vmem>>
        %dma_wait3A_230 = arith.constant 0 : i32
        %dma_wait3A_231 = arith.constant 0 : i32
        %dma_wait3A_232 = tpu.memref_slice %dma_wait3A_229[%dma_wait3A_230, %dma_wait3A_231] : memref<80x128xf32, #tpu.memory_space<vmem>> -> memref<40x128xf32, #tpu.memory_space<vmem>>
        tpu.wait_dma2 semaphore(%run_scoped3A_196 : memref<!tpu.dma_semaphore, #tpu.memory_space<semaphore_mem>>) src(%dma_wait3A_232 : memref<40x128xf32, #tpu.memory_space<vmem>>) dst(%dma_wait3A_225 : memref<40x128xf32, #tpu.memory_space<vmem_shared>>)
        tpu.yield
      }) : () -> ()
    } else {
    }
    %mul3A = arith.constant 16 : i32
    %mul3A_7 = arith.muli %arg0, %mul3A : i32
    %add3A = arith.addi %mul3A_7, %arg1 : i32
    %mul3A_8 = arith.constant 10000 : i32
    %mul3A_9 = arith.muli %add3A, %mul3A_8 : i32
    %barrier3A = arith.constant 0 : index
    tpu.barrier barrier_id(%barrier3A)
    %rem3A = arith.constant 0 : i32
    %rem3A_10 = arith.constant 3 : i32
    %rem3A_11 = arith.remsi %rem3A, %rem3A_10 : i32
    %add3A_12 = arith.constant 0 : i32
    %add3A_13 = arith.addi %mul3A_9, %add3A_12 : i32
    %dma_start3A = arith.constant 0 : i32
    %dma_start3A_14 = tpu.memref_slice %arg6[%rem3A_11, %dma_start3A] : memref<3x80xi32, #tpu.memory_space<vmem>> -> memref<1x80xi32, #tpu.memory_space<vmem>>
    %dma_start3A_15 = tpu.memref_squeeze %dma_start3A_14 : memref<1x80xi32, #tpu.memory_space<vmem>> -> memref<80xi32, #tpu.memory_space<vmem>>
    %dma_start3A_16 = tpu.memref_slice %arg4[%add3A_13] : memref<640000xi32, #tpu.memory_space<hbm>> -> memref<80xi32, #tpu.memory_space<hbm>>
    %dma_start3A_17 = tpu.memref_slice %arg12[%rem3A_11] : memref<3x!tpu.dma_semaphore, #tpu.memory_space<semaphore_mem>> -> memref<1x!tpu.dma_semaphore, #tpu.memory_space<semaphore_mem>>
    %dma_start3A_18 = tpu.memref_squeeze %dma_start3A_17 : memref<1x!tpu.dma_semaphore, #tpu.memory_space<semaphore_mem>> -> memref<!tpu.dma_semaphore, #tpu.memory_space<semaphore_mem>>
    %dma_start3A_19 = arith.constant 0 : i32
    %dma_start3A_20 = tpu.memref_slice %arg6[%rem3A_11, %dma_start3A_19] : memref<3x80xi32, #tpu.memory_space<vmem>> -> memref<1x80xi32, #tpu.memory_space<vmem>>
    %dma_start3A_21 = tpu.memref_squeeze %dma_start3A_20 : memref<1x80xi32, #tpu.memory_space<vmem>> -> memref<80xi32, #tpu.memory_space<vmem>>
    %dma_start3A_22 = tpu.memref_slice %arg4[%add3A_13] : memref<640000xi32, #tpu.memory_space<hbm>> -> memref<80xi32, #tpu.memory_space<hbm>>
    tpu.enqueue_dma source(%dma_start3A_22 : memref<80xi32, #tpu.memory_space<hbm>>) target(%dma_start3A_21 : memref<80xi32, #tpu.memory_space<vmem>>) target_semaphore(%dma_start3A_18 : memref<!tpu.dma_semaphore, #tpu.memory_space<semaphore_mem>>)
    %add3A_23 = arith.constant 320000 : i32
    %add3A_24 = arith.addi %add3A_23, %add3A_13 : i32
    %dma_start3A_25 = arith.constant 0 : i32
    %dma_start3A_26 = tpu.memref_slice %arg7[%rem3A_11, %dma_start3A_25] : memref<3x80xi32, #tpu.memory_space<vmem>> -> memref<1x80xi32, #tpu.memory_space<vmem>>
    %dma_start3A_27 = tpu.memref_squeeze %dma_start3A_26 : memref<1x80xi32, #tpu.memory_space<vmem>> -> memref<80xi32, #tpu.memory_space<vmem>>
    %dma_start3A_28 = tpu.memref_slice %arg4[%add3A_24] : memref<640000xi32, #tpu.memory_space<hbm>> -> memref<80xi32, #tpu.memory_space<hbm>>
    %dma_start3A_29 = tpu.memref_slice %arg12[%rem3A_11] : memref<3x!tpu.dma_semaphore, #tpu.memory_space<semaphore_mem>> -> memref<1x!tpu.dma_semaphore, #tpu.memory_space<semaphore_mem>>
    %dma_start3A_30 = tpu.memref_squeeze %dma_start3A_29 : memref<1x!tpu.dma_semaphore, #tpu.memory_space<semaphore_mem>> -> memref<!tpu.dma_semaphore, #tpu.memory_space<semaphore_mem>>
    %dma_start3A_31 = arith.constant 0 : i32
    %dma_start3A_32 = tpu.memref_slice %arg7[%rem3A_11, %dma_start3A_31] : memref<3x80xi32, #tpu.memory_space<vmem>> -> memref<1x80xi32, #tpu.memory_space<vmem>>
    %dma_start3A_33 = tpu.memref_squeeze %dma_start3A_32 : memref<1x80xi32, #tpu.memory_space<vmem>> -> memref<80xi32, #tpu.memory_space<vmem>>
    %dma_start3A_34 = tpu.memref_slice %arg4[%add3A_24] : memref<640000xi32, #tpu.memory_space<hbm>> -> memref<80xi32, #tpu.memory_space<hbm>>
    tpu.enqueue_dma source(%dma_start3A_34 : memref<80xi32, #tpu.memory_space<hbm>>) target(%dma_start3A_33 : memref<80xi32, #tpu.memory_space<vmem>>) target_semaphore(%dma_start3A_30 : memref<!tpu.dma_semaphore, #tpu.memory_space<semaphore_mem>>)
    %rem3A_35 = arith.constant 1 : i32
    %rem3A_36 = arith.constant 3 : i32
    %rem3A_37 = arith.remsi %rem3A_35, %rem3A_36 : i32
    %add3A_38 = arith.constant 80 : i32
    %add3A_39 = arith.addi %mul3A_9, %add3A_38 : i32
    %dma_start3A_40 = arith.constant 0 : i32
    %dma_start3A_41 = tpu.memref_slice %arg6[%rem3A_37, %dma_start3A_40] : memref<3x80xi32, #tpu.memory_space<vmem>> -> memref<1x80xi32, #tpu.memory_space<vmem>>
    %dma_start3A_42 = tpu.memref_squeeze %dma_start3A_41 : memref<1x80xi32, #tpu.memory_space<vmem>> -> memref<80xi32, #tpu.memory_space<vmem>>
    %dma_start3A_43 = tpu.memref_slice %arg4[%add3A_39] : memref<640000xi32, #tpu.memory_space<hbm>> -> memref<80xi32, #tpu.memory_space<hbm>>
    %dma_start3A_44 = tpu.memref_slice %arg12[%rem3A_37] : memref<3x!tpu.dma_semaphore, #tpu.memory_space<semaphore_mem>> -> memref<1x!tpu.dma_semaphore, #tpu.memory_space<semaphore_mem>>
    %dma_start3A_45 = tpu.memref_squeeze %dma_start3A_44 : memref<1x!tpu.dma_semaphore, #tpu.memory_space<semaphore_mem>> -> memref<!tpu.dma_semaphore, #tpu.memory_space<semaphore_mem>>
    %dma_start3A_46 = arith.constant 0 : i32
    %dma_start3A_47 = tpu.memref_slice %arg6[%rem3A_37, %dma_start3A_46] : memref<3x80xi32, #tpu.memory_space<vmem>> -> memref<1x80xi32, #tpu.memory_space<vmem>>
    %dma_start3A_48 = tpu.memref_squeeze %dma_start3A_47 : memref<1x80xi32, #tpu.memory_space<vmem>> -> memref<80xi32, #tpu.memory_space<vmem>>
    %dma_start3A_49 = tpu.memref_slice %arg4[%add3A_39] : memref<640000xi32, #tpu.memory_space<hbm>> -> memref<80xi32, #tpu.memory_space<hbm>>
    tpu.enqueue_dma source(%dma_start3A_49 : memref<80xi32, #tpu.memory_space<hbm>>) target(%dma_start3A_48 : memref<80xi32, #tpu.memory_space<vmem>>) target_semaphore(%dma_start3A_45 : memref<!tpu.dma_semaphore, #tpu.memory_space<semaphore_mem>>)
    %add3A_50 = arith.constant 320000 : i32
    %add3A_51 = arith.addi %add3A_50, %add3A_39 : i32
    %dma_start3A_52 = arith.constant 0 : i32
    %dma_start3A_53 = tpu.memref_slice %arg7[%rem3A_37, %dma_start3A_52] : memref<3x80xi32, #tpu.memory_space<vmem>> -> memref<1x80xi32, #tpu.memory_space<vmem>>
    %dma_start3A_54 = tpu.memref_squeeze %dma_start3A_53 : memref<1x80xi32, #tpu.memory_space<vmem>> -> memref<80xi32, #tpu.memory_space<vmem>>
    %dma_start3A_55 = tpu.memref_slice %arg4[%add3A_51] : memref<640000xi32, #tpu.memory_space<hbm>> -> memref<80xi32, #tpu.memory_space<hbm>>
    %dma_start3A_56 = tpu.memref_slice %arg12[%rem3A_37] : memref<3x!tpu.dma_semaphore, #tpu.memory_space<semaphore_mem>> -> memref<1x!tpu.dma_semaphore, #tpu.memory_space<semaphore_mem>>
    %dma_start3A_57 = tpu.memref_squeeze %dma_start3A_56 : memref<1x!tpu.dma_semaphore, #tpu.memory_space<semaphore_mem>> -> memref<!tpu.dma_semaphore, #tpu.memory_space<semaphore_mem>>
    %dma_start3A_58 = arith.constant 0 : i32
    %dma_start3A_59 = tpu.memref_slice %arg7[%rem3A_37, %dma_start3A_58] : memref<3x80xi32, #tpu.memory_space<vmem>> -> memref<1x80xi32, #tpu.memory_space<vmem>>
    %dma_start3A_60 = tpu.memref_squeeze %dma_start3A_59 : memref<1x80xi32, #tpu.memory_space<vmem>> -> memref<80xi32, #tpu.memory_space<vmem>>
    %dma_start3A_61 = tpu.memref_slice %arg4[%add3A_51] : memref<640000xi32, #tpu.memory_space<hbm>> -> memref<80xi32, #tpu.memory_space<hbm>>
    tpu.enqueue_dma source(%dma_start3A_61 : memref<80xi32, #tpu.memory_space<hbm>>) target(%dma_start3A_60 : memref<80xi32, #tpu.memory_space<vmem>>) target_semaphore(%dma_start3A_57 : memref<!tpu.dma_semaphore, #tpu.memory_space<semaphore_mem>>)
    %rem3A_62 = arith.constant 0 : i32
    %rem3A_63 = arith.constant 3 : i32
    %rem3A_64 = arith.remsi %rem3A_62, %rem3A_63 : i32
    %add3A_65 = arith.constant 0 : i32
    %add3A_66 = arith.addi %mul3A_9, %add3A_65 : i32
    %dma_wait3A = arith.constant 0 : i32
    %dma_wait3A_67 = tpu.memref_slice %arg6[%rem3A_64, %dma_wait3A] : memref<3x80xi32, #tpu.memory_space<vmem>> -> memref<1x80xi32, #tpu.memory_space<vmem>>
    %dma_wait3A_68 = tpu.memref_squeeze %dma_wait3A_67 : memref<1x80xi32, #tpu.memory_space<vmem>> -> memref<80xi32, #tpu.memory_space<vmem>>
    %dma_wait3A_69 = arith.constant 0 : i32
    %dma_wait3A_70 = tpu.memref_slice %arg4[%dma_wait3A_69] : memref<640000xi32, #tpu.memory_space<hbm>> -> memref<80xi32, #tpu.memory_space<hbm>>
    %dma_wait3A_71 = tpu.memref_slice %arg12[%rem3A_64] : memref<3x!tpu.dma_semaphore, #tpu.memory_space<semaphore_mem>> -> memref<1x!tpu.dma_semaphore, #tpu.memory_space<semaphore_mem>>
    %dma_wait3A_72 = tpu.memref_squeeze %dma_wait3A_71 : memref<1x!tpu.dma_semaphore, #tpu.memory_space<semaphore_mem>> -> memref<!tpu.dma_semaphore, #tpu.memory_space<semaphore_mem>>
    %dma_wait3A_73 = arith.constant 0 : i32
    %dma_wait3A_74 = tpu.memref_slice %arg6[%rem3A_64, %dma_wait3A_73] : memref<3x80xi32, #tpu.memory_space<vmem>> -> memref<1x80xi32, #tpu.memory_space<vmem>>
    %dma_wait3A_75 = tpu.memref_squeeze %dma_wait3A_74 : memref<1x80xi32, #tpu.memory_space<vmem>> -> memref<80xi32, #tpu.memory_space<vmem>>
    %dma_wait3A_76 = arith.constant 0 : i32
    %dma_wait3A_77 = tpu.memref_slice %arg4[%dma_wait3A_76] : memref<640000xi32, #tpu.memory_space<hbm>> -> memref<80xi32, #tpu.memory_space<hbm>>
    tpu.wait_dma2 semaphore(%dma_wait3A_72 : memref<!tpu.dma_semaphore, #tpu.memory_space<semaphore_mem>>) src(%dma_wait3A_77 : memref<80xi32, #tpu.memory_space<hbm>>) dst(%dma_wait3A_75 : memref<80xi32, #tpu.memory_space<vmem>>)
    %dma_wait3A_78 = arith.constant 0 : i32
    %dma_wait3A_79 = tpu.memref_slice %arg7[%rem3A_64, %dma_wait3A_78] : memref<3x80xi32, #tpu.memory_space<vmem>> -> memref<1x80xi32, #tpu.memory_space<vmem>>
    %dma_wait3A_80 = tpu.memref_squeeze %dma_wait3A_79 : memref<1x80xi32, #tpu.memory_space<vmem>> -> memref<80xi32, #tpu.memory_space<vmem>>
    %dma_wait3A_81 = arith.constant 0 : i32
    %dma_wait3A_82 = tpu.memref_slice %arg4[%dma_wait3A_81] : memref<640000xi32, #tpu.memory_space<hbm>> -> memref<80xi32, #tpu.memory_space<hbm>>
    %dma_wait3A_83 = tpu.memref_slice %arg12[%rem3A_64] : memref<3x!tpu.dma_semaphore, #tpu.memory_space<semaphore_mem>> -> memref<1x!tpu.dma_semaphore, #tpu.memory_space<semaphore_mem>>
    %dma_wait3A_84 = tpu.memref_squeeze %dma_wait3A_83 : memref<1x!tpu.dma_semaphore, #tpu.memory_space<semaphore_mem>> -> memref<!tpu.dma_semaphore, #tpu.memory_space<semaphore_mem>>
    %dma_wait3A_85 = arith.constant 0 : i32
    %dma_wait3A_86 = tpu.memref_slice %arg7[%rem3A_64, %dma_wait3A_85] : memref<3x80xi32, #tpu.memory_space<vmem>> -> memref<1x80xi32, #tpu.memory_space<vmem>>
    %dma_wait3A_87 = tpu.memref_squeeze %dma_wait3A_86 : memref<1x80xi32, #tpu.memory_space<vmem>> -> memref<80xi32, #tpu.memory_space<vmem>>
    %dma_wait3A_88 = arith.constant 0 : i32
    %dma_wait3A_89 = tpu.memref_slice %arg4[%dma_wait3A_88] : memref<640000xi32, #tpu.memory_space<hbm>> -> memref<80xi32, #tpu.memory_space<hbm>>
    tpu.wait_dma2 semaphore(%dma_wait3A_84 : memref<!tpu.dma_semaphore, #tpu.memory_space<semaphore_mem>>) src(%dma_wait3A_89 : memref<80xi32, #tpu.memory_space<hbm>>) dst(%dma_wait3A_87 : memref<80xi32, #tpu.memory_space<vmem>>)
    %dma_start3A_90 = arith.constant 0 : i32
    %dma_start3A_91 = arith.constant 0 : i32
    %dma_start3A_92 = arith.constant 0 : i32
    %dma_start3A_93 = arith.constant 0 : i32
    %dma_start3A_94 = tpu.memref_slice %arg8[%dma_start3A_90, %dma_start3A_92, %dma_start3A_93] : memref<2x80x128xf32, #tpu.memory_space<vmem>> -> memref<1x80x128xf32, #tpu.memory_space<vmem>>
    %dma_start3A_95 = tpu.memref_squeeze %dma_start3A_94 : memref<1x80x128xf32, #tpu.memory_space<vmem>> -> memref<80x128xf32, #tpu.memory_space<vmem>>
    %dma_start3A_96 = arith.constant 0 : i32
    %dma_start3A_97 = tpu.memref_slice %arg2[%add3A_66, %dma_start3A_96] : memref<320000x128xf32, #tpu.memory_space<hbm>> -> memref<80x128xf32, #tpu.memory_space<hbm>>
    %dma_start3A_98 = tpu.memref_slice %arg11[%dma_start3A_91] : memref<2x!tpu.dma_semaphore, #tpu.memory_space<semaphore_mem>> -> memref<1x!tpu.dma_semaphore, #tpu.memory_space<semaphore_mem>>
    %dma_start3A_99 = tpu.memref_squeeze %dma_start3A_98 : memref<1x!tpu.dma_semaphore, #tpu.memory_space<semaphore_mem>> -> memref<!tpu.dma_semaphore, #tpu.memory_space<semaphore_mem>>
    %dma_start3A_100 = arith.constant 0 : i32
    %dma_start3A_101 = arith.constant 0 : i32
    %dma_start3A_102 = tpu.memref_slice %arg8[%dma_start3A_90, %dma_start3A_100, %dma_start3A_101] : memref<2x80x128xf32, #tpu.memory_space<vmem>> -> memref<1x80x128xf32, #tpu.memory_space<vmem>>
    %dma_start3A_103 = tpu.memref_squeeze %dma_start3A_102 : memref<1x80x128xf32, #tpu.memory_space<vmem>> -> memref<80x128xf32, #tpu.memory_space<vmem>>
    %dma_start3A_104 = arith.constant 0 : i32
    %dma_start3A_105 = tpu.memref_slice %arg2[%add3A_66, %dma_start3A_104] : memref<320000x128xf32, #tpu.memory_space<hbm>> -> memref<80x128xf32, #tpu.memory_space<hbm>>
    tpu.enqueue_dma source(%dma_start3A_105 : memref<80x128xf32, #tpu.memory_space<hbm>>) target(%dma_start3A_103 : memref<80x128xf32, #tpu.memory_space<vmem>>) target_semaphore(%dma_start3A_99 : memref<!tpu.dma_semaphore, #tpu.memory_space<semaphore_mem>>)
    %dma_start3A_106 = arith.constant 0 : i32
    %dma_start3A_107 = arith.constant 0 : i32
    %dma_start3A_108 = arith.constant 0 : i32
    %dma_start3A_109 = arith.constant 0 : i32
    %dma_start3A_110 = tpu.memref_slice %arg9[%dma_start3A_106, %dma_start3A_108, %dma_start3A_109] : memref<2x80x128xf32, #tpu.memory_space<vmem>> -> memref<1x80x128xf32, #tpu.memory_space<vmem>>
    %dma_start3A_111 = tpu.memref_squeeze %dma_start3A_110 : memref<1x80x128xf32, #tpu.memory_space<vmem>> -> memref<80x128xf32, #tpu.memory_space<vmem>>
    %dma_start3A_112 = arith.constant 0 : i32
    %dma_start3A_113 = tpu.memref_slice %arg6[%rem3A_64, %dma_start3A_112] : memref<3x80xi32, #tpu.memory_space<vmem>> -> memref<1x80xi32, #tpu.memory_space<vmem>>
    %dma_start3A_114 = tpu.memref_squeeze %dma_start3A_113 : memref<1x80xi32, #tpu.memory_space<vmem>> -> memref<80xi32, #tpu.memory_space<vmem>>
    %dma_start3A_115 = arith.constant 0 : i32
    %dma_start3A_116 = arith.constant 0 : i32
    %dma_start3A_117 = tpu.memref_slice %arg3[%dma_start3A_115, %dma_start3A_116] : memref<10000x128xf32, #tpu.memory_space<hbm>> -> memref<10000x128xf32, #tpu.memory_space<hbm>>
    %dma_start3A_118 = tpu.memref_slice %arg11[%dma_start3A_107] : memref<2x!tpu.dma_semaphore, #tpu.memory_space<semaphore_mem>> -> memref<1x!tpu.dma_semaphore, #tpu.memory_space<semaphore_mem>>
    %dma_start3A_119 = tpu.memref_squeeze %dma_start3A_118 : memref<1x!tpu.dma_semaphore, #tpu.memory_space<semaphore_mem>> -> memref<!tpu.dma_semaphore, #tpu.memory_space<semaphore_mem>>
    tpu.enqueue_indirect_dma source(%dma_start3A_117 : memref<10000x128xf32, #tpu.memory_space<hbm>>) target(%dma_start3A_111 : memref<80x128xf32, #tpu.memory_space<vmem>>) offsets(%dma_start3A_114 : memref<80xi32, #tpu.memory_space<vmem>>) semaphore(%dma_start3A_119 : memref<!tpu.dma_semaphore, #tpu.memory_space<semaphore_mem>>)
    %scan3A_120 = arith.constant 0 : i32
    %scan3A_121 = arith.constant 0 : i32
    %scan3A_122 = arith.constant 125 : i32
    %scan3A_123 = arith.addi %scan3A_121, %scan3A_122 : i32
    %scan3A_124 = arith.constant 1 : i32
    scf.for %scan3A_132 = %scan3A_121 to %scan3A_123 step %scan3A_124  : i32 {
      %rem3A_133 = arith.constant 2 : i32
      %rem3A_134 = arith.remsi %scan3A_132, %rem3A_133 : i32
      %add3A_135 = arith.constant 2 : i32
      %add3A_136 = arith.addi %scan3A_132, %add3A_135 : i32
      %lt3A_137 = arith.constant 125 : i32
      %lt3A_138 = arith.cmpi slt, %add3A_136, %lt3A_137 : i32
      %convert_element_type3A_139 = arith.extui %lt3A_138 : i1 to i32
      %cond3A_140 = arith.constant 0 : i32
      %cond3A_141 = arith.cmpi ne, %convert_element_type3A_139, %cond3A_140 : i32
      scf.if %cond3A_141 {
        %add3A_183 = arith.constant 2 : i32
        %add3A_184 = arith.addi %scan3A_132, %add3A_183 : i32
        %rem3A_185 = arith.constant 3 : i32
        %rem3A_186 = arith.remsi %add3A_184, %rem3A_185 : i32
        %mul3A_187 = arith.constant 80 : i32
        %mul3A_188 = arith.muli %add3A_184, %mul3A_187 : i32
        %add3A_189 = arith.addi %mul3A_9, %mul3A_188 : i32
        %dma_start3A_190 = arith.constant 0 : i32
        %dma_start3A_191 = tpu.memref_slice %arg6[%rem3A_186, %dma_start3A_190] : memref<3x80xi32, #tpu.memory_space<vmem>> -> memref<1x80xi32, #tpu.memory_space<vmem>>
        %dma_start3A_192 = tpu.memref_squeeze %dma_start3A_191 : memref<1x80xi32, #tpu.memory_space<vmem>> -> memref<80xi32, #tpu.memory_space<vmem>>
        %dma_start3A_193 = tpu.memref_slice %arg4[%add3A_189] : memref<640000xi32, #tpu.memory_space<hbm>> -> memref<80xi32, #tpu.memory_space<hbm>>
        %dma_start3A_194 = tpu.memref_slice %arg12[%rem3A_186] : memref<3x!tpu.dma_semaphore, #tpu.memory_space<semaphore_mem>> -> memref<1x!tpu.dma_semaphore, #tpu.memory_space<semaphore_mem>>
        %dma_start3A_195 = tpu.memref_squeeze %dma_start3A_194 : memref<1x!tpu.dma_semaphore, #tpu.memory_space<semaphore_mem>> -> memref<!tpu.dma_semaphore, #tpu.memory_space<semaphore_mem>>
        %dma_start3A_196 = arith.constant 0 : i32
        %dma_start3A_197 = tpu.memref_slice %arg6[%rem3A_186, %dma_start3A_196] : memref<3x80xi32, #tpu.memory_space<vmem>> -> memref<1x80xi32, #tpu.memory_space<vmem>>
        %dma_start3A_198 = tpu.memref_squeeze %dma_start3A_197 : memref<1x80xi32, #tpu.memory_space<vmem>> -> memref<80xi32, #tpu.memory_space<vmem>>
        %dma_start3A_199 = tpu.memref_slice %arg4[%add3A_189] : memref<640000xi32, #tpu.memory_space<hbm>> -> memref<80xi32, #tpu.memory_space<hbm>>
        tpu.enqueue_dma source(%dma_start3A_199 : memref<80xi32, #tpu.memory_space<hbm>>) target(%dma_start3A_198 : memref<80xi32, #tpu.memory_space<vmem>>) target_semaphore(%dma_start3A_195 : memref<!tpu.dma_semaphore, #tpu.memory_space<semaphore_mem>>)
        %add3A_200 = arith.constant 320000 : i32
        %add3A_201 = arith.addi %add3A_200, %add3A_189 : i32
        %dma_start3A_202 = arith.constant 0 : i32
        %dma_start3A_203 = tpu.memref_slice %arg7[%rem3A_186, %dma_start3A_202] : memref<3x80xi32, #tpu.memory_space<vmem>> -> memref<1x80xi32, #tpu.memory_space<vmem>>
        %dma_start3A_204 = tpu.memref_squeeze %dma_start3A_203 : memref<1x80xi32, #tpu.memory_space<vmem>> -> memref<80xi32, #tpu.memory_space<vmem>>
        %dma_start3A_205 = tpu.memref_slice %arg4[%add3A_201] : memref<640000xi32, #tpu.memory_space<hbm>> -> memref<80xi32, #tpu.memory_space<hbm>>
        %dma_start3A_206 = tpu.memref_slice %arg12[%rem3A_186] : memref<3x!tpu.dma_semaphore, #tpu.memory_space<semaphore_mem>> -> memref<1x!tpu.dma_semaphore, #tpu.memory_space<semaphore_mem>>
        %dma_start3A_207 = tpu.memref_squeeze %dma_start3A_206 : memref<1x!tpu.dma_semaphore, #tpu.memory_space<semaphore_mem>> -> memref<!tpu.dma_semaphore, #tpu.memory_space<semaphore_mem>>
        %dma_start3A_208 = arith.constant 0 : i32
        %dma_start3A_209 = tpu.memref_slice %arg7[%rem3A_186, %dma_start3A_208] : memref<3x80xi32, #tpu.memory_space<vmem>> -> memref<1x80xi32, #tpu.memory_space<vmem>>
        %dma_start3A_210 = tpu.memref_squeeze %dma_start3A_209 : memref<1x80xi32, #tpu.memory_space<vmem>> -> memref<80xi32, #tpu.memory_space<vmem>>
        %dma_start3A_211 = tpu.memref_slice %arg4[%add3A_201] : memref<640000xi32, #tpu.memory_space<hbm>> -> memref<80xi32, #tpu.memory_space<hbm>>
        tpu.enqueue_dma source(%dma_start3A_211 : memref<80xi32, #tpu.memory_space<hbm>>) target(%dma_start3A_210 : memref<80xi32, #tpu.memory_space<vmem>>) target_semaphore(%dma_start3A_207 : memref<!tpu.dma_semaphore, #tpu.memory_space<semaphore_mem>>)
      } else {
      }
      %add3A_142 = arith.constant 1 : i32
      %add3A_143 = arith.addi %scan3A_132, %add3A_142 : i32
      %lt3A_144 = arith.constant 125 : i32
      %lt3A_145 = arith.cmpi slt, %add3A_143, %lt3A_144 : i32
      %convert_element_type3A_146 = arith.extui %lt3A_145 : i1 to i32
      %cond3A_147 = arith.constant 0 : i32
      %cond3A_148 = arith.cmpi ne, %convert_element_type3A_146, %cond3A_147 : i32
      scf.if %cond3A_148 {
        %add3A_183 = arith.constant 1 : i32
        %add3A_184 = arith.addi %scan3A_132, %add3A_183 : i32
        %sub3A = arith.constant 1 : i32
        %sub3A_185 = arith.subi %sub3A, %rem3A_134 : i32
        %rem3A_186 = arith.constant 3 : i32
        %rem3A_187 = arith.remsi %add3A_184, %rem3A_186 : i32
        %mul3A_188 = arith.constant 80 : i32
        %mul3A_189 = arith.muli %add3A_184, %mul3A_188 : i32
        %add3A_190 = arith.addi %mul3A_9, %mul3A_189 : i32
        %dma_wait3A_191 = arith.constant 0 : i32
        %dma_wait3A_192 = tpu.memref_slice %arg6[%rem3A_187, %dma_wait3A_191] : memref<3x80xi32, #tpu.memory_space<vmem>> -> memref<1x80xi32, #tpu.memory_space<vmem>>
        %dma_wait3A_193 = tpu.memref_squeeze %dma_wait3A_192 : memref<1x80xi32, #tpu.memory_space<vmem>> -> memref<80xi32, #tpu.memory_space<vmem>>
        %dma_wait3A_194 = arith.constant 0 : i32
        %dma_wait3A_195 = tpu.memref_slice %arg4[%dma_wait3A_194] : memref<640000xi32, #tpu.memory_space<hbm>> -> memref<80xi32, #tpu.memory_space<hbm>>
        %dma_wait3A_196 = tpu.memref_slice %arg12[%rem3A_187] : memref<3x!tpu.dma_semaphore, #tpu.memory_space<semaphore_mem>> -> memref<1x!tpu.dma_semaphore, #tpu.memory_space<semaphore_mem>>
        %dma_wait3A_197 = tpu.memref_squeeze %dma_wait3A_196 : memref<1x!tpu.dma_semaphore, #tpu.memory_space<semaphore_mem>> -> memref<!tpu.dma_semaphore, #tpu.memory_space<semaphore_mem>>
        %dma_wait3A_198 = arith.constant 0 : i32
        %dma_wait3A_199 = tpu.memref_slice %arg6[%rem3A_187, %dma_wait3A_198] : memref<3x80xi32, #tpu.memory_space<vmem>> -> memref<1x80xi32, #tpu.memory_space<vmem>>
        %dma_wait3A_200 = tpu.memref_squeeze %dma_wait3A_199 : memref<1x80xi32, #tpu.memory_space<vmem>> -> memref<80xi32, #tpu.memory_space<vmem>>
        %dma_wait3A_201 = arith.constant 0 : i32
        %dma_wait3A_202 = tpu.memref_slice %arg4[%dma_wait3A_201] : memref<640000xi32, #tpu.memory_space<hbm>> -> memref<80xi32, #tpu.memory_space<hbm>>
        tpu.wait_dma2 semaphore(%dma_wait3A_197 : memref<!tpu.dma_semaphore, #tpu.memory_space<semaphore_mem>>) src(%dma_wait3A_202 : memref<80xi32, #tpu.memory_space<hbm>>) dst(%dma_wait3A_200 : memref<80xi32, #tpu.memory_space<vmem>>)
        %dma_wait3A_203 = arith.constant 0 : i32
        %dma_wait3A_204 = tpu.memref_slice %arg7[%rem3A_187, %dma_wait3A_203] : memref<3x80xi32, #tpu.memory_space<vmem>> -> memref<1x80xi32, #tpu.memory_space<vmem>>
        %dma_wait3A_205 = tpu.memref_squeeze %dma_wait3A_204 : memref<1x80xi32, #tpu.memory_space<vmem>> -> memref<80xi32, #tpu.memory_space<vmem>>
        %dma_wait3A_206 = arith.constant 0 : i32
        %dma_wait3A_207 = tpu.memref_slice %arg4[%dma_wait3A_206] : memref<640000xi32, #tpu.memory_space<hbm>> -> memref<80xi32, #tpu.memory_space<hbm>>
        %dma_wait3A_208 = tpu.memref_slice %arg12[%rem3A_187] : memref<3x!tpu.dma_semaphore, #tpu.memory_space<semaphore_mem>> -> memref<1x!tpu.dma_semaphore, #tpu.memory_space<semaphore_mem>>
        %dma_wait3A_209 = tpu.memref_squeeze %dma_wait3A_208 : memref<1x!tpu.dma_semaphore, #tpu.memory_space<semaphore_mem>> -> memref<!tpu.dma_semaphore, #tpu.memory_space<semaphore_mem>>
        %dma_wait3A_210 = arith.constant 0 : i32
        %dma_wait3A_211 = tpu.memref_slice %arg7[%rem3A_187, %dma_wait3A_210] : memref<3x80xi32, #tpu.memory_space<vmem>> -> memref<1x80xi32, #tpu.memory_space<vmem>>
        %dma_wait3A_212 = tpu.memref_squeeze %dma_wait3A_211 : memref<1x80xi32, #tpu.memory_space<vmem>> -> memref<80xi32, #tpu.memory_space<vmem>>
        %dma_wait3A_213 = arith.constant 0 : i32
        %dma_wait3A_214 = tpu.memref_slice %arg4[%dma_wait3A_213] : memref<640000xi32, #tpu.memory_space<hbm>> -> memref<80xi32, #tpu.memory_space<hbm>>
        tpu.wait_dma2 semaphore(%dma_wait3A_209 : memref<!tpu.dma_semaphore, #tpu.memory_space<semaphore_mem>>) src(%dma_wait3A_214 : memref<80xi32, #tpu.memory_space<hbm>>) dst(%dma_wait3A_212 : memref<80xi32, #tpu.memory_space<vmem>>)
        %dma_start3A_215 = arith.constant 0 : i32
        %dma_start3A_216 = arith.constant 0 : i32
        %dma_start3A_217 = tpu.memref_slice %arg8[%sub3A_185, %dma_start3A_215, %dma_start3A_216] : memref<2x80x128xf32, #tpu.memory_space<vmem>> -> memref<1x80x128xf32, #tpu.memory_space<vmem>>
        %dma_start3A_218 = tpu.memref_squeeze %dma_start3A_217 : memref<1x80x128xf32, #tpu.memory_space<vmem>> -> memref<80x128xf32, #tpu.memory_space<vmem>>
        %dma_start3A_219 = arith.constant 0 : i32
        %dma_start3A_220 = tpu.memref_slice %arg2[%add3A_190, %dma_start3A_219] : memref<320000x128xf32, #tpu.memory_space<hbm>> -> memref<80x128xf32, #tpu.memory_space<hbm>>
        %dma_start3A_221 = tpu.memref_slice %arg11[%sub3A_185] : memref<2x!tpu.dma_semaphore, #tpu.memory_space<semaphore_mem>> -> memref<1x!tpu.dma_semaphore, #tpu.memory_space<semaphore_mem>>
        %dma_start3A_222 = tpu.memref_squeeze %dma_start3A_221 : memref<1x!tpu.dma_semaphore, #tpu.memory_space<semaphore_mem>> -> memref<!tpu.dma_semaphore, #tpu.memory_space<semaphore_mem>>
        %dma_start3A_223 = arith.constant 0 : i32
        %dma_start3A_224 = arith.constant 0 : i32
        %dma_start3A_225 = tpu.memref_slice %arg8[%sub3A_185, %dma_start3A_223, %dma_start3A_224] : memref<2x80x128xf32, #tpu.memory_space<vmem>> -> memref<1x80x128xf32, #tpu.memory_space<vmem>>
        %dma_start3A_226 = tpu.memref_squeeze %dma_start3A_225 : memref<1x80x128xf32, #tpu.memory_space<vmem>> -> memref<80x128xf32, #tpu.memory_space<vmem>>
        %dma_start3A_227 = arith.constant 0 : i32
        %dma_start3A_228 = tpu.memref_slice %arg2[%add3A_190, %dma_start3A_227] : memref<320000x128xf32, #tpu.memory_space<hbm>> -> memref<80x128xf32, #tpu.memory_space<hbm>>
        tpu.enqueue_dma source(%dma_start3A_228 : memref<80x128xf32, #tpu.memory_space<hbm>>) target(%dma_start3A_226 : memref<80x128xf32, #tpu.memory_space<vmem>>) target_semaphore(%dma_start3A_222 : memref<!tpu.dma_semaphore, #tpu.memory_space<semaphore_mem>>)
        %dma_start3A_229 = arith.constant 0 : i32
        %dma_start3A_230 = arith.constant 0 : i32
        %dma_start3A_231 = tpu.memref_slice %arg9[%sub3A_185, %dma_start3A_229, %dma_start3A_230] : memref<2x80x128xf32, #tpu.memory_space<vmem>> -> memref<1x80x128xf32, #tpu.memory_space<vmem>>
        %dma_start3A_232 = tpu.memref_squeeze %dma_start3A_231 : memref<1x80x128xf32, #tpu.memory_space<vmem>> -> memref<80x128xf32, #tpu.memory_space<vmem>>
        %dma_start3A_233 = arith.constant 0 : i32
        %dma_start3A_234 = tpu.memref_slice %arg6[%rem3A_187, %dma_start3A_233] : memref<3x80xi32, #tpu.memory_space<vmem>> -> memref<1x80xi32, #tpu.memory_space<vmem>>
        %dma_start3A_235 = tpu.memref_squeeze %dma_start3A_234 : memref<1x80xi32, #tpu.memory_space<vmem>> -> memref<80xi32, #tpu.memory_space<vmem>>
        %dma_start3A_236 = arith.constant 0 : i32
        %dma_start3A_237 = arith.constant 0 : i32
        %dma_start3A_238 = tpu.memref_slice %arg3[%dma_start3A_236, %dma_start3A_237] : memref<10000x128xf32, #tpu.memory_space<hbm>> -> memref<10000x128xf32, #tpu.memory_space<hbm>>
        %dma_start3A_239 = tpu.memref_slice %arg11[%sub3A_185] : memref<2x!tpu.dma_semaphore, #tpu.memory_space<semaphore_mem>> -> memref<1x!tpu.dma_semaphore, #tpu.memory_space<semaphore_mem>>
        %dma_start3A_240 = tpu.memref_squeeze %dma_start3A_239 : memref<1x!tpu.dma_semaphore, #tpu.memory_space<semaphore_mem>> -> memref<!tpu.dma_semaphore, #tpu.memory_space<semaphore_mem>>
        tpu.enqueue_indirect_dma source(%dma_start3A_238 : memref<10000x128xf32, #tpu.memory_space<hbm>>) target(%dma_start3A_232 : memref<80x128xf32, #tpu.memory_space<vmem>>) offsets(%dma_start3A_235 : memref<80xi32, #tpu.memory_space<vmem>>) semaphore(%dma_start3A_240 : memref<!tpu.dma_semaphore, #tpu.memory_space<semaphore_mem>>)
      } else {
      }
      %rem3A_149 = arith.constant 3 : i32
      %rem3A_150 = arith.remsi %scan3A_132, %rem3A_149 : i32
      %dma_wait3A_151 = arith.constant 0 : i32
      %dma_wait3A_152 = arith.constant 0 : i32
      %dma_wait3A_153 = tpu.memref_slice %arg8[%rem3A_134, %dma_wait3A_151, %dma_wait3A_152] : memref<2x80x128xf32, #tpu.memory_space<vmem>> -> memref<1x80x128xf32, #tpu.memory_space<vmem>>
      %dma_wait3A_154 = tpu.memref_squeeze %dma_wait3A_153 : memref<1x80x128xf32, #tpu.memory_space<vmem>> -> memref<80x128xf32, #tpu.memory_space<vmem>>
      %dma_wait3A_155 = arith.constant 0 : i32
      %dma_wait3A_156 = arith.constant 0 : i32
      %dma_wait3A_157 = tpu.memref_slice %arg2[%dma_wait3A_155, %dma_wait3A_156] : memref<320000x128xf32, #tpu.memory_space<hbm>> -> memref<80x128xf32, #tpu.memory_space<hbm>>
      %dma_wait3A_158 = tpu.memref_slice %arg11[%rem3A_134] : memref<2x!tpu.dma_semaphore, #tpu.memory_space<semaphore_mem>> -> memref<1x!tpu.dma_semaphore, #tpu.memory_space<semaphore_mem>>
      %dma_wait3A_159 = tpu.memref_squeeze %dma_wait3A_158 : memref<1x!tpu.dma_semaphore, #tpu.memory_space<semaphore_mem>> -> memref<!tpu.dma_semaphore, #tpu.memory_space<semaphore_mem>>
      %dma_wait3A_160 = arith.constant 0 : i32
      %dma_wait3A_161 = arith.constant 0 : i32
      %dma_wait3A_162 = tpu.memref_slice %arg8[%rem3A_134, %dma_wait3A_160, %dma_wait3A_161] : memref<2x80x128xf32, #tpu.memory_space<vmem>> -> memref<1x80x128xf32, #tpu.memory_space<vmem>>
      %dma_wait3A_163 = tpu.memref_squeeze %dma_wait3A_162 : memref<1x80x128xf32, #tpu.memory_space<vmem>> -> memref<80x128xf32, #tpu.memory_space<vmem>>
      %dma_wait3A_164 = arith.constant 0 : i32
      %dma_wait3A_165 = arith.constant 0 : i32
      %dma_wait3A_166 = tpu.memref_slice %arg2[%dma_wait3A_164, %dma_wait3A_165] : memref<320000x128xf32, #tpu.memory_space<hbm>> -> memref<80x128xf32, #tpu.memory_space<hbm>>
      tpu.wait_dma2 semaphore(%dma_wait3A_159 : memref<!tpu.dma_semaphore, #tpu.memory_space<semaphore_mem>>) src(%dma_wait3A_166 : memref<80x128xf32, #tpu.memory_space<hbm>>) dst(%dma_wait3A_163 : memref<80x128xf32, #tpu.memory_space<vmem>>)
      %dma_wait3A_167 = arith.constant 0 : i32
      %dma_wait3A_168 = arith.constant 0 : i32
      %dma_wait3A_169 = tpu.memref_slice %arg9[%rem3A_134, %dma_wait3A_167, %dma_wait3A_168] : memref<2x80x128xf32, #tpu.memory_space<vmem>> -> memref<1x80x128xf32, #tpu.memory_space<vmem>>
      %dma_wait3A_170 = tpu.memref_squeeze %dma_wait3A_169 : memref<1x80x128xf32, #tpu.memory_space<vmem>> -> memref<80x128xf32, #tpu.memory_space<vmem>>
      %dma_wait3A_171 = arith.constant 0 : i32
      %dma_wait3A_172 = arith.constant 0 : i32
      %dma_wait3A_173 = tpu.memref_slice %arg3[%dma_wait3A_171, %dma_wait3A_172] : memref<10000x128xf32, #tpu.memory_space<hbm>> -> memref<80x128xf32, #tpu.memory_space<hbm>>
      %dma_wait3A_174 = tpu.memref_slice %arg11[%rem3A_134] : memref<2x!tpu.dma_semaphore, #tpu.memory_space<semaphore_mem>> -> memref<1x!tpu.dma_semaphore, #tpu.memory_space<semaphore_mem>>
      %dma_wait3A_175 = tpu.memref_squeeze %dma_wait3A_174 : memref<1x!tpu.dma_semaphore, #tpu.memory_space<semaphore_mem>> -> memref<!tpu.dma_semaphore, #tpu.memory_space<semaphore_mem>>
      %dma_wait3A_176 = arith.constant 0 : i32
      %dma_wait3A_177 = arith.constant 0 : i32
      %dma_wait3A_178 = tpu.memref_slice %arg9[%rem3A_134, %dma_wait3A_176, %dma_wait3A_177] : memref<2x80x128xf32, #tpu.memory_space<vmem>> -> memref<1x80x128xf32, #tpu.memory_space<vmem>>
      %dma_wait3A_179 = tpu.memref_squeeze %dma_wait3A_178 : memref<1x80x128xf32, #tpu.memory_space<vmem>> -> memref<80x128xf32, #tpu.memory_space<vmem>>
      %dma_wait3A_180 = arith.constant 0 : i32
      %dma_wait3A_181 = arith.constant 0 : i32
      %dma_wait3A_182 = tpu.memref_slice %arg3[%dma_wait3A_180, %dma_wait3A_181] : memref<10000x128xf32, #tpu.memory_space<hbm>> -> memref<80x128xf32, #tpu.memory_space<hbm>>
      tpu.wait_dma2 semaphore(%dma_wait3A_175 : memref<!tpu.dma_semaphore, #tpu.memory_space<semaphore_mem>>) src(%dma_wait3A_182 : memref<80x128xf32, #tpu.memory_space<hbm>>) dst(%dma_wait3A_179 : memref<80x128xf32, #tpu.memory_space<vmem>>)
      "tpu.region"() ({
        %run_scoped3A = tpu.sem_alloc : memref<!tpu.dma_semaphore, #tpu.memory_space<semaphore_mem>>
        %dma_start3A_183 = arith.constant 0 : i32
        %dma_start3A_184 = arith.constant 0 : i32
        %dma_start3A_185 = tpu.memref_slice %arg8[%rem3A_134, %dma_start3A_183, %dma_start3A_184] : memref<2x80x128xf32, #tpu.memory_space<vmem>> -> memref<1x80x128xf32, #tpu.memory_space<vmem>>
        %dma_start3A_186 = tpu.memref_squeeze %dma_start3A_185 : memref<1x80x128xf32, #tpu.memory_space<vmem>> -> memref<80x128xf32, #tpu.memory_space<vmem>>
        %dma_start3A_187 = arith.constant 0 : i32
        %dma_start3A_188 = tpu.memref_slice %arg7[%rem3A_150, %dma_start3A_187] : memref<3x80xi32, #tpu.memory_space<vmem>> -> memref<1x80xi32, #tpu.memory_space<vmem>>
        %dma_start3A_189 = tpu.memref_squeeze %dma_start3A_188 : memref<1x80xi32, #tpu.memory_space<vmem>> -> memref<80xi32, #tpu.memory_space<vmem>>
        %dma_start3A_190 = arith.constant 0 : i32
        %dma_start3A_191 = arith.constant 0 : i32
        %dma_start3A_192 = tpu.memref_slice %arg10[%dma_start3A_190, %dma_start3A_191] : memref<10000x128xf32, #tpu.memory_space<vmem_shared>> -> memref<10000x128xf32, #tpu.memory_space<vmem_shared>>
        tpu.enqueue_indirect_dma source(%dma_start3A_186 : memref<80x128xf32, #tpu.memory_space<vmem>>) target(%dma_start3A_192 : memref<10000x128xf32, #tpu.memory_space<vmem_shared>>) offsets(%dma_start3A_189 : memref<80xi32, #tpu.memory_space<vmem>>) semaphore(%run_scoped3A : memref<!tpu.dma_semaphore, #tpu.memory_space<semaphore_mem>>) {add = true}
        %dma_wait3A_193 = arith.constant 0 : i32
        %dma_wait3A_194 = arith.constant 0 : i32
        %dma_wait3A_195 = tpu.memref_slice %arg8[%rem3A_134, %dma_wait3A_193, %dma_wait3A_194] : memref<2x80x128xf32, #tpu.memory_space<vmem>> -> memref<1x80x128xf32, #tpu.memory_space<vmem>>
        %dma_wait3A_196 = tpu.memref_squeeze %dma_wait3A_195 : memref<1x80x128xf32, #tpu.memory_space<vmem>> -> memref<80x128xf32, #tpu.memory_space<vmem>>
        %dma_wait3A_197 = arith.constant 0 : i32
        %dma_wait3A_198 = tpu.memref_slice %arg7[%rem3A_150, %dma_wait3A_197] : memref<3x80xi32, #tpu.memory_space<vmem>> -> memref<1x80xi32, #tpu.memory_space<vmem>>
        %dma_wait3A_199 = tpu.memref_squeeze %dma_wait3A_198 : memref<1x80xi32, #tpu.memory_space<vmem>> -> memref<80xi32, #tpu.memory_space<vmem>>
        %dma_wait3A_200 = arith.constant 0 : i32
        %dma_wait3A_201 = arith.constant 0 : i32
        %dma_wait3A_202 = tpu.memref_slice %arg10[%dma_wait3A_200, %dma_wait3A_201] : memref<10000x128xf32, #tpu.memory_space<vmem_shared>> -> memref<10000x128xf32, #tpu.memory_space<vmem_shared>>
        tpu.wait_indirect_dma semaphore(%run_scoped3A : memref<!tpu.dma_semaphore, #tpu.memory_space<semaphore_mem>>) src(%dma_wait3A_196 : memref<80x128xf32, #tpu.memory_space<vmem>>) dst(%dma_wait3A_202 : memref<10000x128xf32, #tpu.memory_space<vmem_shared>>)
        tpu.yield
      }) : () -> ()
      "tpu.region"() ({
        %run_scoped3A = tpu.sem_alloc : memref<!tpu.dma_semaphore, #tpu.memory_space<semaphore_mem>>
        %dma_start3A_183 = arith.constant 0 : i32
        %dma_start3A_184 = arith.constant 0 : i32
        %dma_start3A_185 = tpu.memref_slice %arg9[%rem3A_134, %dma_start3A_183, %dma_start3A_184] : memref<2x80x128xf32, #tpu.memory_space<vmem>> -> memref<1x80x128xf32, #tpu.memory_space<vmem>>
        %dma_start3A_186 = tpu.memref_squeeze %dma_start3A_185 : memref<1x80x128xf32, #tpu.memory_space<vmem>> -> memref<80x128xf32, #tpu.memory_space<vmem>>
        %dma_start3A_187 = arith.constant 0 : i32
        %dma_start3A_188 = tpu.memref_slice %arg7[%rem3A_150, %dma_start3A_187] : memref<3x80xi32, #tpu.memory_space<vmem>> -> memref<1x80xi32, #tpu.memory_space<vmem>>
        %dma_start3A_189 = tpu.memref_squeeze %dma_start3A_188 : memref<1x80xi32, #tpu.memory_space<vmem>> -> memref<80xi32, #tpu.memory_space<vmem>>
        %dma_start3A_190 = arith.constant 0 : i32
        %dma_start3A_191 = arith.constant 0 : i32
        %dma_start3A_192 = tpu.memref_slice %arg10[%dma_start3A_190, %dma_start3A_191] : memref<10000x128xf32, #tpu.memory_space<vmem_shared>> -> memref<10000x128xf32, #tpu.memory_space<vmem_shared>>
        tpu.enqueue_indirect_dma source(%dma_start3A_186 : memref<80x128xf32, #tpu.memory_space<vmem>>) target(%dma_start3A_192 : memref<10000x128xf32, #tpu.memory_space<vmem_shared>>) offsets(%dma_start3A_189 : memref<80xi32, #tpu.memory_space<vmem>>) semaphore(%run_scoped3A : memref<!tpu.dma_semaphore, #tpu.memory_space<semaphore_mem>>) {add = true}
        %dma_wait3A_193 = arith.constant 0 : i32
        %dma_wait3A_194 = arith.constant 0 : i32
        %dma_wait3A_195 = tpu.memref_slice %arg9[%rem3A_134, %dma_wait3A_193, %dma_wait3A_194] : memref<2x80x128xf32, #tpu.memory_space<vmem>> -> memref<1x80x128xf32, #tpu.memory_space<vmem>>
        %dma_wait3A_196 = tpu.memref_squeeze %dma_wait3A_195 : memref<1x80x128xf32, #tpu.memory_space<vmem>> -> memref<80x128xf32, #tpu.memory_space<vmem>>
        %dma_wait3A_197 = arith.constant 0 : i32
        %dma_wait3A_198 = tpu.memref_slice %arg7[%rem3A_150, %dma_wait3A_197] : memref<3x80xi32, #tpu.memory_space<vmem>> -> memref<1x80xi32, #tpu.memory_space<vmem>>
        %dma_wait3A_199 = tpu.memref_squeeze %dma_wait3A_198 : memref<1x80xi32, #tpu.memory_space<vmem>> -> memref<80xi32, #tpu.memory_space<vmem>>
        %dma_wait3A_200 = arith.constant 0 : i32
        %dma_wait3A_201 = arith.constant 0 : i32
        %dma_wait3A_202 = tpu.memref_slice %arg10[%dma_wait3A_200, %dma_wait3A_201] : memref<10000x128xf32, #tpu.memory_space<vmem_shared>> -> memref<10000x128xf32, #tpu.memory_space<vmem_shared>>
        tpu.wait_indirect_dma semaphore(%run_scoped3A : memref<!tpu.dma_semaphore, #tpu.memory_space<semaphore_mem>>) src(%dma_wait3A_196 : memref<80x128xf32, #tpu.memory_space<vmem>>) dst(%dma_wait3A_202 : memref<10000x128xf32, #tpu.memory_space<vmem_shared>>)
        tpu.yield
      }) : () -> ()
    }
    %scan3A_125 = arith.constant 125 : i32
    %barrier3A_126 = arith.constant 0 : index
    tpu.barrier barrier_id(%barrier3A_126)
    %lt3A_127 = arith.constant 10 : i32
    %lt3A_128 = arith.cmpi slt, %arg1, %lt3A_127 : i32
    %convert_element_type3A_129 = arith.extui %lt3A_128 : i1 to i32
    %cond3A_130 = arith.constant 0 : i32
    %cond3A_131 = arith.cmpi ne, %convert_element_type3A_129, %cond3A_130 : i32
    scf.if %cond3A_131 {
      %mul3A_132 = arith.constant 1000 : i32
      %mul3A_133 = arith.muli %arg1, %mul3A_132 : i32
      "tpu.region"() ({
        %run_scoped3A = tpu.sem_alloc : memref<!tpu.dma_semaphore, #tpu.memory_space<semaphore_mem>>
        %dma_start3A_134 = arith.constant 0 : i32
        %dma_start3A_135 = tpu.memref_slice %arg5[%arg0, %mul3A_133, %dma_start3A_134] : memref<2x10000x128xf32, #tpu.memory_space<hbm>> -> memref<1x1000x128xf32, #tpu.memory_space<hbm>>
        %dma_start3A_136 = tpu.memref_squeeze %dma_start3A_135 : memref<1x1000x128xf32, #tpu.memory_space<hbm>> -> memref<1000x128xf32, #tpu.memory_space<hbm>>
        %dma_start3A_137 = arith.constant 0 : i32
        %dma_start3A_138 = tpu.memref_slice %arg10[%mul3A_133, %dma_start3A_137] : memref<10000x128xf32, #tpu.memory_space<vmem_shared>> -> memref<1000x128xf32, #tpu.memory_space<vmem_shared>>
        tpu.enqueue_dma source(%dma_start3A_138 : memref<1000x128xf32, #tpu.memory_space<vmem_shared>>) target(%dma_start3A_136 : memref<1000x128xf32, #tpu.memory_space<hbm>>) target_semaphore(%run_scoped3A : memref<!tpu.dma_semaphore, #tpu.memory_space<semaphore_mem>>)
        %dma_wait3A_139 = arith.constant 0 : i32
        %dma_wait3A_140 = tpu.memref_slice %arg5[%arg0, %mul3A_133, %dma_wait3A_139] : memref<2x10000x128xf32, #tpu.memory_space<hbm>> -> memref<1x1000x128xf32, #tpu.memory_space<hbm>>
        %dma_wait3A_141 = tpu.memref_squeeze %dma_wait3A_140 : memref<1x1000x128xf32, #tpu.memory_space<hbm>> -> memref<1000x128xf32, #tpu.memory_space<hbm>>
        %dma_wait3A_142 = arith.constant 0 : i32
        %dma_wait3A_143 = tpu.memref_slice %arg10[%mul3A_133, %dma_wait3A_142] : memref<10000x128xf32, #tpu.memory_space<vmem_shared>> -> memref<1000x128xf32, #tpu.memory_space<vmem_shared>>
        tpu.wait_dma2 semaphore(%run_scoped3A : memref<!tpu.dma_semaphore, #tpu.memory_space<semaphore_mem>>) src(%dma_wait3A_143 : memref<1000x128xf32, #tpu.memory_space<vmem_shared>>) dst(%dma_wait3A_141 : memref<1000x128xf32, #tpu.memory_space<hbm>>)
        tpu.yield
      }) : () -> ()
    } else {
    }
    return
  }
}

#map = affine_map<(d0, d1) -> (0, 0)>
#map1 = affine_map<(d0, d1) -> (0)>
#map2 = affine_map<(d0, d1) -> (0, 0, 0)>
module attributes {stable_mosaic.version = 14 : i64} {
  func.func @body(%arg0: i32, %arg1: i32, %arg2: memref<10000x128xf32, #tpu.memory_space<hbm>>, %arg3: memref<640000xi32, #tpu.memory_space<hbm>>, %arg4: memref<2x10000x128xf32, #tpu.memory_space<hbm>>, %arg5: memref<10000xi32, #tpu.memory_space<vmem>>, %arg6: memref<2x80xi32, #tpu.memory_space<vmem>>, %arg7: memref<2x80x128xf32, #tpu.memory_space<vmem>>, %arg8: memref<10000x128xf32, #tpu.memory_space<vmem_shared>>, %arg9: memref<2x!tpu.dma_semaphore, #tpu.memory_space<semaphore_mem>>) attributes {dimension_semantics = [#tpu.dimension_semantics<core_parallel>, #tpu.dimension_semantics<subcore_parallel>], iteration_bounds = array<i64: 2, 16>, scalar_prefetch = 0 : i64, scratch_operands = 5 : i64, tpu.core_type = #tpu.core_type<sc_vector_subcore>, window_params = [{transform_indices = #map}, {transform_indices = #map1}, {transform_indices = #map2}]} {
    %scan3A = arith.constant 0 : i32
    %scan3A_0 = arith.constant 0 : i32
    %scan3A_1 = arith.constant 80 : i32
    %scan3A_2 = arith.addi %scan3A_0, %scan3A_1 : i32
    %scan3A_3 = arith.constant 1 : i32
    scf.for %scan3A_50 = %scan3A_0 to %scan3A_2 step %scan3A_3  : i32 {
      %broadcast_in_dim3A = arith.constant 0.000000e+00 : f32
      %broadcast_in_dim3A_51 = vector.broadcast %broadcast_in_dim3A : f32 to vector<16xf32>
      %swap3A = arith.constant 0 : i32
      %swap3A_52 = arith.index_cast %swap3A : i32 to index
      %swap3A_53 = arith.index_cast %scan3A_50 : i32 to index
      %swap3A_54 = arith.constant 0 : index
      %swap3A_55 = tpu.vector_load %arg7[%swap3A_52, %swap3A_53, %swap3A_54] {strides = array<i32>} : memref<2x80x128xf32, #tpu.memory_space<vmem>>, vector<1x1x16xf32>,
      %swap3A_56 = vector.shape_cast %swap3A_55 : vector<1x1x16xf32> to vector<16xf32>
      %swap3A_57 = vector.shape_cast %broadcast_in_dim3A_51 : vector<16xf32> to vector<1x1x16xf32>
      tpu.vector_store %arg7[%swap3A_52, %swap3A_53, %swap3A_54], %swap3A_57 {strides = array<i32>} : memref<2x80x128xf32, #tpu.memory_space<vmem>>, vector<1x1x16xf32>,
      %broadcast_in_dim3A_58 = arith.constant 0.000000e+00 : f32
      %broadcast_in_dim3A_59 = vector.broadcast %broadcast_in_dim3A_58 : f32 to vector<16xf32>
      %swap3A_60 = arith.constant 0 : i32
      %swap3A_61 = arith.index_cast %swap3A_60 : i32 to index
      %swap3A_62 = arith.index_cast %scan3A_50 : i32 to index
      %swap3A_63 = arith.constant 16 : index
      %swap3A_64 = tpu.vector_load %arg7[%swap3A_61, %swap3A_62, %swap3A_63] {strides = array<i32>} : memref<2x80x128xf32, #tpu.memory_space<vmem>>, vector<1x1x16xf32>,
      %swap3A_65 = vector.shape_cast %swap3A_64 : vector<1x1x16xf32> to vector<16xf32>
      %swap3A_66 = vector.shape_cast %broadcast_in_dim3A_59 : vector<16xf32> to vector<1x1x16xf32>
      tpu.vector_store %arg7[%swap3A_61, %swap3A_62, %swap3A_63], %swap3A_66 {strides = array<i32>} : memref<2x80x128xf32, #tpu.memory_space<vmem>>, vector<1x1x16xf32>,
      %broadcast_in_dim3A_67 = arith.constant 0.000000e+00 : f32
      %broadcast_in_dim3A_68 = vector.broadcast %broadcast_in_dim3A_67 : f32 to vector<16xf32>
      %swap3A_69 = arith.constant 0 : i32
      %swap3A_70 = arith.index_cast %swap3A_69 : i32 to index
      %swap3A_71 = arith.index_cast %scan3A_50 : i32 to index
      %swap3A_72 = arith.constant 32 : index
      %swap3A_73 = tpu.vector_load %arg7[%swap3A_70, %swap3A_71, %swap3A_72] {strides = array<i32>} : memref<2x80x128xf32, #tpu.memory_space<vmem>>, vector<1x1x16xf32>,
      %swap3A_74 = vector.shape_cast %swap3A_73 : vector<1x1x16xf32> to vector<16xf32>
      %swap3A_75 = vector.shape_cast %broadcast_in_dim3A_68 : vector<16xf32> to vector<1x1x16xf32>
      tpu.vector_store %arg7[%swap3A_70, %swap3A_71, %swap3A_72], %swap3A_75 {strides = array<i32>} : memref<2x80x128xf32, #tpu.memory_space<vmem>>, vector<1x1x16xf32>,
      %broadcast_in_dim3A_76 = arith.constant 0.000000e+00 : f32
      %broadcast_in_dim3A_77 = vector.broadcast %broadcast_in_dim3A_76 : f32 to vector<16xf32>
      %swap3A_78 = arith.constant 0 : i32
      %swap3A_79 = arith.index_cast %swap3A_78 : i32 to index
      %swap3A_80 = arith.index_cast %scan3A_50 : i32 to index
      %swap3A_81 = arith.constant 48 : index
      %swap3A_82 = tpu.vector_load %arg7[%swap3A_79, %swap3A_80, %swap3A_81] {strides = array<i32>} : memref<2x80x128xf32, #tpu.memory_space<vmem>>, vector<1x1x16xf32>,
      %swap3A_83 = vector.shape_cast %swap3A_82 : vector<1x1x16xf32> to vector<16xf32>
      %swap3A_84 = vector.shape_cast %broadcast_in_dim3A_77 : vector<16xf32> to vector<1x1x16xf32>
      tpu.vector_store %arg7[%swap3A_79, %swap3A_80, %swap3A_81], %swap3A_84 {strides = array<i32>} : memref<2x80x128xf32, #tpu.memory_space<vmem>>, vector<1x1x16xf32>,
      %broadcast_in_dim3A_85 = arith.constant 0.000000e+00 : f32
      %broadcast_in_dim3A_86 = vector.broadcast %broadcast_in_dim3A_85 : f32 to vector<16xf32>
      %swap3A_87 = arith.constant 0 : i32
      %swap3A_88 = arith.index_cast %swap3A_87 : i32 to index
      %swap3A_89 = arith.index_cast %scan3A_50 : i32 to index
      %swap3A_90 = arith.constant 64 : index
      %swap3A_91 = tpu.vector_load %arg7[%swap3A_88, %swap3A_89, %swap3A_90] {strides = array<i32>} : memref<2x80x128xf32, #tpu.memory_space<vmem>>, vector<1x1x16xf32>,
      %swap3A_92 = vector.shape_cast %swap3A_91 : vector<1x1x16xf32> to vector<16xf32>
      %swap3A_93 = vector.shape_cast %broadcast_in_dim3A_86 : vector<16xf32> to vector<1x1x16xf32>
      tpu.vector_store %arg7[%swap3A_88, %swap3A_89, %swap3A_90], %swap3A_93 {strides = array<i32>} : memref<2x80x128xf32, #tpu.memory_space<vmem>>, vector<1x1x16xf32>,
      %broadcast_in_dim3A_94 = arith.constant 0.000000e+00 : f32
      %broadcast_in_dim3A_95 = vector.broadcast %broadcast_in_dim3A_94 : f32 to vector<16xf32>
      %swap3A_96 = arith.constant 0 : i32
      %swap3A_97 = arith.index_cast %swap3A_96 : i32 to index
      %swap3A_98 = arith.index_cast %scan3A_50 : i32 to index
      %swap3A_99 = arith.constant 80 : index
      %swap3A_100 = tpu.vector_load %arg7[%swap3A_97, %swap3A_98, %swap3A_99] {strides = array<i32>} : memref<2x80x128xf32, #tpu.memory_space<vmem>>, vector<1x1x16xf32>,
      %swap3A_101 = vector.shape_cast %swap3A_100 : vector<1x1x16xf32> to vector<16xf32>
      %swap3A_102 = vector.shape_cast %broadcast_in_dim3A_95 : vector<16xf32> to vector<1x1x16xf32>
      tpu.vector_store %arg7[%swap3A_97, %swap3A_98, %swap3A_99], %swap3A_102 {strides = array<i32>} : memref<2x80x128xf32, #tpu.memory_space<vmem>>, vector<1x1x16xf32>,
      %broadcast_in_dim3A_103 = arith.constant 0.000000e+00 : f32
      %broadcast_in_dim3A_104 = vector.broadcast %broadcast_in_dim3A_103 : f32 to vector<16xf32>
      %swap3A_105 = arith.constant 0 : i32
      %swap3A_106 = arith.index_cast %swap3A_105 : i32 to index
      %swap3A_107 = arith.index_cast %scan3A_50 : i32 to index
      %swap3A_108 = arith.constant 96 : index
      %swap3A_109 = tpu.vector_load %arg7[%swap3A_106, %swap3A_107, %swap3A_108] {strides = array<i32>} : memref<2x80x128xf32, #tpu.memory_space<vmem>>, vector<1x1x16xf32>,
      %swap3A_110 = vector.shape_cast %swap3A_109 : vector<1x1x16xf32> to vector<16xf32>
      %swap3A_111 = vector.shape_cast %broadcast_in_dim3A_104 : vector<16xf32> to vector<1x1x16xf32>
      tpu.vector_store %arg7[%swap3A_106, %swap3A_107, %swap3A_108], %swap3A_111 {strides = array<i32>} : memref<2x80x128xf32, #tpu.memory_space<vmem>>, vector<1x1x16xf32>,
      %broadcast_in_dim3A_112 = arith.constant 0.000000e+00 : f32
      %broadcast_in_dim3A_113 = vector.broadcast %broadcast_in_dim3A_112 : f32 to vector<16xf32>
      %swap3A_114 = arith.constant 0 : i32
      %swap3A_115 = arith.index_cast %swap3A_114 : i32 to index
      %swap3A_116 = arith.index_cast %scan3A_50 : i32 to index
      %swap3A_117 = arith.constant 112 : index
      %swap3A_118 = tpu.vector_load %arg7[%swap3A_115, %swap3A_116, %swap3A_117] {strides = array<i32>} : memref<2x80x128xf32, #tpu.memory_space<vmem>>, vector<1x1x16xf32>,
      %swap3A_119 = vector.shape_cast %swap3A_118 : vector<1x1x16xf32> to vector<16xf32>
      %swap3A_120 = vector.shape_cast %broadcast_in_dim3A_113 : vector<16xf32> to vector<1x1x16xf32>
      tpu.vector_store %arg7[%swap3A_115, %swap3A_116, %swap3A_117], %swap3A_120 {strides = array<i32>} : memref<2x80x128xf32, #tpu.memory_space<vmem>>, vector<1x1x16xf32>,
    }
    %scan3A_4 = arith.constant 80 : i32
    %lt3A = arith.constant 10 : i32
    %lt3A_5 = arith.cmpi slt, %arg1, %lt3A : i32
    %convert_element_type3A = arith.extui %lt3A_5 : i1 to i32
    %cond3A = arith.constant 0 : i32
    %cond3A_6 = arith.cmpi ne, %convert_element_type3A, %cond3A : i32
    scf.if %cond3A_6 {
      %mul3A_50 = arith.constant 1000 : i32
      %mul3A_51 = arith.muli %arg1, %mul3A_50 : i32
      %add3A_52 = arith.constant 0 : i32
      %add3A_53 = arith.addi %mul3A_51, %add3A_52 : i32
      %run_scoped3A = arith.constant 0 : i32
      "tpu.region"() ({
        %run_scoped3A_114 = tpu.sem_alloc : memref<!tpu.dma_semaphore, #tpu.memory_space<semaphore_mem>>
        %dma_start3A_115 = arith.constant 0 : i32
        %dma_start3A_116 = arith.constant 0 : i32
        %dma_start3A_117 = tpu.memref_slice %arg7[%run_scoped3A, %dma_start3A_115, %dma_start3A_116] : memref<2x80x128xf32, #tpu.memory_space<vmem>> -> memref<1x80x128xf32, #tpu.memory_space<vmem>>
        %dma_start3A_118 = tpu.memref_squeeze %dma_start3A_117 : memref<1x80x128xf32, #tpu.memory_space<vmem>> -> memref<80x128xf32, #tpu.memory_space<vmem>>
        %dma_start3A_119 = arith.constant 0 : i32
        %dma_start3A_120 = tpu.memref_slice %arg8[%add3A_53, %dma_start3A_119] : memref<10000x128xf32, #tpu.memory_space<vmem_shared>> -> memref<80x128xf32, #tpu.memory_space<vmem_shared>>
        %dma_start3A_121 = arith.constant 0 : i32
        %dma_start3A_122 = tpu.memref_slice %arg8[%add3A_53, %dma_start3A_121] : memref<10000x128xf32, #tpu.memory_space<vmem_shared>> -> memref<80x128xf32, #tpu.memory_space<vmem_shared>>
        %dma_start3A_123 = arith.constant 0 : i32
        %dma_start3A_124 = arith.constant 0 : i32
        %dma_start3A_125 = tpu.memref_slice %arg7[%run_scoped3A, %dma_start3A_123, %dma_start3A_124] : memref<2x80x128xf32, #tpu.memory_space<vmem>> -> memref<1x80x128xf32, #tpu.memory_space<vmem>>
        %dma_start3A_126 = tpu.memref_squeeze %dma_start3A_125 : memref<1x80x128xf32, #tpu.memory_space<vmem>> -> memref<80x128xf32, #tpu.memory_space<vmem>>
        tpu.enqueue_dma source(%dma_start3A_126 : memref<80x128xf32, #tpu.memory_space<vmem>>) target(%dma_start3A_122 : memref<80x128xf32, #tpu.memory_space<vmem_shared>>) target_semaphore(%run_scoped3A_114 : memref<!tpu.dma_semaphore, #tpu.memory_space<semaphore_mem>>)
        %dma_wait3A = arith.constant 0 : i32
        %dma_wait3A_127 = arith.constant 0 : i32
        %dma_wait3A_128 = tpu.memref_slice %arg7[%run_scoped3A, %dma_wait3A, %dma_wait3A_127] : memref<2x80x128xf32, #tpu.memory_space<vmem>> -> memref<1x80x128xf32, #tpu.memory_space<vmem>>
        %dma_wait3A_129 = tpu.memref_squeeze %dma_wait3A_128 : memref<1x80x128xf32, #tpu.memory_space<vmem>> -> memref<80x128xf32, #tpu.memory_space<vmem>>
        %dma_wait3A_130 = arith.constant 0 : i32
        %dma_wait3A_131 = tpu.memref_slice %arg8[%add3A_53, %dma_wait3A_130] : memref<10000x128xf32, #tpu.memory_space<vmem_shared>> -> memref<80x128xf32, #tpu.memory_space<vmem_shared>>
        %dma_wait3A_132 = arith.constant 0 : i32
        %dma_wait3A_133 = tpu.memref_slice %arg8[%add3A_53, %dma_wait3A_132] : memref<10000x128xf32, #tpu.memory_space<vmem_shared>> -> memref<80x128xf32, #tpu.memory_space<vmem_shared>>
        %dma_wait3A_134 = arith.constant 0 : i32
        %dma_wait3A_135 = arith.constant 0 : i32
        %dma_wait3A_136 = tpu.memref_slice %arg7[%run_scoped3A, %dma_wait3A_134, %dma_wait3A_135] : memref<2x80x128xf32, #tpu.memory_space<vmem>> -> memref<1x80x128xf32, #tpu.memory_space<vmem>>
        %dma_wait3A_137 = tpu.memref_squeeze %dma_wait3A_136 : memref<1x80x128xf32, #tpu.memory_space<vmem>> -> memref<80x128xf32, #tpu.memory_space<vmem>>
        tpu.wait_dma2 semaphore(%run_scoped3A_114 : memref<!tpu.dma_semaphore, #tpu.memory_space<semaphore_mem>>) src(%dma_wait3A_137 : memref<80x128xf32, #tpu.memory_space<vmem>>) dst(%dma_wait3A_133 : memref<80x128xf32, #tpu.memory_space<vmem_shared>>)
        tpu.yield
      }) : () -> ()
      %mul3A_54 = arith.constant 1000 : i32
      %mul3A_55 = arith.muli %arg1, %mul3A_54 : i32
      %add3A_56 = arith.constant 80 : i32
      %add3A_57 = arith.addi %mul3A_55, %add3A_56 : i32
      %run_scoped3A_58 = arith.constant 0 : i32
      "tpu.region"() ({
        %run_scoped3A_114 = tpu.sem_alloc : memref<!tpu.dma_semaphore, #tpu.memory_space<semaphore_mem>>
        %dma_start3A_115 = arith.constant 0 : i32
        %dma_start3A_116 = arith.constant 0 : i32
        %dma_start3A_117 = tpu.memref_slice %arg7[%run_scoped3A_58, %dma_start3A_115, %dma_start3A_116] : memref<2x80x128xf32, #tpu.memory_space<vmem>> -> memref<1x80x128xf32, #tpu.memory_space<vmem>>
        %dma_start3A_118 = tpu.memref_squeeze %dma_start3A_117 : memref<1x80x128xf32, #tpu.memory_space<vmem>> -> memref<80x128xf32, #tpu.memory_space<vmem>>
        %dma_start3A_119 = arith.constant 0 : i32
        %dma_start3A_120 = tpu.memref_slice %arg8[%add3A_57, %dma_start3A_119] : memref<10000x128xf32, #tpu.memory_space<vmem_shared>> -> memref<80x128xf32, #tpu.memory_space<vmem_shared>>
        %dma_start3A_121 = arith.constant 0 : i32
        %dma_start3A_122 = tpu.memref_slice %arg8[%add3A_57, %dma_start3A_121] : memref<10000x128xf32, #tpu.memory_space<vmem_shared>> -> memref<80x128xf32, #tpu.memory_space<vmem_shared>>
        %dma_start3A_123 = arith.constant 0 : i32
        %dma_start3A_124 = arith.constant 0 : i32
        %dma_start3A_125 = tpu.memref_slice %arg7[%run_scoped3A_58, %dma_start3A_123, %dma_start3A_124] : memref<2x80x128xf32, #tpu.memory_space<vmem>> -> memref<1x80x128xf32, #tpu.memory_space<vmem>>
        %dma_start3A_126 = tpu.memref_squeeze %dma_start3A_125 : memref<1x80x128xf32, #tpu.memory_space<vmem>> -> memref<80x128xf32, #tpu.memory_space<vmem>>
        tpu.enqueue_dma source(%dma_start3A_126 : memref<80x128xf32, #tpu.memory_space<vmem>>) target(%dma_start3A_122 : memref<80x128xf32, #tpu.memory_space<vmem_shared>>) target_semaphore(%run_scoped3A_114 : memref<!tpu.dma_semaphore, #tpu.memory_space<semaphore_mem>>)
        %dma_wait3A = arith.constant 0 : i32
        %dma_wait3A_127 = arith.constant 0 : i32
        %dma_wait3A_128 = tpu.memref_slice %arg7[%run_scoped3A_58, %dma_wait3A, %dma_wait3A_127] : memref<2x80x128xf32, #tpu.memory_space<vmem>> -> memref<1x80x128xf32, #tpu.memory_space<vmem>>
        %dma_wait3A_129 = tpu.memref_squeeze %dma_wait3A_128 : memref<1x80x128xf32, #tpu.memory_space<vmem>> -> memref<80x128xf32, #tpu.memory_space<vmem>>
        %dma_wait3A_130 = arith.constant 0 : i32
        %dma_wait3A_131 = tpu.memref_slice %arg8[%add3A_57, %dma_wait3A_130] : memref<10000x128xf32, #tpu.memory_space<vmem_shared>> -> memref<80x128xf32, #tpu.memory_space<vmem_shared>>
        %dma_wait3A_132 = arith.constant 0 : i32
        %dma_wait3A_133 = tpu.memref_slice %arg8[%add3A_57, %dma_wait3A_132] : memref<10000x128xf32, #tpu.memory_space<vmem_shared>> -> memref<80x128xf32, #tpu.memory_space<vmem_shared>>
        %dma_wait3A_134 = arith.constant 0 : i32
        %dma_wait3A_135 = arith.constant 0 : i32
        %dma_wait3A_136 = tpu.memref_slice %arg7[%run_scoped3A_58, %dma_wait3A_134, %dma_wait3A_135] : memref<2x80x128xf32, #tpu.memory_space<vmem>> -> memref<1x80x128xf32, #tpu.memory_space<vmem>>
        %dma_wait3A_137 = tpu.memref_squeeze %dma_wait3A_136 : memref<1x80x128xf32, #tpu.memory_space<vmem>> -> memref<80x128xf32, #tpu.memory_space<vmem>>
        tpu.wait_dma2 semaphore(%run_scoped3A_114 : memref<!tpu.dma_semaphore, #tpu.memory_space<semaphore_mem>>) src(%dma_wait3A_137 : memref<80x128xf32, #tpu.memory_space<vmem>>) dst(%dma_wait3A_133 : memref<80x128xf32, #tpu.memory_space<vmem_shared>>)
        tpu.yield
      }) : () -> ()
      %mul3A_59 = arith.constant 1000 : i32
      %mul3A_60 = arith.muli %arg1, %mul3A_59 : i32
      %add3A_61 = arith.constant 160 : i32
      %add3A_62 = arith.addi %mul3A_60, %add3A_61 : i32
      %run_scoped3A_63 = arith.constant 0 : i32
      "tpu.region"() ({
        %run_scoped3A_114 = tpu.sem_alloc : memref<!tpu.dma_semaphore, #tpu.memory_space<semaphore_mem>>
        %dma_start3A_115 = arith.constant 0 : i32
        %dma_start3A_116 = arith.constant 0 : i32
        %dma_start3A_117 = tpu.memref_slice %arg7[%run_scoped3A_63, %dma_start3A_115, %dma_start3A_116] : memref<2x80x128xf32, #tpu.memory_space<vmem>> -> memref<1x80x128xf32, #tpu.memory_space<vmem>>
        %dma_start3A_118 = tpu.memref_squeeze %dma_start3A_117 : memref<1x80x128xf32, #tpu.memory_space<vmem>> -> memref<80x128xf32, #tpu.memory_space<vmem>>
        %dma_start3A_119 = arith.constant 0 : i32
        %dma_start3A_120 = tpu.memref_slice %arg8[%add3A_62, %dma_start3A_119] : memref<10000x128xf32, #tpu.memory_space<vmem_shared>> -> memref<80x128xf32, #tpu.memory_space<vmem_shared>>
        %dma_start3A_121 = arith.constant 0 : i32
        %dma_start3A_122 = tpu.memref_slice %arg8[%add3A_62, %dma_start3A_121] : memref<10000x128xf32, #tpu.memory_space<vmem_shared>> -> memref<80x128xf32, #tpu.memory_space<vmem_shared>>
        %dma_start3A_123 = arith.constant 0 : i32
        %dma_start3A_124 = arith.constant 0 : i32
        %dma_start3A_125 = tpu.memref_slice %arg7[%run_scoped3A_63, %dma_start3A_123, %dma_start3A_124] : memref<2x80x128xf32, #tpu.memory_space<vmem>> -> memref<1x80x128xf32, #tpu.memory_space<vmem>>
        %dma_start3A_126 = tpu.memref_squeeze %dma_start3A_125 : memref<1x80x128xf32, #tpu.memory_space<vmem>> -> memref<80x128xf32, #tpu.memory_space<vmem>>
        tpu.enqueue_dma source(%dma_start3A_126 : memref<80x128xf32, #tpu.memory_space<vmem>>) target(%dma_start3A_122 : memref<80x128xf32, #tpu.memory_space<vmem_shared>>) target_semaphore(%run_scoped3A_114 : memref<!tpu.dma_semaphore, #tpu.memory_space<semaphore_mem>>)
        %dma_wait3A = arith.constant 0 : i32
        %dma_wait3A_127 = arith.constant 0 : i32
        %dma_wait3A_128 = tpu.memref_slice %arg7[%run_scoped3A_63, %dma_wait3A, %dma_wait3A_127] : memref<2x80x128xf32, #tpu.memory_space<vmem>> -> memref<1x80x128xf32, #tpu.memory_space<vmem>>
        %dma_wait3A_129 = tpu.memref_squeeze %dma_wait3A_128 : memref<1x80x128xf32, #tpu.memory_space<vmem>> -> memref<80x128xf32, #tpu.memory_space<vmem>>
        %dma_wait3A_130 = arith.constant 0 : i32
        %dma_wait3A_131 = tpu.memref_slice %arg8[%add3A_62, %dma_wait3A_130] : memref<10000x128xf32, #tpu.memory_space<vmem_shared>> -> memref<80x128xf32, #tpu.memory_space<vmem_shared>>
        %dma_wait3A_132 = arith.constant 0 : i32
        %dma_wait3A_133 = tpu.memref_slice %arg8[%add3A_62, %dma_wait3A_132] : memref<10000x128xf32, #tpu.memory_space<vmem_shared>> -> memref<80x128xf32, #tpu.memory_space<vmem_shared>>
        %dma_wait3A_134 = arith.constant 0 : i32
        %dma_wait3A_135 = arith.constant 0 : i32
        %dma_wait3A_136 = tpu.memref_slice %arg7[%run_scoped3A_63, %dma_wait3A_134, %dma_wait3A_135] : memref<2x80x128xf32, #tpu.memory_space<vmem>> -> memref<1x80x128xf32, #tpu.memory_space<vmem>>
        %dma_wait3A_137 = tpu.memref_squeeze %dma_wait3A_136 : memref<1x80x128xf32, #tpu.memory_space<vmem>> -> memref<80x128xf32, #tpu.memory_space<vmem>>
        tpu.wait_dma2 semaphore(%run_scoped3A_114 : memref<!tpu.dma_semaphore, #tpu.memory_space<semaphore_mem>>) src(%dma_wait3A_137 : memref<80x128xf32, #tpu.memory_space<vmem>>) dst(%dma_wait3A_133 : memref<80x128xf32, #tpu.memory_space<vmem_shared>>)
        tpu.yield
      }) : () -> ()
      %mul3A_64 = arith.constant 1000 : i32
      %mul3A_65 = arith.muli %arg1, %mul3A_64 : i32
      %add3A_66 = arith.constant 240 : i32
      %add3A_67 = arith.addi %mul3A_65, %add3A_66 : i32
      %run_scoped3A_68 = arith.constant 0 : i32
      "tpu.region"() ({
        %run_scoped3A_114 = tpu.sem_alloc : memref<!tpu.dma_semaphore, #tpu.memory_space<semaphore_mem>>
        %dma_start3A_115 = arith.constant 0 : i32
        %dma_start3A_116 = arith.constant 0 : i32
        %dma_start3A_117 = tpu.memref_slice %arg7[%run_scoped3A_68, %dma_start3A_115, %dma_start3A_116] : memref<2x80x128xf32, #tpu.memory_space<vmem>> -> memref<1x80x128xf32, #tpu.memory_space<vmem>>
        %dma_start3A_118 = tpu.memref_squeeze %dma_start3A_117 : memref<1x80x128xf32, #tpu.memory_space<vmem>> -> memref<80x128xf32, #tpu.memory_space<vmem>>
        %dma_start3A_119 = arith.constant 0 : i32
        %dma_start3A_120 = tpu.memref_slice %arg8[%add3A_67, %dma_start3A_119] : memref<10000x128xf32, #tpu.memory_space<vmem_shared>> -> memref<80x128xf32, #tpu.memory_space<vmem_shared>>
        %dma_start3A_121 = arith.constant 0 : i32
        %dma_start3A_122 = tpu.memref_slice %arg8[%add3A_67, %dma_start3A_121] : memref<10000x128xf32, #tpu.memory_space<vmem_shared>> -> memref<80x128xf32, #tpu.memory_space<vmem_shared>>
        %dma_start3A_123 = arith.constant 0 : i32
        %dma_start3A_124 = arith.constant 0 : i32
        %dma_start3A_125 = tpu.memref_slice %arg7[%run_scoped3A_68, %dma_start3A_123, %dma_start3A_124] : memref<2x80x128xf32, #tpu.memory_space<vmem>> -> memref<1x80x128xf32, #tpu.memory_space<vmem>>
        %dma_start3A_126 = tpu.memref_squeeze %dma_start3A_125 : memref<1x80x128xf32, #tpu.memory_space<vmem>> -> memref<80x128xf32, #tpu.memory_space<vmem>>
        tpu.enqueue_dma source(%dma_start3A_126 : memref<80x128xf32, #tpu.memory_space<vmem>>) target(%dma_start3A_122 : memref<80x128xf32, #tpu.memory_space<vmem_shared>>) target_semaphore(%run_scoped3A_114 : memref<!tpu.dma_semaphore, #tpu.memory_space<semaphore_mem>>)
        %dma_wait3A = arith.constant 0 : i32
        %dma_wait3A_127 = arith.constant 0 : i32
        %dma_wait3A_128 = tpu.memref_slice %arg7[%run_scoped3A_68, %dma_wait3A, %dma_wait3A_127] : memref<2x80x128xf32, #tpu.memory_space<vmem>> -> memref<1x80x128xf32, #tpu.memory_space<vmem>>
        %dma_wait3A_129 = tpu.memref_squeeze %dma_wait3A_128 : memref<1x80x128xf32, #tpu.memory_space<vmem>> -> memref<80x128xf32, #tpu.memory_space<vmem>>
        %dma_wait3A_130 = arith.constant 0 : i32
        %dma_wait3A_131 = tpu.memref_slice %arg8[%add3A_67, %dma_wait3A_130] : memref<10000x128xf32, #tpu.memory_space<vmem_shared>> -> memref<80x128xf32, #tpu.memory_space<vmem_shared>>
        %dma_wait3A_132 = arith.constant 0 : i32
        %dma_wait3A_133 = tpu.memref_slice %arg8[%add3A_67, %dma_wait3A_132] : memref<10000x128xf32, #tpu.memory_space<vmem_shared>> -> memref<80x128xf32, #tpu.memory_space<vmem_shared>>
        %dma_wait3A_134 = arith.constant 0 : i32
        %dma_wait3A_135 = arith.constant 0 : i32
        %dma_wait3A_136 = tpu.memref_slice %arg7[%run_scoped3A_68, %dma_wait3A_134, %dma_wait3A_135] : memref<2x80x128xf32, #tpu.memory_space<vmem>> -> memref<1x80x128xf32, #tpu.memory_space<vmem>>
        %dma_wait3A_137 = tpu.memref_squeeze %dma_wait3A_136 : memref<1x80x128xf32, #tpu.memory_space<vmem>> -> memref<80x128xf32, #tpu.memory_space<vmem>>
        tpu.wait_dma2 semaphore(%run_scoped3A_114 : memref<!tpu.dma_semaphore, #tpu.memory_space<semaphore_mem>>) src(%dma_wait3A_137 : memref<80x128xf32, #tpu.memory_space<vmem>>) dst(%dma_wait3A_133 : memref<80x128xf32, #tpu.memory_space<vmem_shared>>)
        tpu.yield
      }) : () -> ()
      %mul3A_69 = arith.constant 1000 : i32
      %mul3A_70 = arith.muli %arg1, %mul3A_69 : i32
      %add3A_71 = arith.constant 320 : i32
      %add3A_72 = arith.addi %mul3A_70, %add3A_71 : i32
      %run_scoped3A_73 = arith.constant 0 : i32
      "tpu.region"() ({
        %run_scoped3A_114 = tpu.sem_alloc : memref<!tpu.dma_semaphore, #tpu.memory_space<semaphore_mem>>
        %dma_start3A_115 = arith.constant 0 : i32
        %dma_start3A_116 = arith.constant 0 : i32
        %dma_start3A_117 = tpu.memref_slice %arg7[%run_scoped3A_73, %dma_start3A_115, %dma_start3A_116] : memref<2x80x128xf32, #tpu.memory_space<vmem>> -> memref<1x80x128xf32, #tpu.memory_space<vmem>>
        %dma_start3A_118 = tpu.memref_squeeze %dma_start3A_117 : memref<1x80x128xf32, #tpu.memory_space<vmem>> -> memref<80x128xf32, #tpu.memory_space<vmem>>
        %dma_start3A_119 = arith.constant 0 : i32
        %dma_start3A_120 = tpu.memref_slice %arg8[%add3A_72, %dma_start3A_119] : memref<10000x128xf32, #tpu.memory_space<vmem_shared>> -> memref<80x128xf32, #tpu.memory_space<vmem_shared>>
        %dma_start3A_121 = arith.constant 0 : i32
        %dma_start3A_122 = tpu.memref_slice %arg8[%add3A_72, %dma_start3A_121] : memref<10000x128xf32, #tpu.memory_space<vmem_shared>> -> memref<80x128xf32, #tpu.memory_space<vmem_shared>>
        %dma_start3A_123 = arith.constant 0 : i32
        %dma_start3A_124 = arith.constant 0 : i32
        %dma_start3A_125 = tpu.memref_slice %arg7[%run_scoped3A_73, %dma_start3A_123, %dma_start3A_124] : memref<2x80x128xf32, #tpu.memory_space<vmem>> -> memref<1x80x128xf32, #tpu.memory_space<vmem>>
        %dma_start3A_126 = tpu.memref_squeeze %dma_start3A_125 : memref<1x80x128xf32, #tpu.memory_space<vmem>> -> memref<80x128xf32, #tpu.memory_space<vmem>>
        tpu.enqueue_dma source(%dma_start3A_126 : memref<80x128xf32, #tpu.memory_space<vmem>>) target(%dma_start3A_122 : memref<80x128xf32, #tpu.memory_space<vmem_shared>>) target_semaphore(%run_scoped3A_114 : memref<!tpu.dma_semaphore, #tpu.memory_space<semaphore_mem>>)
        %dma_wait3A = arith.constant 0 : i32
        %dma_wait3A_127 = arith.constant 0 : i32
        %dma_wait3A_128 = tpu.memref_slice %arg7[%run_scoped3A_73, %dma_wait3A, %dma_wait3A_127] : memref<2x80x128xf32, #tpu.memory_space<vmem>> -> memref<1x80x128xf32, #tpu.memory_space<vmem>>
        %dma_wait3A_129 = tpu.memref_squeeze %dma_wait3A_128 : memref<1x80x128xf32, #tpu.memory_space<vmem>> -> memref<80x128xf32, #tpu.memory_space<vmem>>
        %dma_wait3A_130 = arith.constant 0 : i32
        %dma_wait3A_131 = tpu.memref_slice %arg8[%add3A_72, %dma_wait3A_130] : memref<10000x128xf32, #tpu.memory_space<vmem_shared>> -> memref<80x128xf32, #tpu.memory_space<vmem_shared>>
        %dma_wait3A_132 = arith.constant 0 : i32
        %dma_wait3A_133 = tpu.memref_slice %arg8[%add3A_72, %dma_wait3A_132] : memref<10000x128xf32, #tpu.memory_space<vmem_shared>> -> memref<80x128xf32, #tpu.memory_space<vmem_shared>>
        %dma_wait3A_134 = arith.constant 0 : i32
        %dma_wait3A_135 = arith.constant 0 : i32
        %dma_wait3A_136 = tpu.memref_slice %arg7[%run_scoped3A_73, %dma_wait3A_134, %dma_wait3A_135] : memref<2x80x128xf32, #tpu.memory_space<vmem>> -> memref<1x80x128xf32, #tpu.memory_space<vmem>>
        %dma_wait3A_137 = tpu.memref_squeeze %dma_wait3A_136 : memref<1x80x128xf32, #tpu.memory_space<vmem>> -> memref<80x128xf32, #tpu.memory_space<vmem>>
        tpu.wait_dma2 semaphore(%run_scoped3A_114 : memref<!tpu.dma_semaphore, #tpu.memory_space<semaphore_mem>>) src(%dma_wait3A_137 : memref<80x128xf32, #tpu.memory_space<vmem>>) dst(%dma_wait3A_133 : memref<80x128xf32, #tpu.memory_space<vmem_shared>>)
        tpu.yield
      }) : () -> ()
      %mul3A_74 = arith.constant 1000 : i32
      %mul3A_75 = arith.muli %arg1, %mul3A_74 : i32
      %add3A_76 = arith.constant 400 : i32
      %add3A_77 = arith.addi %mul3A_75, %add3A_76 : i32
      %run_scoped3A_78 = arith.constant 0 : i32
      "tpu.region"() ({
        %run_scoped3A_114 = tpu.sem_alloc : memref<!tpu.dma_semaphore, #tpu.memory_space<semaphore_mem>>
        %dma_start3A_115 = arith.constant 0 : i32
        %dma_start3A_116 = arith.constant 0 : i32
        %dma_start3A_117 = tpu.memref_slice %arg7[%run_scoped3A_78, %dma_start3A_115, %dma_start3A_116] : memref<2x80x128xf32, #tpu.memory_space<vmem>> -> memref<1x80x128xf32, #tpu.memory_space<vmem>>
        %dma_start3A_118 = tpu.memref_squeeze %dma_start3A_117 : memref<1x80x128xf32, #tpu.memory_space<vmem>> -> memref<80x128xf32, #tpu.memory_space<vmem>>
        %dma_start3A_119 = arith.constant 0 : i32
        %dma_start3A_120 = tpu.memref_slice %arg8[%add3A_77, %dma_start3A_119] : memref<10000x128xf32, #tpu.memory_space<vmem_shared>> -> memref<80x128xf32, #tpu.memory_space<vmem_shared>>
        %dma_start3A_121 = arith.constant 0 : i32
        %dma_start3A_122 = tpu.memref_slice %arg8[%add3A_77, %dma_start3A_121] : memref<10000x128xf32, #tpu.memory_space<vmem_shared>> -> memref<80x128xf32, #tpu.memory_space<vmem_shared>>
        %dma_start3A_123 = arith.constant 0 : i32
        %dma_start3A_124 = arith.constant 0 : i32
        %dma_start3A_125 = tpu.memref_slice %arg7[%run_scoped3A_78, %dma_start3A_123, %dma_start3A_124] : memref<2x80x128xf32, #tpu.memory_space<vmem>> -> memref<1x80x128xf32, #tpu.memory_space<vmem>>
        %dma_start3A_126 = tpu.memref_squeeze %dma_start3A_125 : memref<1x80x128xf32, #tpu.memory_space<vmem>> -> memref<80x128xf32, #tpu.memory_space<vmem>>
        tpu.enqueue_dma source(%dma_start3A_126 : memref<80x128xf32, #tpu.memory_space<vmem>>) target(%dma_start3A_122 : memref<80x128xf32, #tpu.memory_space<vmem_shared>>) target_semaphore(%run_scoped3A_114 : memref<!tpu.dma_semaphore, #tpu.memory_space<semaphore_mem>>)
        %dma_wait3A = arith.constant 0 : i32
        %dma_wait3A_127 = arith.constant 0 : i32
        %dma_wait3A_128 = tpu.memref_slice %arg7[%run_scoped3A_78, %dma_wait3A, %dma_wait3A_127] : memref<2x80x128xf32, #tpu.memory_space<vmem>> -> memref<1x80x128xf32, #tpu.memory_space<vmem>>
        %dma_wait3A_129 = tpu.memref_squeeze %dma_wait3A_128 : memref<1x80x128xf32, #tpu.memory_space<vmem>> -> memref<80x128xf32, #tpu.memory_space<vmem>>
        %dma_wait3A_130 = arith.constant 0 : i32
        %dma_wait3A_131 = tpu.memref_slice %arg8[%add3A_77, %dma_wait3A_130] : memref<10000x128xf32, #tpu.memory_space<vmem_shared>> -> memref<80x128xf32, #tpu.memory_space<vmem_shared>>
        %dma_wait3A_132 = arith.constant 0 : i32
        %dma_wait3A_133 = tpu.memref_slice %arg8[%add3A_77, %dma_wait3A_132] : memref<10000x128xf32, #tpu.memory_space<vmem_shared>> -> memref<80x128xf32, #tpu.memory_space<vmem_shared>>
        %dma_wait3A_134 = arith.constant 0 : i32
        %dma_wait3A_135 = arith.constant 0 : i32
        %dma_wait3A_136 = tpu.memref_slice %arg7[%run_scoped3A_78, %dma_wait3A_134, %dma_wait3A_135] : memref<2x80x128xf32, #tpu.memory_space<vmem>> -> memref<1x80x128xf32, #tpu.memory_space<vmem>>
        %dma_wait3A_137 = tpu.memref_squeeze %dma_wait3A_136 : memref<1x80x128xf32, #tpu.memory_space<vmem>> -> memref<80x128xf32, #tpu.memory_space<vmem>>
        tpu.wait_dma2 semaphore(%run_scoped3A_114 : memref<!tpu.dma_semaphore, #tpu.memory_space<semaphore_mem>>) src(%dma_wait3A_137 : memref<80x128xf32, #tpu.memory_space<vmem>>) dst(%dma_wait3A_133 : memref<80x128xf32, #tpu.memory_space<vmem_shared>>)
        tpu.yield
      }) : () -> ()
      %mul3A_79 = arith.constant 1000 : i32
      %mul3A_80 = arith.muli %arg1, %mul3A_79 : i32
      %add3A_81 = arith.constant 480 : i32
      %add3A_82 = arith.addi %mul3A_80, %add3A_81 : i32
      %run_scoped3A_83 = arith.constant 0 : i32
      "tpu.region"() ({
        %run_scoped3A_114 = tpu.sem_alloc : memref<!tpu.dma_semaphore, #tpu.memory_space<semaphore_mem>>
        %dma_start3A_115 = arith.constant 0 : i32
        %dma_start3A_116 = arith.constant 0 : i32
        %dma_start3A_117 = tpu.memref_slice %arg7[%run_scoped3A_83, %dma_start3A_115, %dma_start3A_116] : memref<2x80x128xf32, #tpu.memory_space<vmem>> -> memref<1x80x128xf32, #tpu.memory_space<vmem>>
        %dma_start3A_118 = tpu.memref_squeeze %dma_start3A_117 : memref<1x80x128xf32, #tpu.memory_space<vmem>> -> memref<80x128xf32, #tpu.memory_space<vmem>>
        %dma_start3A_119 = arith.constant 0 : i32
        %dma_start3A_120 = tpu.memref_slice %arg8[%add3A_82, %dma_start3A_119] : memref<10000x128xf32, #tpu.memory_space<vmem_shared>> -> memref<80x128xf32, #tpu.memory_space<vmem_shared>>
        %dma_start3A_121 = arith.constant 0 : i32
        %dma_start3A_122 = tpu.memref_slice %arg8[%add3A_82, %dma_start3A_121] : memref<10000x128xf32, #tpu.memory_space<vmem_shared>> -> memref<80x128xf32, #tpu.memory_space<vmem_shared>>
        %dma_start3A_123 = arith.constant 0 : i32
        %dma_start3A_124 = arith.constant 0 : i32
        %dma_start3A_125 = tpu.memref_slice %arg7[%run_scoped3A_83, %dma_start3A_123, %dma_start3A_124] : memref<2x80x128xf32, #tpu.memory_space<vmem>> -> memref<1x80x128xf32, #tpu.memory_space<vmem>>
        %dma_start3A_126 = tpu.memref_squeeze %dma_start3A_125 : memref<1x80x128xf32, #tpu.memory_space<vmem>> -> memref<80x128xf32, #tpu.memory_space<vmem>>
        tpu.enqueue_dma source(%dma_start3A_126 : memref<80x128xf32, #tpu.memory_space<vmem>>) target(%dma_start3A_122 : memref<80x128xf32, #tpu.memory_space<vmem_shared>>) target_semaphore(%run_scoped3A_114 : memref<!tpu.dma_semaphore, #tpu.memory_space<semaphore_mem>>)
        %dma_wait3A = arith.constant 0 : i32
        %dma_wait3A_127 = arith.constant 0 : i32
        %dma_wait3A_128 = tpu.memref_slice %arg7[%run_scoped3A_83, %dma_wait3A, %dma_wait3A_127] : memref<2x80x128xf32, #tpu.memory_space<vmem>> -> memref<1x80x128xf32, #tpu.memory_space<vmem>>
        %dma_wait3A_129 = tpu.memref_squeeze %dma_wait3A_128 : memref<1x80x128xf32, #tpu.memory_space<vmem>> -> memref<80x128xf32, #tpu.memory_space<vmem>>
        %dma_wait3A_130 = arith.constant 0 : i32
        %dma_wait3A_131 = tpu.memref_slice %arg8[%add3A_82, %dma_wait3A_130] : memref<10000x128xf32, #tpu.memory_space<vmem_shared>> -> memref<80x128xf32, #tpu.memory_space<vmem_shared>>
        %dma_wait3A_132 = arith.constant 0 : i32
        %dma_wait3A_133 = tpu.memref_slice %arg8[%add3A_82, %dma_wait3A_132] : memref<10000x128xf32, #tpu.memory_space<vmem_shared>> -> memref<80x128xf32, #tpu.memory_space<vmem_shared>>
        %dma_wait3A_134 = arith.constant 0 : i32
        %dma_wait3A_135 = arith.constant 0 : i32
        %dma_wait3A_136 = tpu.memref_slice %arg7[%run_scoped3A_83, %dma_wait3A_134, %dma_wait3A_135] : memref<2x80x128xf32, #tpu.memory_space<vmem>> -> memref<1x80x128xf32, #tpu.memory_space<vmem>>
        %dma_wait3A_137 = tpu.memref_squeeze %dma_wait3A_136 : memref<1x80x128xf32, #tpu.memory_space<vmem>> -> memref<80x128xf32, #tpu.memory_space<vmem>>
        tpu.wait_dma2 semaphore(%run_scoped3A_114 : memref<!tpu.dma_semaphore, #tpu.memory_space<semaphore_mem>>) src(%dma_wait3A_137 : memref<80x128xf32, #tpu.memory_space<vmem>>) dst(%dma_wait3A_133 : memref<80x128xf32, #tpu.memory_space<vmem_shared>>)
        tpu.yield
      }) : () -> ()
      %mul3A_84 = arith.constant 1000 : i32
      %mul3A_85 = arith.muli %arg1, %mul3A_84 : i32
      %add3A_86 = arith.constant 560 : i32
      %add3A_87 = arith.addi %mul3A_85, %add3A_86 : i32
      %run_scoped3A_88 = arith.constant 0 : i32
      "tpu.region"() ({
        %run_scoped3A_114 = tpu.sem_alloc : memref<!tpu.dma_semaphore, #tpu.memory_space<semaphore_mem>>
        %dma_start3A_115 = arith.constant 0 : i32
        %dma_start3A_116 = arith.constant 0 : i32
        %dma_start3A_117 = tpu.memref_slice %arg7[%run_scoped3A_88, %dma_start3A_115, %dma_start3A_116] : memref<2x80x128xf32, #tpu.memory_space<vmem>> -> memref<1x80x128xf32, #tpu.memory_space<vmem>>
        %dma_start3A_118 = tpu.memref_squeeze %dma_start3A_117 : memref<1x80x128xf32, #tpu.memory_space<vmem>> -> memref<80x128xf32, #tpu.memory_space<vmem>>
        %dma_start3A_119 = arith.constant 0 : i32
        %dma_start3A_120 = tpu.memref_slice %arg8[%add3A_87, %dma_start3A_119] : memref<10000x128xf32, #tpu.memory_space<vmem_shared>> -> memref<80x128xf32, #tpu.memory_space<vmem_shared>>
        %dma_start3A_121 = arith.constant 0 : i32
        %dma_start3A_122 = tpu.memref_slice %arg8[%add3A_87, %dma_start3A_121] : memref<10000x128xf32, #tpu.memory_space<vmem_shared>> -> memref<80x128xf32, #tpu.memory_space<vmem_shared>>
        %dma_start3A_123 = arith.constant 0 : i32
        %dma_start3A_124 = arith.constant 0 : i32
        %dma_start3A_125 = tpu.memref_slice %arg7[%run_scoped3A_88, %dma_start3A_123, %dma_start3A_124] : memref<2x80x128xf32, #tpu.memory_space<vmem>> -> memref<1x80x128xf32, #tpu.memory_space<vmem>>
        %dma_start3A_126 = tpu.memref_squeeze %dma_start3A_125 : memref<1x80x128xf32, #tpu.memory_space<vmem>> -> memref<80x128xf32, #tpu.memory_space<vmem>>
        tpu.enqueue_dma source(%dma_start3A_126 : memref<80x128xf32, #tpu.memory_space<vmem>>) target(%dma_start3A_122 : memref<80x128xf32, #tpu.memory_space<vmem_shared>>) target_semaphore(%run_scoped3A_114 : memref<!tpu.dma_semaphore, #tpu.memory_space<semaphore_mem>>)
        %dma_wait3A = arith.constant 0 : i32
        %dma_wait3A_127 = arith.constant 0 : i32
        %dma_wait3A_128 = tpu.memref_slice %arg7[%run_scoped3A_88, %dma_wait3A, %dma_wait3A_127] : memref<2x80x128xf32, #tpu.memory_space<vmem>> -> memref<1x80x128xf32, #tpu.memory_space<vmem>>
        %dma_wait3A_129 = tpu.memref_squeeze %dma_wait3A_128 : memref<1x80x128xf32, #tpu.memory_space<vmem>> -> memref<80x128xf32, #tpu.memory_space<vmem>>
        %dma_wait3A_130 = arith.constant 0 : i32
        %dma_wait3A_131 = tpu.memref_slice %arg8[%add3A_87, %dma_wait3A_130] : memref<10000x128xf32, #tpu.memory_space<vmem_shared>> -> memref<80x128xf32, #tpu.memory_space<vmem_shared>>
        %dma_wait3A_132 = arith.constant 0 : i32
        %dma_wait3A_133 = tpu.memref_slice %arg8[%add3A_87, %dma_wait3A_132] : memref<10000x128xf32, #tpu.memory_space<vmem_shared>> -> memref<80x128xf32, #tpu.memory_space<vmem_shared>>
        %dma_wait3A_134 = arith.constant 0 : i32
        %dma_wait3A_135 = arith.constant 0 : i32
        %dma_wait3A_136 = tpu.memref_slice %arg7[%run_scoped3A_88, %dma_wait3A_134, %dma_wait3A_135] : memref<2x80x128xf32, #tpu.memory_space<vmem>> -> memref<1x80x128xf32, #tpu.memory_space<vmem>>
        %dma_wait3A_137 = tpu.memref_squeeze %dma_wait3A_136 : memref<1x80x128xf32, #tpu.memory_space<vmem>> -> memref<80x128xf32, #tpu.memory_space<vmem>>
        tpu.wait_dma2 semaphore(%run_scoped3A_114 : memref<!tpu.dma_semaphore, #tpu.memory_space<semaphore_mem>>) src(%dma_wait3A_137 : memref<80x128xf32, #tpu.memory_space<vmem>>) dst(%dma_wait3A_133 : memref<80x128xf32, #tpu.memory_space<vmem_shared>>)
        tpu.yield
      }) : () -> ()
      %mul3A_89 = arith.constant 1000 : i32
      %mul3A_90 = arith.muli %arg1, %mul3A_89 : i32
      %add3A_91 = arith.constant 640 : i32
      %add3A_92 = arith.addi %mul3A_90, %add3A_91 : i32
      %run_scoped3A_93 = arith.constant 0 : i32
      "tpu.region"() ({
        %run_scoped3A_114 = tpu.sem_alloc : memref<!tpu.dma_semaphore, #tpu.memory_space<semaphore_mem>>
        %dma_start3A_115 = arith.constant 0 : i32
        %dma_start3A_116 = arith.constant 0 : i32
        %dma_start3A_117 = tpu.memref_slice %arg7[%run_scoped3A_93, %dma_start3A_115, %dma_start3A_116] : memref<2x80x128xf32, #tpu.memory_space<vmem>> -> memref<1x80x128xf32, #tpu.memory_space<vmem>>
        %dma_start3A_118 = tpu.memref_squeeze %dma_start3A_117 : memref<1x80x128xf32, #tpu.memory_space<vmem>> -> memref<80x128xf32, #tpu.memory_space<vmem>>
        %dma_start3A_119 = arith.constant 0 : i32
        %dma_start3A_120 = tpu.memref_slice %arg8[%add3A_92, %dma_start3A_119] : memref<10000x128xf32, #tpu.memory_space<vmem_shared>> -> memref<80x128xf32, #tpu.memory_space<vmem_shared>>
        %dma_start3A_121 = arith.constant 0 : i32
        %dma_start3A_122 = tpu.memref_slice %arg8[%add3A_92, %dma_start3A_121] : memref<10000x128xf32, #tpu.memory_space<vmem_shared>> -> memref<80x128xf32, #tpu.memory_space<vmem_shared>>
        %dma_start3A_123 = arith.constant 0 : i32
        %dma_start3A_124 = arith.constant 0 : i32
        %dma_start3A_125 = tpu.memref_slice %arg7[%run_scoped3A_93, %dma_start3A_123, %dma_start3A_124] : memref<2x80x128xf32, #tpu.memory_space<vmem>> -> memref<1x80x128xf32, #tpu.memory_space<vmem>>
        %dma_start3A_126 = tpu.memref_squeeze %dma_start3A_125 : memref<1x80x128xf32, #tpu.memory_space<vmem>> -> memref<80x128xf32, #tpu.memory_space<vmem>>
        tpu.enqueue_dma source(%dma_start3A_126 : memref<80x128xf32, #tpu.memory_space<vmem>>) target(%dma_start3A_122 : memref<80x128xf32, #tpu.memory_space<vmem_shared>>) target_semaphore(%run_scoped3A_114 : memref<!tpu.dma_semaphore, #tpu.memory_space<semaphore_mem>>)
        %dma_wait3A = arith.constant 0 : i32
        %dma_wait3A_127 = arith.constant 0 : i32
        %dma_wait3A_128 = tpu.memref_slice %arg7[%run_scoped3A_93, %dma_wait3A, %dma_wait3A_127] : memref<2x80x128xf32, #tpu.memory_space<vmem>> -> memref<1x80x128xf32, #tpu.memory_space<vmem>>
        %dma_wait3A_129 = tpu.memref_squeeze %dma_wait3A_128 : memref<1x80x128xf32, #tpu.memory_space<vmem>> -> memref<80x128xf32, #tpu.memory_space<vmem>>
        %dma_wait3A_130 = arith.constant 0 : i32
        %dma_wait3A_131 = tpu.memref_slice %arg8[%add3A_92, %dma_wait3A_130] : memref<10000x128xf32, #tpu.memory_space<vmem_shared>> -> memref<80x128xf32, #tpu.memory_space<vmem_shared>>
        %dma_wait3A_132 = arith.constant 0 : i32
        %dma_wait3A_133 = tpu.memref_slice %arg8[%add3A_92, %dma_wait3A_132] : memref<10000x128xf32, #tpu.memory_space<vmem_shared>> -> memref<80x128xf32, #tpu.memory_space<vmem_shared>>
        %dma_wait3A_134 = arith.constant 0 : i32
        %dma_wait3A_135 = arith.constant 0 : i32
        %dma_wait3A_136 = tpu.memref_slice %arg7[%run_scoped3A_93, %dma_wait3A_134, %dma_wait3A_135] : memref<2x80x128xf32, #tpu.memory_space<vmem>> -> memref<1x80x128xf32, #tpu.memory_space<vmem>>
        %dma_wait3A_137 = tpu.memref_squeeze %dma_wait3A_136 : memref<1x80x128xf32, #tpu.memory_space<vmem>> -> memref<80x128xf32, #tpu.memory_space<vmem>>
        tpu.wait_dma2 semaphore(%run_scoped3A_114 : memref<!tpu.dma_semaphore, #tpu.memory_space<semaphore_mem>>) src(%dma_wait3A_137 : memref<80x128xf32, #tpu.memory_space<vmem>>) dst(%dma_wait3A_133 : memref<80x128xf32, #tpu.memory_space<vmem_shared>>)
        tpu.yield
      }) : () -> ()
      %mul3A_94 = arith.constant 1000 : i32
      %mul3A_95 = arith.muli %arg1, %mul3A_94 : i32
      %add3A_96 = arith.constant 720 : i32
      %add3A_97 = arith.addi %mul3A_95, %add3A_96 : i32
      %run_scoped3A_98 = arith.constant 0 : i32
      "tpu.region"() ({
        %run_scoped3A_114 = tpu.sem_alloc : memref<!tpu.dma_semaphore, #tpu.memory_space<semaphore_mem>>
        %dma_start3A_115 = arith.constant 0 : i32
        %dma_start3A_116 = arith.constant 0 : i32
        %dma_start3A_117 = tpu.memref_slice %arg7[%run_scoped3A_98, %dma_start3A_115, %dma_start3A_116] : memref<2x80x128xf32, #tpu.memory_space<vmem>> -> memref<1x80x128xf32, #tpu.memory_space<vmem>>
        %dma_start3A_118 = tpu.memref_squeeze %dma_start3A_117 : memref<1x80x128xf32, #tpu.memory_space<vmem>> -> memref<80x128xf32, #tpu.memory_space<vmem>>
        %dma_start3A_119 = arith.constant 0 : i32
        %dma_start3A_120 = tpu.memref_slice %arg8[%add3A_97, %dma_start3A_119] : memref<10000x128xf32, #tpu.memory_space<vmem_shared>> -> memref<80x128xf32, #tpu.memory_space<vmem_shared>>
        %dma_start3A_121 = arith.constant 0 : i32
        %dma_start3A_122 = tpu.memref_slice %arg8[%add3A_97, %dma_start3A_121] : memref<10000x128xf32, #tpu.memory_space<vmem_shared>> -> memref<80x128xf32, #tpu.memory_space<vmem_shared>>
        %dma_start3A_123 = arith.constant 0 : i32
        %dma_start3A_124 = arith.constant 0 : i32
        %dma_start3A_125 = tpu.memref_slice %arg7[%run_scoped3A_98, %dma_start3A_123, %dma_start3A_124] : memref<2x80x128xf32, #tpu.memory_space<vmem>> -> memref<1x80x128xf32, #tpu.memory_space<vmem>>
        %dma_start3A_126 = tpu.memref_squeeze %dma_start3A_125 : memref<1x80x128xf32, #tpu.memory_space<vmem>> -> memref<80x128xf32, #tpu.memory_space<vmem>>
        tpu.enqueue_dma source(%dma_start3A_126 : memref<80x128xf32, #tpu.memory_space<vmem>>) target(%dma_start3A_122 : memref<80x128xf32, #tpu.memory_space<vmem_shared>>) target_semaphore(%run_scoped3A_114 : memref<!tpu.dma_semaphore, #tpu.memory_space<semaphore_mem>>)
        %dma_wait3A = arith.constant 0 : i32
        %dma_wait3A_127 = arith.constant 0 : i32
        %dma_wait3A_128 = tpu.memref_slice %arg7[%run_scoped3A_98, %dma_wait3A, %dma_wait3A_127] : memref<2x80x128xf32, #tpu.memory_space<vmem>> -> memref<1x80x128xf32, #tpu.memory_space<vmem>>
        %dma_wait3A_129 = tpu.memref_squeeze %dma_wait3A_128 : memref<1x80x128xf32, #tpu.memory_space<vmem>> -> memref<80x128xf32, #tpu.memory_space<vmem>>
        %dma_wait3A_130 = arith.constant 0 : i32
        %dma_wait3A_131 = tpu.memref_slice %arg8[%add3A_97, %dma_wait3A_130] : memref<10000x128xf32, #tpu.memory_space<vmem_shared>> -> memref<80x128xf32, #tpu.memory_space<vmem_shared>>
        %dma_wait3A_132 = arith.constant 0 : i32
        %dma_wait3A_133 = tpu.memref_slice %arg8[%add3A_97, %dma_wait3A_132] : memref<10000x128xf32, #tpu.memory_space<vmem_shared>> -> memref<80x128xf32, #tpu.memory_space<vmem_shared>>
        %dma_wait3A_134 = arith.constant 0 : i32
        %dma_wait3A_135 = arith.constant 0 : i32
        %dma_wait3A_136 = tpu.memref_slice %arg7[%run_scoped3A_98, %dma_wait3A_134, %dma_wait3A_135] : memref<2x80x128xf32, #tpu.memory_space<vmem>> -> memref<1x80x128xf32, #tpu.memory_space<vmem>>
        %dma_wait3A_137 = tpu.memref_squeeze %dma_wait3A_136 : memref<1x80x128xf32, #tpu.memory_space<vmem>> -> memref<80x128xf32, #tpu.memory_space<vmem>>
        tpu.wait_dma2 semaphore(%run_scoped3A_114 : memref<!tpu.dma_semaphore, #tpu.memory_space<semaphore_mem>>) src(%dma_wait3A_137 : memref<80x128xf32, #tpu.memory_space<vmem>>) dst(%dma_wait3A_133 : memref<80x128xf32, #tpu.memory_space<vmem_shared>>)
        tpu.yield
      }) : () -> ()
      %mul3A_99 = arith.constant 1000 : i32
      %mul3A_100 = arith.muli %arg1, %mul3A_99 : i32
      %add3A_101 = arith.constant 800 : i32
      %add3A_102 = arith.addi %mul3A_100, %add3A_101 : i32
      %run_scoped3A_103 = arith.constant 0 : i32
      "tpu.region"() ({
        %run_scoped3A_114 = tpu.sem_alloc : memref<!tpu.dma_semaphore, #tpu.memory_space<semaphore_mem>>
        %dma_start3A_115 = arith.constant 0 : i32
        %dma_start3A_116 = arith.constant 0 : i32
        %dma_start3A_117 = tpu.memref_slice %arg7[%run_scoped3A_103, %dma_start3A_115, %dma_start3A_116] : memref<2x80x128xf32, #tpu.memory_space<vmem>> -> memref<1x80x128xf32, #tpu.memory_space<vmem>>
        %dma_start3A_118 = tpu.memref_squeeze %dma_start3A_117 : memref<1x80x128xf32, #tpu.memory_space<vmem>> -> memref<80x128xf32, #tpu.memory_space<vmem>>
        %dma_start3A_119 = arith.constant 0 : i32
        %dma_start3A_120 = tpu.memref_slice %arg8[%add3A_102, %dma_start3A_119] : memref<10000x128xf32, #tpu.memory_space<vmem_shared>> -> memref<80x128xf32, #tpu.memory_space<vmem_shared>>
        %dma_start3A_121 = arith.constant 0 : i32
        %dma_start3A_122 = tpu.memref_slice %arg8[%add3A_102, %dma_start3A_121] : memref<10000x128xf32, #tpu.memory_space<vmem_shared>> -> memref<80x128xf32, #tpu.memory_space<vmem_shared>>
        %dma_start3A_123 = arith.constant 0 : i32
        %dma_start3A_124 = arith.constant 0 : i32
        %dma_start3A_125 = tpu.memref_slice %arg7[%run_scoped3A_103, %dma_start3A_123, %dma_start3A_124] : memref<2x80x128xf32, #tpu.memory_space<vmem>> -> memref<1x80x128xf32, #tpu.memory_space<vmem>>
        %dma_start3A_126 = tpu.memref_squeeze %dma_start3A_125 : memref<1x80x128xf32, #tpu.memory_space<vmem>> -> memref<80x128xf32, #tpu.memory_space<vmem>>
        tpu.enqueue_dma source(%dma_start3A_126 : memref<80x128xf32, #tpu.memory_space<vmem>>) target(%dma_start3A_122 : memref<80x128xf32, #tpu.memory_space<vmem_shared>>) target_semaphore(%run_scoped3A_114 : memref<!tpu.dma_semaphore, #tpu.memory_space<semaphore_mem>>)
        %dma_wait3A = arith.constant 0 : i32
        %dma_wait3A_127 = arith.constant 0 : i32
        %dma_wait3A_128 = tpu.memref_slice %arg7[%run_scoped3A_103, %dma_wait3A, %dma_wait3A_127] : memref<2x80x128xf32, #tpu.memory_space<vmem>> -> memref<1x80x128xf32, #tpu.memory_space<vmem>>
        %dma_wait3A_129 = tpu.memref_squeeze %dma_wait3A_128 : memref<1x80x128xf32, #tpu.memory_space<vmem>> -> memref<80x128xf32, #tpu.memory_space<vmem>>
        %dma_wait3A_130 = arith.constant 0 : i32
        %dma_wait3A_131 = tpu.memref_slice %arg8[%add3A_102, %dma_wait3A_130] : memref<10000x128xf32, #tpu.memory_space<vmem_shared>> -> memref<80x128xf32, #tpu.memory_space<vmem_shared>>
        %dma_wait3A_132 = arith.constant 0 : i32
        %dma_wait3A_133 = tpu.memref_slice %arg8[%add3A_102, %dma_wait3A_132] : memref<10000x128xf32, #tpu.memory_space<vmem_shared>> -> memref<80x128xf32, #tpu.memory_space<vmem_shared>>
        %dma_wait3A_134 = arith.constant 0 : i32
        %dma_wait3A_135 = arith.constant 0 : i32
        %dma_wait3A_136 = tpu.memref_slice %arg7[%run_scoped3A_103, %dma_wait3A_134, %dma_wait3A_135] : memref<2x80x128xf32, #tpu.memory_space<vmem>> -> memref<1x80x128xf32, #tpu.memory_space<vmem>>
        %dma_wait3A_137 = tpu.memref_squeeze %dma_wait3A_136 : memref<1x80x128xf32, #tpu.memory_space<vmem>> -> memref<80x128xf32, #tpu.memory_space<vmem>>
        tpu.wait_dma2 semaphore(%run_scoped3A_114 : memref<!tpu.dma_semaphore, #tpu.memory_space<semaphore_mem>>) src(%dma_wait3A_137 : memref<80x128xf32, #tpu.memory_space<vmem>>) dst(%dma_wait3A_133 : memref<80x128xf32, #tpu.memory_space<vmem_shared>>)
        tpu.yield
      }) : () -> ()
      %mul3A_104 = arith.constant 1000 : i32
      %mul3A_105 = arith.muli %arg1, %mul3A_104 : i32
      %add3A_106 = arith.constant 880 : i32
      %add3A_107 = arith.addi %mul3A_105, %add3A_106 : i32
      %run_scoped3A_108 = arith.constant 0 : i32
      "tpu.region"() ({
        %run_scoped3A_114 = tpu.sem_alloc : memref<!tpu.dma_semaphore, #tpu.memory_space<semaphore_mem>>
        %dma_start3A_115 = arith.constant 0 : i32
        %dma_start3A_116 = arith.constant 0 : i32
        %dma_start3A_117 = tpu.memref_slice %arg7[%run_scoped3A_108, %dma_start3A_115, %dma_start3A_116] : memref<2x80x128xf32, #tpu.memory_space<vmem>> -> memref<1x80x128xf32, #tpu.memory_space<vmem>>
        %dma_start3A_118 = tpu.memref_squeeze %dma_start3A_117 : memref<1x80x128xf32, #tpu.memory_space<vmem>> -> memref<80x128xf32, #tpu.memory_space<vmem>>
        %dma_start3A_119 = arith.constant 0 : i32
        %dma_start3A_120 = tpu.memref_slice %arg8[%add3A_107, %dma_start3A_119] : memref<10000x128xf32, #tpu.memory_space<vmem_shared>> -> memref<80x128xf32, #tpu.memory_space<vmem_shared>>
        %dma_start3A_121 = arith.constant 0 : i32
        %dma_start3A_122 = tpu.memref_slice %arg8[%add3A_107, %dma_start3A_121] : memref<10000x128xf32, #tpu.memory_space<vmem_shared>> -> memref<80x128xf32, #tpu.memory_space<vmem_shared>>
        %dma_start3A_123 = arith.constant 0 : i32
        %dma_start3A_124 = arith.constant 0 : i32
        %dma_start3A_125 = tpu.memref_slice %arg7[%run_scoped3A_108, %dma_start3A_123, %dma_start3A_124] : memref<2x80x128xf32, #tpu.memory_space<vmem>> -> memref<1x80x128xf32, #tpu.memory_space<vmem>>
        %dma_start3A_126 = tpu.memref_squeeze %dma_start3A_125 : memref<1x80x128xf32, #tpu.memory_space<vmem>> -> memref<80x128xf32, #tpu.memory_space<vmem>>
        tpu.enqueue_dma source(%dma_start3A_126 : memref<80x128xf32, #tpu.memory_space<vmem>>) target(%dma_start3A_122 : memref<80x128xf32, #tpu.memory_space<vmem_shared>>) target_semaphore(%run_scoped3A_114 : memref<!tpu.dma_semaphore, #tpu.memory_space<semaphore_mem>>)
        %dma_wait3A = arith.constant 0 : i32
        %dma_wait3A_127 = arith.constant 0 : i32
        %dma_wait3A_128 = tpu.memref_slice %arg7[%run_scoped3A_108, %dma_wait3A, %dma_wait3A_127] : memref<2x80x128xf32, #tpu.memory_space<vmem>> -> memref<1x80x128xf32, #tpu.memory_space<vmem>>
        %dma_wait3A_129 = tpu.memref_squeeze %dma_wait3A_128 : memref<1x80x128xf32, #tpu.memory_space<vmem>> -> memref<80x128xf32, #tpu.memory_space<vmem>>
        %dma_wait3A_130 = arith.constant 0 : i32
        %dma_wait3A_131 = tpu.memref_slice %arg8[%add3A_107, %dma_wait3A_130] : memref<10000x128xf32, #tpu.memory_space<vmem_shared>> -> memref<80x128xf32, #tpu.memory_space<vmem_shared>>
        %dma_wait3A_132 = arith.constant 0 : i32
        %dma_wait3A_133 = tpu.memref_slice %arg8[%add3A_107, %dma_wait3A_132] : memref<10000x128xf32, #tpu.memory_space<vmem_shared>> -> memref<80x128xf32, #tpu.memory_space<vmem_shared>>
        %dma_wait3A_134 = arith.constant 0 : i32
        %dma_wait3A_135 = arith.constant 0 : i32
        %dma_wait3A_136 = tpu.memref_slice %arg7[%run_scoped3A_108, %dma_wait3A_134, %dma_wait3A_135] : memref<2x80x128xf32, #tpu.memory_space<vmem>> -> memref<1x80x128xf32, #tpu.memory_space<vmem>>
        %dma_wait3A_137 = tpu.memref_squeeze %dma_wait3A_136 : memref<1x80x128xf32, #tpu.memory_space<vmem>> -> memref<80x128xf32, #tpu.memory_space<vmem>>
        tpu.wait_dma2 semaphore(%run_scoped3A_114 : memref<!tpu.dma_semaphore, #tpu.memory_space<semaphore_mem>>) src(%dma_wait3A_137 : memref<80x128xf32, #tpu.memory_space<vmem>>) dst(%dma_wait3A_133 : memref<80x128xf32, #tpu.memory_space<vmem_shared>>)
        tpu.yield
      }) : () -> ()
      %mul3A_109 = arith.constant 1000 : i32
      %mul3A_110 = arith.muli %arg1, %mul3A_109 : i32
      %add3A_111 = arith.constant 960 : i32
      %add3A_112 = arith.addi %mul3A_110, %add3A_111 : i32
      %run_scoped3A_113 = arith.constant 0 : i32
      "tpu.region"() ({
        %run_scoped3A_114 = tpu.sem_alloc : memref<!tpu.dma_semaphore, #tpu.memory_space<semaphore_mem>>
        %dma_start3A_115 = arith.constant 0 : i32
        %dma_start3A_116 = arith.constant 0 : i32
        %dma_start3A_117 = tpu.memref_slice %arg7[%run_scoped3A_113, %dma_start3A_115, %dma_start3A_116] : memref<2x80x128xf32, #tpu.memory_space<vmem>> -> memref<1x80x128xf32, #tpu.memory_space<vmem>>
        %dma_start3A_118 = tpu.memref_squeeze %dma_start3A_117 : memref<1x80x128xf32, #tpu.memory_space<vmem>> -> memref<80x128xf32, #tpu.memory_space<vmem>>
        %dma_start3A_119 = arith.constant 0 : i32
        %dma_start3A_120 = arith.constant 0 : i32
        %dma_start3A_121 = tpu.memref_slice %dma_start3A_118[%dma_start3A_119, %dma_start3A_120] : memref<80x128xf32, #tpu.memory_space<vmem>> -> memref<40x128xf32, #tpu.memory_space<vmem>>
        %dma_start3A_122 = arith.constant 0 : i32
        %dma_start3A_123 = tpu.memref_slice %arg8[%add3A_112, %dma_start3A_122] : memref<10000x128xf32, #tpu.memory_space<vmem_shared>> -> memref<40x128xf32, #tpu.memory_space<vmem_shared>>
        %dma_start3A_124 = arith.constant 0 : i32
        %dma_start3A_125 = tpu.memref_slice %arg8[%add3A_112, %dma_start3A_124] : memref<10000x128xf32, #tpu.memory_space<vmem_shared>> -> memref<40x128xf32, #tpu.memory_space<vmem_shared>>
        %dma_start3A_126 = arith.constant 0 : i32
        %dma_start3A_127 = arith.constant 0 : i32
        %dma_start3A_128 = tpu.memref_slice %arg7[%run_scoped3A_113, %dma_start3A_126, %dma_start3A_127] : memref<2x80x128xf32, #tpu.memory_space<vmem>> -> memref<1x80x128xf32, #tpu.memory_space<vmem>>
        %dma_start3A_129 = tpu.memref_squeeze %dma_start3A_128 : memref<1x80x128xf32, #tpu.memory_space<vmem>> -> memref<80x128xf32, #tpu.memory_space<vmem>>
        %dma_start3A_130 = arith.constant 0 : i32
        %dma_start3A_131 = arith.constant 0 : i32
        %dma_start3A_132 = tpu.memref_slice %dma_start3A_129[%dma_start3A_130, %dma_start3A_131] : memref<80x128xf32, #tpu.memory_space<vmem>> -> memref<40x128xf32, #tpu.memory_space<vmem>>
        tpu.enqueue_dma source(%dma_start3A_132 : memref<40x128xf32, #tpu.memory_space<vmem>>) target(%dma_start3A_125 : memref<40x128xf32, #tpu.memory_space<vmem_shared>>) target_semaphore(%run_scoped3A_114 : memref<!tpu.dma_semaphore, #tpu.memory_space<semaphore_mem>>)
        %dma_wait3A = arith.constant 0 : i32
        %dma_wait3A_133 = arith.constant 0 : i32
        %dma_wait3A_134 = tpu.memref_slice %arg7[%run_scoped3A_113, %dma_wait3A, %dma_wait3A_133] : memref<2x80x128xf32, #tpu.memory_space<vmem>> -> memref<1x80x128xf32, #tpu.memory_space<vmem>>
        %dma_wait3A_135 = tpu.memref_squeeze %dma_wait3A_134 : memref<1x80x128xf32, #tpu.memory_space<vmem>> -> memref<80x128xf32, #tpu.memory_space<vmem>>
        %dma_wait3A_136 = arith.constant 0 : i32
        %dma_wait3A_137 = arith.constant 0 : i32
        %dma_wait3A_138 = tpu.memref_slice %dma_wait3A_135[%dma_wait3A_136, %dma_wait3A_137] : memref<80x128xf32, #tpu.memory_space<vmem>> -> memref<40x128xf32, #tpu.memory_space<vmem>>
        %dma_wait3A_139 = arith.constant 0 : i32
        %dma_wait3A_140 = tpu.memref_slice %arg8[%add3A_112, %dma_wait3A_139] : memref<10000x128xf32, #tpu.memory_space<vmem_shared>> -> memref<40x128xf32, #tpu.memory_space<vmem_shared>>
        %dma_wait3A_141 = arith.constant 0 : i32
        %dma_wait3A_142 = tpu.memref_slice %arg8[%add3A_112, %dma_wait3A_141] : memref<10000x128xf32, #tpu.memory_space<vmem_shared>> -> memref<40x128xf32, #tpu.memory_space<vmem_shared>>
        %dma_wait3A_143 = arith.constant 0 : i32
        %dma_wait3A_144 = arith.constant 0 : i32
        %dma_wait3A_145 = tpu.memref_slice %arg7[%run_scoped3A_113, %dma_wait3A_143, %dma_wait3A_144] : memref<2x80x128xf32, #tpu.memory_space<vmem>> -> memref<1x80x128xf32, #tpu.memory_space<vmem>>
        %dma_wait3A_146 = tpu.memref_squeeze %dma_wait3A_145 : memref<1x80x128xf32, #tpu.memory_space<vmem>> -> memref<80x128xf32, #tpu.memory_space<vmem>>
        %dma_wait3A_147 = arith.constant 0 : i32
        %dma_wait3A_148 = arith.constant 0 : i32
        %dma_wait3A_149 = tpu.memref_slice %dma_wait3A_146[%dma_wait3A_147, %dma_wait3A_148] : memref<80x128xf32, #tpu.memory_space<vmem>> -> memref<40x128xf32, #tpu.memory_space<vmem>>
        tpu.wait_dma2 semaphore(%run_scoped3A_114 : memref<!tpu.dma_semaphore, #tpu.memory_space<semaphore_mem>>) src(%dma_wait3A_149 : memref<40x128xf32, #tpu.memory_space<vmem>>) dst(%dma_wait3A_142 : memref<40x128xf32, #tpu.memory_space<vmem_shared>>)
        tpu.yield
      }) : () -> ()
    } else {
    }
    %mul3A = arith.constant 16 : i32
    %mul3A_7 = arith.muli %arg0, %mul3A : i32
    %add3A = arith.addi %mul3A_7, %arg1 : i32
    %mul3A_8 = arith.constant 10000 : i32
    %mul3A_9 = arith.muli %add3A, %mul3A_8 : i32
    "tpu.region"() ({
      %run_scoped3A = tpu.sem_alloc : memref<!tpu.dma_semaphore, #tpu.memory_space<semaphore_mem>>
      %dma_start3A_50 = tpu.memref_slice %arg3[%mul3A_9] : memref<640000xi32, #tpu.memory_space<hbm>> -> memref<10000xi32, #tpu.memory_space<hbm>>
      %dma_start3A_51 = tpu.memref_slice %arg3[%mul3A_9] : memref<640000xi32, #tpu.memory_space<hbm>> -> memref<10000xi32, #tpu.memory_space<hbm>>
      tpu.enqueue_dma source(%dma_start3A_51 : memref<10000xi32, #tpu.memory_space<hbm>>) target(%arg5 : memref<10000xi32, #tpu.memory_space<vmem>>) target_semaphore(%run_scoped3A : memref<!tpu.dma_semaphore, #tpu.memory_space<semaphore_mem>>)
      %dma_wait3A = tpu.memref_slice %arg3[%mul3A_9] : memref<640000xi32, #tpu.memory_space<hbm>> -> memref<10000xi32, #tpu.memory_space<hbm>>
      %dma_wait3A_52 = tpu.memref_slice %arg3[%mul3A_9] : memref<640000xi32, #tpu.memory_space<hbm>> -> memref<10000xi32, #tpu.memory_space<hbm>>
      tpu.wait_dma2 semaphore(%run_scoped3A : memref<!tpu.dma_semaphore, #tpu.memory_space<semaphore_mem>>) src(%dma_wait3A_52 : memref<10000xi32, #tpu.memory_space<hbm>>) dst(%arg5 : memref<10000xi32, #tpu.memory_space<vmem>>)
      tpu.yield
    }) : () -> ()
    %barrier3A = arith.constant 0 : index
    tpu.barrier barrier_id(%barrier3A)
    %add3A_10 = arith.constant 0 : i32
    %add3A_11 = arith.addi %mul3A_9, %add3A_10 : i32
    %add3A_12 = arith.constant 320000 : i32
    %add3A_13 = arith.addi %add3A_12, %add3A_11 : i32
    %dma_start3A = arith.constant 0 : i32
    %dma_start3A_14 = arith.constant 0 : i32
    %dma_start3A_15 = arith.constant 0 : i32
    %dma_start3A_16 = tpu.memref_slice %arg6[%dma_start3A, %dma_start3A_15] : memref<2x80xi32, #tpu.memory_space<vmem>> -> memref<1x80xi32, #tpu.memory_space<vmem>>
    %dma_start3A_17 = tpu.memref_squeeze %dma_start3A_16 : memref<1x80xi32, #tpu.memory_space<vmem>> -> memref<80xi32, #tpu.memory_space<vmem>>
    %dma_start3A_18 = tpu.memref_slice %arg3[%add3A_13] : memref<640000xi32, #tpu.memory_space<hbm>> -> memref<80xi32, #tpu.memory_space<hbm>>
    %dma_start3A_19 = tpu.memref_slice %arg9[%dma_start3A_14] : memref<2x!tpu.dma_semaphore, #tpu.memory_space<semaphore_mem>> -> memref<1x!tpu.dma_semaphore, #tpu.memory_space<semaphore_mem>>
    %dma_start3A_20 = tpu.memref_squeeze %dma_start3A_19 : memref<1x!tpu.dma_semaphore, #tpu.memory_space<semaphore_mem>> -> memref<!tpu.dma_semaphore, #tpu.memory_space<semaphore_mem>>
    %dma_start3A_21 = arith.constant 0 : i32
    %dma_start3A_22 = tpu.memref_slice %arg6[%dma_start3A, %dma_start3A_21] : memref<2x80xi32, #tpu.memory_space<vmem>> -> memref<1x80xi32, #tpu.memory_space<vmem>>
    %dma_start3A_23 = tpu.memref_squeeze %dma_start3A_22 : memref<1x80xi32, #tpu.memory_space<vmem>> -> memref<80xi32, #tpu.memory_space<vmem>>
    %dma_start3A_24 = tpu.memref_slice %arg3[%add3A_13] : memref<640000xi32, #tpu.memory_space<hbm>> -> memref<80xi32, #tpu.memory_space<hbm>>
    tpu.enqueue_dma source(%dma_start3A_24 : memref<80xi32, #tpu.memory_space<hbm>>) target(%dma_start3A_23 : memref<80xi32, #tpu.memory_space<vmem>>) target_semaphore(%dma_start3A_20 : memref<!tpu.dma_semaphore, #tpu.memory_space<semaphore_mem>>)
    %dma_start3A_25 = arith.constant 0 : i32
    %dma_start3A_26 = arith.constant 0 : i32
    %dma_start3A_27 = arith.constant 0 : i32
    %dma_start3A_28 = arith.constant 0 : i32
    %dma_start3A_29 = tpu.memref_slice %arg7[%dma_start3A_25, %dma_start3A_27, %dma_start3A_28] : memref<2x80x128xf32, #tpu.memory_space<vmem>> -> memref<1x80x128xf32, #tpu.memory_space<vmem>>
    %dma_start3A_30 = tpu.memref_squeeze %dma_start3A_29 : memref<1x80x128xf32, #tpu.memory_space<vmem>> -> memref<80x128xf32, #tpu.memory_space<vmem>>
    %dma_start3A_31 = arith.constant 0 : i32
    %dma_start3A_32 = tpu.memref_slice %arg5[%dma_start3A_31] : memref<10000xi32, #tpu.memory_space<vmem>> -> memref<80xi32, #tpu.memory_space<vmem>>
    %dma_start3A_33 = arith.constant 0 : i32
    %dma_start3A_34 = arith.constant 0 : i32
    %dma_start3A_35 = tpu.memref_slice %arg2[%dma_start3A_33, %dma_start3A_34] : memref<10000x128xf32, #tpu.memory_space<hbm>> -> memref<10000x128xf32, #tpu.memory_space<hbm>>
    %dma_start3A_36 = tpu.memref_slice %arg9[%dma_start3A_26] : memref<2x!tpu.dma_semaphore, #tpu.memory_space<semaphore_mem>> -> memref<1x!tpu.dma_semaphore, #tpu.memory_space<semaphore_mem>>
    %dma_start3A_37 = tpu.memref_squeeze %dma_start3A_36 : memref<1x!tpu.dma_semaphore, #tpu.memory_space<semaphore_mem>> -> memref<!tpu.dma_semaphore, #tpu.memory_space<semaphore_mem>>
    tpu.enqueue_indirect_dma source(%dma_start3A_35 : memref<10000x128xf32, #tpu.memory_space<hbm>>) target(%dma_start3A_30 : memref<80x128xf32, #tpu.memory_space<vmem>>) offsets(%dma_start3A_32 : memref<80xi32, #tpu.memory_space<vmem>>) semaphore(%dma_start3A_37 : memref<!tpu.dma_semaphore, #tpu.memory_space<semaphore_mem>>)
    %scan3A_38 = arith.constant 0 : i32
    %scan3A_39 = arith.constant 0 : i32
    %scan3A_40 = arith.constant 125 : i32
    %scan3A_41 = arith.addi %scan3A_39, %scan3A_40 : i32
    %scan3A_42 = arith.constant 1 : i32
    scf.for %scan3A_50 = %scan3A_39 to %scan3A_41 step %scan3A_42  : i32 {
      %rem3A = arith.constant 2 : i32
      %rem3A_51 = arith.remsi %scan3A_50, %rem3A : i32
      %add3A_52 = arith.constant 1 : i32
      %add3A_53 = arith.addi %scan3A_50, %add3A_52 : i32
      %lt3A_54 = arith.constant 125 : i32
      %lt3A_55 = arith.cmpi slt, %add3A_53, %lt3A_54 : i32
      %convert_element_type3A_56 = arith.extui %lt3A_55 : i1 to i32
      %cond3A_57 = arith.constant 0 : i32
      %cond3A_58 = arith.cmpi ne, %convert_element_type3A_56, %cond3A_57 : i32
      scf.if %cond3A_58 {
        %add3A_86 = arith.constant 1 : i32
        %add3A_87 = arith.addi %scan3A_50, %add3A_86 : i32
        %sub3A = arith.constant 1 : i32
        %sub3A_88 = arith.subi %sub3A, %rem3A_51 : i32
        %mul3A_89 = arith.constant 80 : i32
        %mul3A_90 = arith.muli %add3A_87, %mul3A_89 : i32
        %add3A_91 = arith.addi %mul3A_9, %mul3A_90 : i32
        %add3A_92 = arith.constant 320000 : i32
        %add3A_93 = arith.addi %add3A_92, %add3A_91 : i32
        %dma_start3A_94 = arith.constant 0 : i32
        %dma_start3A_95 = tpu.memref_slice %arg6[%sub3A_88, %dma_start3A_94] : memref<2x80xi32, #tpu.memory_space<vmem>> -> memref<1x80xi32, #tpu.memory_space<vmem>>
        %dma_start3A_96 = tpu.memref_squeeze %dma_start3A_95 : memref<1x80xi32, #tpu.memory_space<vmem>> -> memref<80xi32, #tpu.memory_space<vmem>>
        %dma_start3A_97 = tpu.memref_slice %arg3[%add3A_93] : memref<640000xi32, #tpu.memory_space<hbm>> -> memref<80xi32, #tpu.memory_space<hbm>>
        %dma_start3A_98 = tpu.memref_slice %arg9[%sub3A_88] : memref<2x!tpu.dma_semaphore, #tpu.memory_space<semaphore_mem>> -> memref<1x!tpu.dma_semaphore, #tpu.memory_space<semaphore_mem>>
        %dma_start3A_99 = tpu.memref_squeeze %dma_start3A_98 : memref<1x!tpu.dma_semaphore, #tpu.memory_space<semaphore_mem>> -> memref<!tpu.dma_semaphore, #tpu.memory_space<semaphore_mem>>
        %dma_start3A_100 = arith.constant 0 : i32
        %dma_start3A_101 = tpu.memref_slice %arg6[%sub3A_88, %dma_start3A_100] : memref<2x80xi32, #tpu.memory_space<vmem>> -> memref<1x80xi32, #tpu.memory_space<vmem>>
        %dma_start3A_102 = tpu.memref_squeeze %dma_start3A_101 : memref<1x80xi32, #tpu.memory_space<vmem>> -> memref<80xi32, #tpu.memory_space<vmem>>
        %dma_start3A_103 = tpu.memref_slice %arg3[%add3A_93] : memref<640000xi32, #tpu.memory_space<hbm>> -> memref<80xi32, #tpu.memory_space<hbm>>
        tpu.enqueue_dma source(%dma_start3A_103 : memref<80xi32, #tpu.memory_space<hbm>>) target(%dma_start3A_102 : memref<80xi32, #tpu.memory_space<vmem>>) target_semaphore(%dma_start3A_99 : memref<!tpu.dma_semaphore, #tpu.memory_space<semaphore_mem>>)
        %mul3A_104 = arith.constant 80 : i32
        %mul3A_105 = arith.muli %add3A_87, %mul3A_104 : i32
        %dma_start3A_106 = arith.constant 0 : i32
        %dma_start3A_107 = arith.constant 0 : i32
        %dma_start3A_108 = tpu.memref_slice %arg7[%sub3A_88, %dma_start3A_106, %dma_start3A_107] : memref<2x80x128xf32, #tpu.memory_space<vmem>> -> memref<1x80x128xf32, #tpu.memory_space<vmem>>
        %dma_start3A_109 = tpu.memref_squeeze %dma_start3A_108 : memref<1x80x128xf32, #tpu.memory_space<vmem>> -> memref<80x128xf32, #tpu.memory_space<vmem>>
        %dma_start3A_110 = tpu.memref_slice %arg5[%mul3A_105] : memref<10000xi32, #tpu.memory_space<vmem>> -> memref<80xi32, #tpu.memory_space<vmem>>
        %dma_start3A_111 = arith.constant 0 : i32
        %dma_start3A_112 = arith.constant 0 : i32
        %dma_start3A_113 = tpu.memref_slice %arg2[%dma_start3A_111, %dma_start3A_112] : memref<10000x128xf32, #tpu.memory_space<hbm>> -> memref<10000x128xf32, #tpu.memory_space<hbm>>
        %dma_start3A_114 = tpu.memref_slice %arg9[%sub3A_88] : memref<2x!tpu.dma_semaphore, #tpu.memory_space<semaphore_mem>> -> memref<1x!tpu.dma_semaphore, #tpu.memory_space<semaphore_mem>>
        %dma_start3A_115 = tpu.memref_squeeze %dma_start3A_114 : memref<1x!tpu.dma_semaphore, #tpu.memory_space<semaphore_mem>> -> memref<!tpu.dma_semaphore, #tpu.memory_space<semaphore_mem>>
        tpu.enqueue_indirect_dma source(%dma_start3A_113 : memref<10000x128xf32, #tpu.memory_space<hbm>>) target(%dma_start3A_109 : memref<80x128xf32, #tpu.memory_space<vmem>>) offsets(%dma_start3A_110 : memref<80xi32, #tpu.memory_space<vmem>>) semaphore(%dma_start3A_115 : memref<!tpu.dma_semaphore, #tpu.memory_space<semaphore_mem>>)
      } else {
      }
      %dma_wait3A = arith.constant 0 : i32
      %dma_wait3A_59 = tpu.memref_slice %arg6[%rem3A_51, %dma_wait3A] : memref<2x80xi32, #tpu.memory_space<vmem>> -> memref<1x80xi32, #tpu.memory_space<vmem>>
      %dma_wait3A_60 = tpu.memref_squeeze %dma_wait3A_59 : memref<1x80xi32, #tpu.memory_space<vmem>> -> memref<80xi32, #tpu.memory_space<vmem>>
      %dma_wait3A_61 = arith.constant 0 : i32
      %dma_wait3A_62 = tpu.memref_slice %arg3[%dma_wait3A_61] : memref<640000xi32, #tpu.memory_space<hbm>> -> memref<80xi32, #tpu.memory_space<hbm>>
      %dma_wait3A_63 = tpu.memref_slice %arg9[%rem3A_51] : memref<2x!tpu.dma_semaphore, #tpu.memory_space<semaphore_mem>> -> memref<1x!tpu.dma_semaphore, #tpu.memory_space<semaphore_mem>>
      %dma_wait3A_64 = tpu.memref_squeeze %dma_wait3A_63 : memref<1x!tpu.dma_semaphore, #tpu.memory_space<semaphore_mem>> -> memref<!tpu.dma_semaphore, #tpu.memory_space<semaphore_mem>>
      %dma_wait3A_65 = arith.constant 0 : i32
      %dma_wait3A_66 = tpu.memref_slice %arg6[%rem3A_51, %dma_wait3A_65] : memref<2x80xi32, #tpu.memory_space<vmem>> -> memref<1x80xi32, #tpu.memory_space<vmem>>
      %dma_wait3A_67 = tpu.memref_squeeze %dma_wait3A_66 : memref<1x80xi32, #tpu.memory_space<vmem>> -> memref<80xi32, #tpu.memory_space<vmem>>
      %dma_wait3A_68 = arith.constant 0 : i32
      %dma_wait3A_69 = tpu.memref_slice %arg3[%dma_wait3A_68] : memref<640000xi32, #tpu.memory_space<hbm>> -> memref<80xi32, #tpu.memory_space<hbm>>
      tpu.wait_dma2 semaphore(%dma_wait3A_64 : memref<!tpu.dma_semaphore, #tpu.memory_space<semaphore_mem>>) src(%dma_wait3A_69 : memref<80xi32, #tpu.memory_space<hbm>>) dst(%dma_wait3A_67 : memref<80xi32, #tpu.memory_space<vmem>>)
      %dma_wait3A_70 = arith.constant 0 : i32
      %dma_wait3A_71 = arith.constant 0 : i32
      %dma_wait3A_72 = tpu.memref_slice %arg7[%rem3A_51, %dma_wait3A_70, %dma_wait3A_71] : memref<2x80x128xf32, #tpu.memory_space<vmem>> -> memref<1x80x128xf32, #tpu.memory_space<vmem>>
      %dma_wait3A_73 = tpu.memref_squeeze %dma_wait3A_72 : memref<1x80x128xf32, #tpu.memory_space<vmem>> -> memref<80x128xf32, #tpu.memory_space<vmem>>
      %dma_wait3A_74 = arith.constant 0 : i32
      %dma_wait3A_75 = arith.constant 0 : i32
      %dma_wait3A_76 = tpu.memref_slice %arg2[%dma_wait3A_74, %dma_wait3A_75] : memref<10000x128xf32, #tpu.memory_space<hbm>> -> memref<80x128xf32, #tpu.memory_space<hbm>>
      %dma_wait3A_77 = tpu.memref_slice %arg9[%rem3A_51] : memref<2x!tpu.dma_semaphore, #tpu.memory_space<semaphore_mem>> -> memref<1x!tpu.dma_semaphore, #tpu.memory_space<semaphore_mem>>
      %dma_wait3A_78 = tpu.memref_squeeze %dma_wait3A_77 : memref<1x!tpu.dma_semaphore, #tpu.memory_space<semaphore_mem>> -> memref<!tpu.dma_semaphore, #tpu.memory_space<semaphore_mem>>
      %dma_wait3A_79 = arith.constant 0 : i32
      %dma_wait3A_80 = arith.constant 0 : i32
      %dma_wait3A_81 = tpu.memref_slice %arg7[%rem3A_51, %dma_wait3A_79, %dma_wait3A_80] : memref<2x80x128xf32, #tpu.memory_space<vmem>> -> memref<1x80x128xf32, #tpu.memory_space<vmem>>
      %dma_wait3A_82 = tpu.memref_squeeze %dma_wait3A_81 : memref<1x80x128xf32, #tpu.memory_space<vmem>> -> memref<80x128xf32, #tpu.memory_space<vmem>>
      %dma_wait3A_83 = arith.constant 0 : i32
      %dma_wait3A_84 = arith.constant 0 : i32
      %dma_wait3A_85 = tpu.memref_slice %arg2[%dma_wait3A_83, %dma_wait3A_84] : memref<10000x128xf32, #tpu.memory_space<hbm>> -> memref<80x128xf32, #tpu.memory_space<hbm>>
      tpu.wait_dma2 semaphore(%dma_wait3A_78 : memref<!tpu.dma_semaphore, #tpu.memory_space<semaphore_mem>>) src(%dma_wait3A_85 : memref<80x128xf32, #tpu.memory_space<hbm>>) dst(%dma_wait3A_82 : memref<80x128xf32, #tpu.memory_space<vmem>>)
      "tpu.region"() ({
        %run_scoped3A = tpu.sem_alloc : memref<!tpu.dma_semaphore, #tpu.memory_space<semaphore_mem>>
        %dma_start3A_86 = arith.constant 0 : i32
        %dma_start3A_87 = arith.constant 0 : i32
        %dma_start3A_88 = tpu.memref_slice %arg7[%rem3A_51, %dma_start3A_86, %dma_start3A_87] : memref<2x80x128xf32, #tpu.memory_space<vmem>> -> memref<1x80x128xf32, #tpu.memory_space<vmem>>
        %dma_start3A_89 = tpu.memref_squeeze %dma_start3A_88 : memref<1x80x128xf32, #tpu.memory_space<vmem>> -> memref<80x128xf32, #tpu.memory_space<vmem>>
        %dma_start3A_90 = arith.constant 0 : i32
        %dma_start3A_91 = tpu.memref_slice %arg6[%rem3A_51, %dma_start3A_90] : memref<2x80xi32, #tpu.memory_space<vmem>> -> memref<1x80xi32, #tpu.memory_space<vmem>>
        %dma_start3A_92 = tpu.memref_squeeze %dma_start3A_91 : memref<1x80xi32, #tpu.memory_space<vmem>> -> memref<80xi32, #tpu.memory_space<vmem>>
        %dma_start3A_93 = arith.constant 0 : i32
        %dma_start3A_94 = arith.constant 0 : i32
        %dma_start3A_95 = tpu.memref_slice %arg8[%dma_start3A_93, %dma_start3A_94] : memref<10000x128xf32, #tpu.memory_space<vmem_shared>> -> memref<10000x128xf32, #tpu.memory_space<vmem_shared>>
        tpu.enqueue_indirect_dma source(%dma_start3A_89 : memref<80x128xf32, #tpu.memory_space<vmem>>) target(%dma_start3A_95 : memref<10000x128xf32, #tpu.memory_space<vmem_shared>>) offsets(%dma_start3A_92 : memref<80xi32, #tpu.memory_space<vmem>>) semaphore(%run_scoped3A : memref<!tpu.dma_semaphore, #tpu.memory_space<semaphore_mem>>) {add = true}
        %dma_wait3A_96 = arith.constant 0 : i32
        %dma_wait3A_97 = arith.constant 0 : i32
        %dma_wait3A_98 = tpu.memref_slice %arg7[%rem3A_51, %dma_wait3A_96, %dma_wait3A_97] : memref<2x80x128xf32, #tpu.memory_space<vmem>> -> memref<1x80x128xf32, #tpu.memory_space<vmem>>
        %dma_wait3A_99 = tpu.memref_squeeze %dma_wait3A_98 : memref<1x80x128xf32, #tpu.memory_space<vmem>> -> memref<80x128xf32, #tpu.memory_space<vmem>>
        %dma_wait3A_100 = arith.constant 0 : i32
        %dma_wait3A_101 = tpu.memref_slice %arg6[%rem3A_51, %dma_wait3A_100] : memref<2x80xi32, #tpu.memory_space<vmem>> -> memref<1x80xi32, #tpu.memory_space<vmem>>
        %dma_wait3A_102 = tpu.memref_squeeze %dma_wait3A_101 : memref<1x80xi32, #tpu.memory_space<vmem>> -> memref<80xi32, #tpu.memory_space<vmem>>
        %dma_wait3A_103 = arith.constant 0 : i32
        %dma_wait3A_104 = arith.constant 0 : i32
        %dma_wait3A_105 = tpu.memref_slice %arg8[%dma_wait3A_103, %dma_wait3A_104] : memref<10000x128xf32, #tpu.memory_space<vmem_shared>> -> memref<10000x128xf32, #tpu.memory_space<vmem_shared>>
        tpu.wait_indirect_dma semaphore(%run_scoped3A : memref<!tpu.dma_semaphore, #tpu.memory_space<semaphore_mem>>) src(%dma_wait3A_99 : memref<80x128xf32, #tpu.memory_space<vmem>>) dst(%dma_wait3A_105 : memref<10000x128xf32, #tpu.memory_space<vmem_shared>>)
        tpu.yield
      }) : () -> ()
    }
    %scan3A_43 = arith.constant 125 : i32
    %barrier3A_44 = arith.constant 0 : index
    tpu.barrier barrier_id(%barrier3A_44)
    %lt3A_45 = arith.constant 10 : i32
    %lt3A_46 = arith.cmpi slt, %arg1, %lt3A_45 : i32
    %convert_element_type3A_47 = arith.extui %lt3A_46 : i1 to i32
    %cond3A_48 = arith.constant 0 : i32
    %cond3A_49 = arith.cmpi ne, %convert_element_type3A_47, %cond3A_48 : i32
    scf.if %cond3A_49 {
      %mul3A_50 = arith.constant 1000 : i32
      %mul3A_51 = arith.muli %arg1, %mul3A_50 : i32
      "tpu.region"() ({
        %run_scoped3A = tpu.sem_alloc : memref<!tpu.dma_semaphore, #tpu.memory_space<semaphore_mem>>
        %dma_start3A_52 = arith.constant 0 : i32
        %dma_start3A_53 = tpu.memref_slice %arg4[%arg0, %mul3A_51, %dma_start3A_52] : memref<2x10000x128xf32, #tpu.memory_space<hbm>> -> memref<1x1000x128xf32, #tpu.memory_space<hbm>>
        %dma_start3A_54 = tpu.memref_squeeze %dma_start3A_53 : memref<1x1000x128xf32, #tpu.memory_space<hbm>> -> memref<1000x128xf32, #tpu.memory_space<hbm>>
        %dma_start3A_55 = arith.constant 0 : i32
        %dma_start3A_56 = tpu.memref_slice %arg8[%mul3A_51, %dma_start3A_55] : memref<10000x128xf32, #tpu.memory_space<vmem_shared>> -> memref<1000x128xf32, #tpu.memory_space<vmem_shared>>
        tpu.enqueue_dma source(%dma_start3A_56 : memref<1000x128xf32, #tpu.memory_space<vmem_shared>>) target(%dma_start3A_54 : memref<1000x128xf32, #tpu.memory_space<hbm>>) target_semaphore(%run_scoped3A : memref<!tpu.dma_semaphore, #tpu.memory_space<semaphore_mem>>)
        %dma_wait3A = arith.constant 0 : i32
        %dma_wait3A_57 = tpu.memref_slice %arg4[%arg0, %mul3A_51, %dma_wait3A] : memref<2x10000x128xf32, #tpu.memory_space<hbm>> -> memref<1x1000x128xf32, #tpu.memory_space<hbm>>
        %dma_wait3A_58 = tpu.memref_squeeze %dma_wait3A_57 : memref<1x1000x128xf32, #tpu.memory_space<hbm>> -> memref<1000x128xf32, #tpu.memory_space<hbm>>
        %dma_wait3A_59 = arith.constant 0 : i32
        %dma_wait3A_60 = tpu.memref_slice %arg8[%mul3A_51, %dma_wait3A_59] : memref<10000x128xf32, #tpu.memory_space<vmem_shared>> -> memref<1000x128xf32, #tpu.memory_space<vmem_shared>>
        tpu.wait_dma2 semaphore(%run_scoped3A : memref<!tpu.dma_semaphore, #tpu.memory_space<semaphore_mem>>) src(%dma_wait3A_60 : memref<1000x128xf32, #tpu.memory_space<vmem_shared>>) dst(%dma_wait3A_58 : memref<1000x128xf32, #tpu.memory_space<hbm>>)
        tpu.yield
      }) : () -> ()
    } else {
    }
    return
  }
}

module attributes {stable_mosaic.version = 14 : i64} {
  func.func @_edge_enc_body(%arg0: i32, %arg1: memref<16x6400xf32, #tpu.memory_space<vmem>>, %arg2: memref<16x128xf32, #tpu.memory_space<vmem>>, %arg3: memref<1x128xf32, #tpu.memory_space<vmem>>, %arg4: memref<6400x128xf32, #tpu.memory_space<vmem>>) attributes {dimension_semantics = [#tpu.dimension_semantics<arbitrary>], iteration_bounds = array<i64: 50>, scalar_prefetch = 0 : i64, scratch_operands = 0 : i64, tpu.core_type = #tpu.core_type<tc>, window_params = [{transform_indices = @transform_0, window_bounds = array<i64: 16, 6400>}, {pipeline_mode = #tpu.pipeline_mode<synchronous>, transform_indices = @transform_1, window_bounds = array<i64: 16, 128>}, {pipeline_mode = #tpu.pipeline_mode<synchronous>, transform_indices = @transform_2, window_bounds = array<i64: 1, 128>}, {transform_indices = @transform_3, window_bounds = array<i64: 6400, 128>}]} {
    %get3A = arith.constant 0 : index
    %get3A_0 = arith.constant 0 : index
    %get3A_1 = vector.load %arg1[%get3A, %get3A_0] : memref<16x6400xf32, #tpu.memory_space<vmem>>, vector<16x6400xf32>
    %get3A_2 = arith.constant 0 : index
    %get3A_3 = arith.constant 0 : index
    %get3A_4 = vector.load %arg2[%get3A_2, %get3A_3] : memref<16x128xf32, #tpu.memory_space<vmem>>, vector<16x128xf32>
    %dot_general3A = arith.constant dense<0.000000e+00> : vector<6400x128xf32>
    %dot_general3A_5 = tpu.matmul %get3A_1, %get3A_4, %dot_general3A {dimension_numbers = #tpu.dot_dimension_numbers<[0], [0], [1], [1], [0, 1, 1, 1], [], []>, transpose_lhs_hint = false} : vector<16x6400xf32>, vector<16x128xf32>, vector<6400x128xf32> -> vector<6400x128xf32>
    %get3A_6 = arith.constant 0 : index
    %get3A_7 = arith.constant 0 : index
    %get3A_8 = vector.load %arg3[%get3A_6, %get3A_7] : memref<1x128xf32, #tpu.memory_space<vmem>>, vector<1x128xf32>
    %add3A = vector.broadcast %get3A_8 : vector<1x128xf32> to vector<6400x128xf32>
    %add3A_9 = arith.addf %dot_general3A_5, %add3A : vector<6400x128xf32>
    %max3A = arith.constant 0.000000e+00 : f32
    %max3A_10 = vector.broadcast %max3A : f32 to vector<6400x128xf32>
    %max3A_11 = arith.maximumf %add3A_9, %max3A_10 : vector<6400x128xf32>
    %swap3A = arith.constant 0 : index
    %swap3A_12 = arith.constant 0 : index
    %swap3A_13 = vector.load %arg4[%swap3A, %swap3A_12] : memref<6400x128xf32, #tpu.memory_space<vmem>>, vector<6400x128xf32>
    tpu.vector_store %arg4[%swap3A, %swap3A_12], %max3A_11 {strides = array<i32>} : memref<6400x128xf32, #tpu.memory_space<vmem>>, vector<6400x128xf32>,
    return
  }
  func.func @transform_0(%arg0: i32) -> (i32, i32) {
    %c0_i32 = arith.constant 0 : i32
    %c0_i32_0 = arith.constant 0 : i32
    return %c0_i32, %arg0 : i32, i32
  }
  func.func @transform_1(%arg0: i32) -> (i32, i32) {
    %c0_i32 = arith.constant 0 : i32
    %c0_i32_0 = arith.constant 0 : i32
    %c0_i32_1 = arith.constant 0 : i32
    return %c0_i32, %c0_i32_0 : i32, i32
  }
  func.func @transform_2(%arg0: i32) -> (i32, i32) {
    %c0_i32 = arith.constant 0 : i32
    %c0_i32_0 = arith.constant 0 : i32
    %c0_i32_1 = arith.constant 0 : i32
    return %c0_i32, %c0_i32_0 : i32, i32
  }
  func.func @transform_3(%arg0: i32) -> (i32, i32) {
    %c0_i32 = arith.constant 0 : i32
    %c0_i32_0 = arith.constant 0 : i32
    return %arg0, %c0_i32 : i32, i32
  }
}

module attributes {stable_mosaic.version = 14 : i64} {
  func.func @_mlp1_body(%arg0: i32, %arg1: memref<2x1000x128xf32, #tpu.memory_space<vmem>>, %arg2: memref<1000x128xf32, #tpu.memory_space<vmem>>, %arg3: memref<128x512xf32, #tpu.memory_space<vmem>>, %arg4: memref<1x512xf32, #tpu.memory_space<vmem>>, %arg5: memref<512x128xf32, #tpu.memory_space<vmem>>, %arg6: memref<1x128xf32, #tpu.memory_space<vmem>>, %arg7: memref<1000x128xf32, #tpu.memory_space<vmem>>, %arg8: memref<1000x128xf32, #tpu.memory_space<vmem>>, %arg9: memref<1000x128xf32, #tpu.memory_space<vmem>>) attributes {dimension_semantics = [#tpu.dimension_semantics<arbitrary>], iteration_bounds = array<i64: 10>, scalar_prefetch = 0 : i64, scratch_operands = 0 : i64, tpu.core_type = #tpu.core_type<tc>, window_params = [{transform_indices = @transform_0, window_bounds = array<i64: 2, 1000, 128>}, {transform_indices = @transform_1, window_bounds = array<i64: 1000, 128>}, {pipeline_mode = #tpu.pipeline_mode<synchronous>, transform_indices = @transform_2, window_bounds = array<i64: 128, 512>}, {pipeline_mode = #tpu.pipeline_mode<synchronous>, transform_indices = @transform_3, window_bounds = array<i64: 1, 512>}, {pipeline_mode = #tpu.pipeline_mode<synchronous>, transform_indices = @transform_4, window_bounds = array<i64: 512, 128>}, {pipeline_mode = #tpu.pipeline_mode<synchronous>, transform_indices = @transform_5, window_bounds = array<i64: 1, 128>}, {transform_indices = @transform_6, window_bounds = array<i64: 1000, 128>}, {transform_indices = @transform_7, window_bounds = array<i64: 1000, 128>}, {transform_indices = @transform_8, window_bounds = array<i64: 1000, 128>}]} {
    %get3A = arith.constant 0 : index
    %get3A_0 = arith.constant 0 : index
    %get3A_1 = arith.constant 0 : index
    %get3A_2 = vector.load %arg1[%get3A, %get3A_0, %get3A_1] : memref<2x1000x128xf32, #tpu.memory_space<vmem>>, vector<1x1000x128xf32>
    %get3A_3 = vector.shape_cast %get3A_2 : vector<1x1000x128xf32> to vector<1000x128xf32>
    %get3A_4 = arith.constant 1 : index
    %get3A_5 = arith.constant 0 : index
    %get3A_6 = arith.constant 0 : index
    %get3A_7 = vector.load %arg1[%get3A_4, %get3A_5, %get3A_6] : memref<2x1000x128xf32, #tpu.memory_space<vmem>>, vector<1x1000x128xf32>
    %get3A_8 = vector.shape_cast %get3A_7 : vector<1x1000x128xf32> to vector<1000x128xf32>
    %add3A = arith.addf %get3A_3, %get3A_8 : vector<1000x128xf32>
    %get3A_9 = arith.constant 0 : index
    %get3A_10 = arith.constant 0 : index
    %get3A_11 = vector.load %arg3[%get3A_9, %get3A_10] : memref<128x512xf32, #tpu.memory_space<vmem>>, vector<128x512xf32>
    %dot_general3A = arith.constant dense<0.000000e+00> : vector<1000x512xf32>
    %dot_general3A_12 = tpu.matmul %add3A, %get3A_11, %dot_general3A {dimension_numbers = #tpu.dot_dimension_numbers<[1], [0], [0], [1], [0, 0, 1, 1], [], []>, transpose_lhs_hint = false} : vector<1000x128xf32>, vector<128x512xf32>, vector<1000x512xf32> -> vector<1000x512xf32>
    %get3A_13 = arith.constant 0 : index
    %get3A_14 = arith.constant 0 : index
    %get3A_15 = vector.load %arg4[%get3A_13, %get3A_14] : memref<1x512xf32, #tpu.memory_space<vmem>>, vector<1x512xf32>
    %add3A_16 = vector.broadcast %get3A_15 : vector<1x512xf32> to vector<1000x512xf32>
    %add3A_17 = arith.addf %dot_general3A_12, %add3A_16 : vector<1000x512xf32>
    %max3A = arith.constant 0.000000e+00 : f32
    %max3A_18 = vector.broadcast %max3A : f32 to vector<1000x512xf32>
    %max3A_19 = arith.maximumf %add3A_17, %max3A_18 : vector<1000x512xf32>
    %get3A_20 = arith.constant 0 : index
    %get3A_21 = arith.constant 0 : index
    %get3A_22 = vector.load %arg5[%get3A_20, %get3A_21] : memref<512x128xf32, #tpu.memory_space<vmem>>, vector<512x128xf32>
    %dot_general3A_23 = arith.constant dense<0.000000e+00> : vector<1000x128xf32>
    %dot_general3A_24 = tpu.matmul %max3A_19, %get3A_22, %dot_general3A_23 {dimension_numbers = #tpu.dot_dimension_numbers<[1], [0], [0], [1], [0, 0, 1, 1], [], []>, transpose_lhs_hint = false} : vector<1000x512xf32>, vector<512x128xf32>, vector<1000x128xf32> -> vector<1000x128xf32>
    %get3A_25 = arith.constant 0 : index
    %get3A_26 = arith.constant 0 : index
    %get3A_27 = vector.load %arg6[%get3A_25, %get3A_26] : memref<1x128xf32, #tpu.memory_space<vmem>>, vector<1x128xf32>
    %add3A_28 = vector.broadcast %get3A_27 : vector<1x128xf32> to vector<1000x128xf32>
    %add3A_29 = arith.addf %dot_general3A_24, %add3A_28 : vector<1000x128xf32>
    %max3A_30 = arith.constant 0.000000e+00 : f32
    %max3A_31 = vector.broadcast %max3A_30 : f32 to vector<1000x128xf32>
    %max3A_32 = arith.maximumf %add3A_29, %max3A_31 : vector<1000x128xf32>
    %swap3A = arith.constant 0 : index
    %swap3A_33 = arith.constant 0 : index
    %swap3A_34 = vector.load %arg8[%swap3A, %swap3A_33] : memref<1000x128xf32, #tpu.memory_space<vmem>>, vector<1000x128xf32>
    tpu.vector_store %arg8[%swap3A, %swap3A_33], %add3A {strides = array<i32>} : memref<1000x128xf32, #tpu.memory_space<vmem>>, vector<1000x128xf32>,
    %swap3A_35 = arith.constant 0 : index
    %swap3A_36 = arith.constant 0 : index
    %swap3A_37 = vector.load %arg9[%swap3A_35, %swap3A_36] : memref<1000x128xf32, #tpu.memory_space<vmem>>, vector<1000x128xf32>
    tpu.vector_store %arg9[%swap3A_35, %swap3A_36], %max3A_32 {strides = array<i32>} : memref<1000x128xf32, #tpu.memory_space<vmem>>, vector<1000x128xf32>,
    %get3A_38 = arith.constant 0 : index
    %get3A_39 = arith.constant 0 : index
    %get3A_40 = vector.load %arg2[%get3A_38, %get3A_39] : memref<1000x128xf32, #tpu.memory_space<vmem>>, vector<1000x128xf32>
    %add3A_41 = arith.addf %get3A_40, %max3A_32 : vector<1000x128xf32>
    %swap3A_42 = arith.constant 0 : index
    %swap3A_43 = arith.constant 0 : index
    %swap3A_44 = vector.load %arg7[%swap3A_42, %swap3A_43] : memref<1000x128xf32, #tpu.memory_space<vmem>>, vector<1000x128xf32>
    tpu.vector_store %arg7[%swap3A_42, %swap3A_43], %add3A_41 {strides = array<i32>} : memref<1000x128xf32, #tpu.memory_space<vmem>>, vector<1000x128xf32>,
    return
  }
  func.func @transform_0(%arg0: i32) -> (i32, i32, i32) {
    %c0_i32 = arith.constant 0 : i32
    %c0_i32_0 = arith.constant 0 : i32
    %c0_i32_1 = arith.constant 0 : i32
    return %c0_i32, %arg0, %c0_i32_0 : i32, i32, i32
  }
  func.func @transform_1(%arg0: i32) -> (i32, i32) {
    %c0_i32 = arith.constant 0 : i32
    %c0_i32_0 = arith.constant 0 : i32
    return %arg0, %c0_i32 : i32, i32
  }
  func.func @transform_2(%arg0: i32) -> (i32, i32) {
    %c0_i32 = arith.constant 0 : i32
    %c0_i32_0 = arith.constant 0 : i32
    %c0_i32_1 = arith.constant 0 : i32
    return %c0_i32, %c0_i32_0 : i32, i32
  }
  func.func @transform_3(%arg0: i32) -> (i32, i32) {
    %c0_i32 = arith.constant 0 : i32
    %c0_i32_0 = arith.constant 0 : i32
    %c0_i32_1 = arith.constant 0 : i32
    return %c0_i32, %c0_i32_0 : i32, i32
  }
  func.func @transform_4(%arg0: i32) -> (i32, i32) {
    %c0_i32 = arith.constant 0 : i32
    %c0_i32_0 = arith.constant 0 : i32
    %c0_i32_1 = arith.constant 0 : i32
    return %c0_i32, %c0_i32_0 : i32, i32
  }
  func.func @transform_5(%arg0: i32) -> (i32, i32) {
    %c0_i32 = arith.constant 0 : i32
    %c0_i32_0 = arith.constant 0 : i32
    %c0_i32_1 = arith.constant 0 : i32
    return %c0_i32, %c0_i32_0 : i32, i32
  }
  func.func @transform_6(%arg0: i32) -> (i32, i32) {
    %c0_i32 = arith.constant 0 : i32
    %c0_i32_0 = arith.constant 0 : i32
    return %arg0, %c0_i32 : i32, i32
  }
  func.func @transform_7(%arg0: i32) -> (i32, i32) {
    %c0_i32 = arith.constant 0 : i32
    %c0_i32_0 = arith.constant 0 : i32
    return %arg0, %c0_i32 : i32, i32
  }
  func.func @transform_8(%arg0: i32) -> (i32, i32) {
    %c0_i32 = arith.constant 0 : i32
    %c0_i32_0 = arith.constant 0 : i32
    return %arg0, %c0_i32 : i32, i32
  }
}

module attributes {stable_mosaic.version = 14 : i64} {
  func.func @_mlp2_body(%arg0: i32, %arg1: memref<1000x128xf32, #tpu.memory_space<vmem>>, %arg2: memref<1000x128xf32, #tpu.memory_space<vmem>>, %arg3: memref<2x1000x128xf32, #tpu.memory_space<vmem>>, %arg4: memref<1x1x1000xi32, #tpu.memory_space<vmem>>, %arg5: memref<128x512xf32, #tpu.memory_space<vmem>>, %arg6: memref<1x512xf32, #tpu.memory_space<vmem>>, %arg7: memref<512x128xf32, #tpu.memory_space<vmem>>, %arg8: memref<1x128xf32, #tpu.memory_space<vmem>>, %arg9: memref<128x128xf32, #tpu.memory_space<vmem>>, %arg10: memref<1x128xf32, #tpu.memory_space<vmem>>, %arg11: memref<128x128xf32, #tpu.memory_space<vmem>>, %arg12: memref<1x128xf32, #tpu.memory_space<vmem>>, %arg13: memref<256x128xf32, #tpu.memory_space<vmem>>, %arg14: memref<256x128xf32, #tpu.memory_space<vmem>>) attributes {dimension_semantics = [#tpu.dimension_semantics<arbitrary>], iteration_bounds = array<i64: 10>, scalar_prefetch = 0 : i64, scratch_operands = 1 : i64, tpu.core_type = #tpu.core_type<tc>, window_params = [{transform_indices = @transform_0, window_bounds = array<i64: 1000, 128>}, {transform_indices = @transform_1, window_bounds = array<i64: 1000, 128>}, {transform_indices = @transform_2, window_bounds = array<i64: 2, 1000, 128>}, {transform_indices = @transform_3, window_bounds = array<i64: 1, 1, 1000>}, {pipeline_mode = #tpu.pipeline_mode<synchronous>, transform_indices = @transform_4, window_bounds = array<i64: 128, 512>}, {pipeline_mode = #tpu.pipeline_mode<synchronous>, transform_indices = @transform_5, window_bounds = array<i64: 1, 512>}, {pipeline_mode = #tpu.pipeline_mode<synchronous>, transform_indices = @transform_6, window_bounds = array<i64: 512, 128>}, {pipeline_mode = #tpu.pipeline_mode<synchronous>, transform_indices = @transform_7, window_bounds = array<i64: 1, 128>}, {pipeline_mode = #tpu.pipeline_mode<synchronous>, transform_indices = @transform_8, window_bounds = array<i64: 128, 128>}, {pipeline_mode = #tpu.pipeline_mode<synchronous>, transform_indices = @transform_9, window_bounds = array<i64: 1, 128>}, {pipeline_mode = #tpu.pipeline_mode<synchronous>, transform_indices = @transform_10, window_bounds = array<i64: 128, 128>}, {pipeline_mode = #tpu.pipeline_mode<synchronous>, transform_indices = @transform_11, window_bounds = array<i64: 1, 128>}, {pipeline_mode = #tpu.pipeline_mode<synchronous>, transform_indices = @transform_12, window_bounds = array<i64: 256, 128>}]} {
    %get3A = arith.constant 0 : index
    %get3A_0 = arith.constant 0 : index
    %get3A_1 = vector.load %arg2[%get3A, %get3A_0] : memref<1000x128xf32, #tpu.memory_space<vmem>>, vector<1000x128xf32>
    %get3A_2 = arith.constant 0 : index
    %get3A_3 = arith.constant 0 : index
    %get3A_4 = arith.constant 0 : index
    %get3A_5 = vector.load %arg3[%get3A_2, %get3A_3, %get3A_4] : memref<2x1000x128xf32, #tpu.memory_space<vmem>>, vector<1x1000x128xf32>
    %get3A_6 = vector.shape_cast %get3A_5 : vector<1x1000x128xf32> to vector<1000x128xf32>
    %add3A = arith.addf %get3A_1, %get3A_6 : vector<1000x128xf32>
    %get3A_7 = arith.constant 1 : index
    %get3A_8 = arith.constant 0 : index
    %get3A_9 = arith.constant 0 : index
    %get3A_10 = vector.load %arg3[%get3A_7, %get3A_8, %get3A_9] : memref<2x1000x128xf32, #tpu.memory_space<vmem>>, vector<1x1000x128xf32>
    %get3A_11 = vector.shape_cast %get3A_10 : vector<1x1000x128xf32> to vector<1000x128xf32>
    %add3A_12 = arith.addf %add3A, %get3A_11 : vector<1000x128xf32>
    %get3A_13 = arith.constant 0 : index
    %get3A_14 = arith.constant 0 : index
    %get3A_15 = vector.load %arg5[%get3A_13, %get3A_14] : memref<128x512xf32, #tpu.memory_space<vmem>>, vector<128x512xf32>
    %dot_general3A = arith.constant dense<0.000000e+00> : vector<1000x512xf32>
    %dot_general3A_16 = tpu.matmul %add3A_12, %get3A_15, %dot_general3A {dimension_numbers = #tpu.dot_dimension_numbers<[1], [0], [0], [1], [0, 0, 1, 1], [], []>, transpose_lhs_hint = false} : vector<1000x128xf32>, vector<128x512xf32>, vector<1000x512xf32> -> vector<1000x512xf32>
    %get3A_17 = arith.constant 0 : index
    %get3A_18 = arith.constant 0 : index
    %get3A_19 = vector.load %arg6[%get3A_17, %get3A_18] : memref<1x512xf32, #tpu.memory_space<vmem>>, vector<1x512xf32>
    %add3A_20 = vector.broadcast %get3A_19 : vector<1x512xf32> to vector<1000x512xf32>
    %add3A_21 = arith.addf %dot_general3A_16, %add3A_20 : vector<1000x512xf32>
    %max3A = arith.constant 0.000000e+00 : f32
    %max3A_22 = vector.broadcast %max3A : f32 to vector<1000x512xf32>
    %max3A_23 = arith.maximumf %add3A_21, %max3A_22 : vector<1000x512xf32>
    %get3A_24 = arith.constant 0 : index
    %get3A_25 = arith.constant 0 : index
    %get3A_26 = vector.load %arg7[%get3A_24, %get3A_25] : memref<512x128xf32, #tpu.memory_space<vmem>>, vector<512x128xf32>
    %dot_general3A_27 = arith.constant dense<0.000000e+00> : vector<1000x128xf32>
    %dot_general3A_28 = tpu.matmul %max3A_23, %get3A_26, %dot_general3A_27 {dimension_numbers = #tpu.dot_dimension_numbers<[1], [0], [0], [1], [0, 0, 1, 1], [], []>, transpose_lhs_hint = false} : vector<1000x512xf32>, vector<512x128xf32>, vector<1000x128xf32> -> vector<1000x128xf32>
    %get3A_29 = arith.constant 0 : index
    %get3A_30 = arith.constant 0 : index
    %get3A_31 = vector.load %arg8[%get3A_29, %get3A_30] : memref<1x128xf32, #tpu.memory_space<vmem>>, vector<1x128xf32>
    %add3A_32 = vector.broadcast %get3A_31 : vector<1x128xf32> to vector<1000x128xf32>
    %add3A_33 = arith.addf %dot_general3A_28, %add3A_32 : vector<1000x128xf32>
    %max3A_34 = arith.constant 0.000000e+00 : f32
    %max3A_35 = vector.broadcast %max3A_34 : f32 to vector<1000x128xf32>
    %max3A_36 = arith.maximumf %add3A_33, %max3A_35 : vector<1000x128xf32>
    %get3A_37 = arith.constant 0 : index
    %get3A_38 = arith.constant 0 : index
    %get3A_39 = vector.load %arg1[%get3A_37, %get3A_38] : memref<1000x128xf32, #tpu.memory_space<vmem>>, vector<1000x128xf32>
    %add3A_40 = arith.addf %get3A_39, %max3A_36 : vector<1000x128xf32>
    %get3A_41 = arith.constant 0 : index
    %get3A_42 = arith.constant 0 : index
    %get3A_43 = arith.constant 0 : index
    %get3A_44 = vector.load %arg4[%get3A_41, %get3A_42, %get3A_43] : memref<1x1x1000xi32, #tpu.memory_space<vmem>>, vector<1x1x1000xi32>
    %get3A_45 = vector.shape_cast %get3A_44 : vector<1x1x1000xi32> to vector<1x1000xi32>
    %iota3A = tpu.iota {dimensions = array<i32: 0>} : vector<256x1000xi32>
    %eq3A = vector.broadcast %get3A_45 : vector<1x1000xi32> to vector<256x1000xi32>
    %eq3A_46 = arith.cmpi eq, %eq3A, %iota3A : vector<256x1000xi32>
    %convert_element_type3A = arith.extui %eq3A_46 : vector<256x1000xi1> to vector<256x1000xi32>
    %convert_element_type3A_47 = arith.sitofp %convert_element_type3A : vector<256x1000xi32> to vector<256x1000xf32>
    %eq3A_48 = arith.constant 0 : i32
    %eq3A_49 = arith.cmpi eq, %arg0, %eq3A_48 : i32
    %convert_element_type3A_50 = arith.extui %eq3A_49 : i1 to i32
    %cond3A = arith.constant 0 : i32
    %cond3A_51 = arith.cmpi ne, %convert_element_type3A_50, %cond3A : i32
    scf.if %cond3A_51 {
      %broadcast_in_dim3A = arith.constant 0.000000e+00 : f32
      %broadcast_in_dim3A_65 = vector.broadcast %broadcast_in_dim3A : f32 to vector<256x128xf32>
      %swap3A_66 = arith.constant 0 : index
      %swap3A_67 = arith.constant 0 : index
      %swap3A_68 = vector.load %arg14[%swap3A_66, %swap3A_67] : memref<256x128xf32, #tpu.memory_space<vmem>>, vector<256x128xf32>
      tpu.vector_store %arg14[%swap3A_66, %swap3A_67], %broadcast_in_dim3A_65 {strides = array<i32>} : memref<256x128xf32, #tpu.memory_space<vmem>>, vector<256x128xf32>,
    } else {
    }
    %get3A_52 = arith.constant 0 : index
    %get3A_53 = arith.constant 0 : index
    %get3A_54 = vector.load %arg14[%get3A_52, %get3A_53] : memref<256x128xf32, #tpu.memory_space<vmem>>, vector<256x128xf32>
    %dot_general3A_55 = arith.constant dense<0.000000e+00> : vector<256x128xf32>
    %dot_general3A_56 = tpu.matmul %convert_element_type3A_47, %add3A_40, %dot_general3A_55 {dimension_numbers = #tpu.dot_dimension_numbers<[1], [0], [0], [1], [0, 0, 1, 1], [], []>, transpose_lhs_hint = false} : vector<256x1000xf32>, vector<1000x128xf32>, vector<256x128xf32> -> vector<256x128xf32>
    %add3A_57 = arith.addf %get3A_54, %dot_general3A_56 : vector<256x128xf32>
    %swap3A = arith.constant 0 : index
    %swap3A_58 = arith.constant 0 : index
    %swap3A_59 = vector.load %arg14[%swap3A, %swap3A_58] : memref<256x128xf32, #tpu.memory_space<vmem>>, vector<256x128xf32>
    tpu.vector_store %arg14[%swap3A, %swap3A_58], %add3A_57 {strides = array<i32>} : memref<256x128xf32, #tpu.memory_space<vmem>>, vector<256x128xf32>,
    %eq3A_60 = arith.constant 9 : i32
    %eq3A_61 = arith.cmpi eq, %arg0, %eq3A_60 : i32
    %convert_element_type3A_62 = arith.extui %eq3A_61 : i1 to i32
    %cond3A_63 = arith.constant 0 : i32
    %cond3A_64 = arith.cmpi ne, %convert_element_type3A_62, %cond3A_63 : i32
    scf.if %cond3A_64 {
      %get3A_65 = arith.constant 0 : index
      %get3A_66 = arith.constant 0 : index
      %get3A_67 = vector.load %arg14[%get3A_65, %get3A_66] : memref<256x128xf32, #tpu.memory_space<vmem>>, vector<256x128xf32>
      %get3A_68 = arith.constant 0 : index
      %get3A_69 = arith.constant 0 : index
      %get3A_70 = vector.load %arg9[%get3A_68, %get3A_69] : memref<128x128xf32, #tpu.memory_space<vmem>>, vector<128x128xf32>
      %dot_general3A_71 = arith.constant dense<0.000000e+00> : vector<256x128xf32>
      %dot_general3A_72 = tpu.matmul %get3A_67, %get3A_70, %dot_general3A_71 {dimension_numbers = #tpu.dot_dimension_numbers<[1], [0], [0], [1], [0, 0, 1, 1], [], []>, transpose_lhs_hint = false} : vector<256x128xf32>, vector<128x128xf32>, vector<256x128xf32> -> vector<256x128xf32>
      %get3A_73 = arith.constant 0 : index
      %get3A_74 = arith.constant 0 : index
      %get3A_75 = vector.load %arg10[%get3A_73, %get3A_74] : memref<1x128xf32, #tpu.memory_space<vmem>>, vector<1x128xf32>
      %add3A_76 = vector.broadcast %get3A_75 : vector<1x128xf32> to vector<256x128xf32>
      %add3A_77 = arith.addf %dot_general3A_72, %add3A_76 : vector<256x128xf32>
      %max3A_78 = arith.constant 0.000000e+00 : f32
      %max3A_79 = vector.broadcast %max3A_78 : f32 to vector<256x128xf32>
      %max3A_80 = arith.maximumf %add3A_77, %max3A_79 : vector<256x128xf32>
      %get3A_81 = arith.constant 0 : index
      %get3A_82 = arith.constant 0 : index
      %get3A_83 = vector.load %arg11[%get3A_81, %get3A_82] : memref<128x128xf32, #tpu.memory_space<vmem>>, vector<128x128xf32>
      %dot_general3A_84 = arith.constant dense<0.000000e+00> : vector<256x128xf32>
      %dot_general3A_85 = tpu.matmul %max3A_80, %get3A_83, %dot_general3A_84 {dimension_numbers = #tpu.dot_dimension_numbers<[1], [0], [0], [1], [0, 0, 1, 1], [], []>, transpose_lhs_hint = false} : vector<256x128xf32>, vector<128x128xf32>, vector<256x128xf32> -> vector<256x128xf32>
      %get3A_86 = arith.constant 0 : index
      %get3A_87 = arith.constant 0 : index
      %get3A_88 = vector.load %arg12[%get3A_86, %get3A_87] : memref<1x128xf32, #tpu.memory_space<vmem>>, vector<1x128xf32>
      %add3A_89 = vector.broadcast %get3A_88 : vector<1x128xf32> to vector<256x128xf32>
      %add3A_90 = arith.addf %dot_general3A_85, %add3A_89 : vector<256x128xf32>
      %swap3A_91 = arith.constant 0 : index
      %swap3A_92 = arith.constant 0 : index
      %swap3A_93 = vector.load %arg13[%swap3A_91, %swap3A_92] : memref<256x128xf32, #tpu.memory_space<vmem>>, vector<256x128xf32>
      tpu.vector_store %arg13[%swap3A_91, %swap3A_92], %add3A_90 {strides = array<i32>} : memref<256x128xf32, #tpu.memory_space<vmem>>, vector<256x128xf32>,
    } else {
    }
    return
  }
  func.func @transform_0(%arg0: i32) -> (i32, i32) {
    %c0_i32 = arith.constant 0 : i32
    %c0_i32_0 = arith.constant 0 : i32
    return %arg0, %c0_i32 : i32, i32
  }
  func.func @transform_1(%arg0: i32) -> (i32, i32) {
    %c0_i32 = arith.constant 0 : i32
    %c0_i32_0 = arith.constant 0 : i32
    return %arg0, %c0_i32 : i32, i32
  }
  func.func @transform_2(%arg0: i32) -> (i32, i32, i32) {
    %c0_i32 = arith.constant 0 : i32
    %c0_i32_0 = arith.constant 0 : i32
    %c0_i32_1 = arith.constant 0 : i32
    return %c0_i32, %arg0, %c0_i32_0 : i32, i32, i32
  }
  func.func @transform_3(%arg0: i32) -> (i32, i32, i32) {
    %c0_i32 = arith.constant 0 : i32
    %c0_i32_0 = arith.constant 0 : i32
    %c0_i32_1 = arith.constant 0 : i32
    return %arg0, %c0_i32, %c0_i32_0 : i32, i32, i32
  }
  func.func @transform_4(%arg0: i32) -> (i32, i32) {
    %c0_i32 = arith.constant 0 : i32
    %c0_i32_0 = arith.constant 0 : i32
    %c0_i32_1 = arith.constant 0 : i32
    return %c0_i32, %c0_i32_0 : i32, i32
  }
  func.func @transform_5(%arg0: i32) -> (i32, i32) {
    %c0_i32 = arith.constant 0 : i32
    %c0_i32_0 = arith.constant 0 : i32
    %c0_i32_1 = arith.constant 0 : i32
    return %c0_i32, %c0_i32_0 : i32, i32
  }
  func.func @transform_6(%arg0: i32) -> (i32, i32) {
    %c0_i32 = arith.constant 0 : i32
    %c0_i32_0 = arith.constant 0 : i32
    %c0_i32_1 = arith.constant 0 : i32
    return %c0_i32, %c0_i32_0 : i32, i32
  }
  func.func @transform_7(%arg0: i32) -> (i32, i32) {
    %c0_i32 = arith.constant 0 : i32
    %c0_i32_0 = arith.constant 0 : i32
    %c0_i32_1 = arith.constant 0 : i32
    return %c0_i32, %c0_i32_0 : i32, i32
  }
  func.func @transform_8(%arg0: i32) -> (i32, i32) {
    %c0_i32 = arith.constant 0 : i32
    %c0_i32_0 = arith.constant 0 : i32
    %c0_i32_1 = arith.constant 0 : i32
    return %c0_i32, %c0_i32_0 : i32, i32
  }
  func.func @transform_9(%arg0: i32) -> (i32, i32) {
    %c0_i32 = arith.constant 0 : i32
    %c0_i32_0 = arith.constant 0 : i32
    %c0_i32_1 = arith.constant 0 : i32
    return %c0_i32, %c0_i32_0 : i32, i32
  }
  func.func @transform_10(%arg0: i32) -> (i32, i32) {
    %c0_i32 = arith.constant 0 : i32
    %c0_i32_0 = arith.constant 0 : i32
    %c0_i32_1 = arith.constant 0 : i32
    return %c0_i32, %c0_i32_0 : i32, i32
  }
  func.func @transform_11(%arg0: i32) -> (i32, i32) {
    %c0_i32 = arith.constant 0 : i32
    %c0_i32_0 = arith.constant 0 : i32
    %c0_i32_1 = arith.constant 0 : i32
    return %c0_i32, %c0_i32_0 : i32, i32
  }
  func.func @transform_12(%arg0: i32) -> (i32, i32) {
    %c0_i32 = arith.constant 0 : i32
    %c0_i32_0 = arith.constant 0 : i32
    %c0_i32_1 = arith.constant 0 : i32
    return %c0_i32, %c0_i32_0 : i32, i32
  }
}

</mosaic_0001>

<sc_bundles>
// kernel: kernel.10.cloned.1.call-start
scs
__scs_entry_jumppad:
0x0: {  	(pc) =	sbr.rel $0x88, $3  }
0x1: {  	(tag) =	ssettag $0x0;
	lr =	simm.s32 $0x1  }
0x2: {  	[smem:$0x3F8F] =	sst lr;
	_ =	strace $0xD0000000  }
0x3: {  	_ = 	snop  }
0x4: {  	_ = 	snop  }
0x5: {  	_ = 	snop  }
0x6: {  	_ = 	snop  }
0x7: {  	_ = 	snop  }
__scs_overlays_trampoline_lowered:
0x8: {  	[smem:$0x3F9E] =	sst s0  }
0x9: {  	[smem:$0x3F9F] =	sst s1  }
0xa: {  	[smem:$0x3FA0] =	sst s2  }
0xb: {  	[smem:$0x3FA1] =	sst s3  }
0xc: {  	[smem:$0x3FA2] =	sst s4  }
0xd: {  	[smem:$0x3FA3] =	sst s5  }
0xe: {  	[smem:$0x3FA4] =	sst s6  }
0xf: {  	[smem:$0x3FA5] =	sst s7  }
0x10: {  	[smem:$0x3FA6] =	sst s8  }
0x11: {  	[smem:$0x3FA7] =	sst s9;
	s0 =	simm.s32 @!p0 $0x0  }
0x12: {  	s1 =	sld [smem:$0x3F8D];
	s0 =	simm.s32 @p0 $0x1  }
0x13: {  	[smem:$0x3FA8] =	sst s0;
	s0 =	simm.s32 @!p1 $0x0  }
0x14: {  	s2 =	sld [smem:$0x3F8C];
	s0 =	simm.s32 @p1 $0x1  }
0x15: {  	[smem:$0x3FA9] =	sst s0;
	s0 =	simm.s32 @!p2 $0x0  }
0x16: {  	s3 =	sld [smem:$0x3FDB];
	s0 =	simm.s32 @p2 $0x1  }
0x17: {  	s4 =	simm.s32 $0x1BF5;
	[smem:$0x3FAB] =	sst s0  }
0x18: {  	s0 =	sld [smem:$0x3F8E];
	_ =	swait.ge [sflag:s4], $0x0  }
0x19: {  	s7 =	sld [smem:$0x3F8F]  }
0x1a: {  	s8 =	sadd.s32 $0xFFFFE003, lr  }
0x1b: {  	s9 =	sadd.s32 $0xFFFFFEF7, lr;
	s5 =	simm.s32 $0xFFFFFFFF;
	p2 =	slt.u32 s8, $0xFFFFF086  }
0x1c: {  	p1 =	slt.u32 s9, $0xF7A;
	s5 =	simm.s32 @!p2 $0x0  }
0x1d: {  	s5 =	simm.s32 @p1 $0x1;
	p0 =	seq.s32 s7, s2  }
0x1e: {  	s7 =	smul.u32 @!p0 $0xF7A, s2;
	p2 =	seq.s32 @!p0 s5, $0x0  }
0x1f: {  	s9 =	smul.u32 $0xF7A, s1;
	s8 =	simm.s32 @!p0 $0x1BF5;
	p2 =	por !p2, p0  }
0x20: {  	[sflag:s8] =	ssyncset.s32 @!p0 $0xFFFFF086;
	s6 =	sadd.s32 @!p0 s3, s7;
	s7 =	simm.s32 @!p0 $0x108  }
0x21: {  	s3 =	sadd.s32 s3, s9;
	s6 =	sadd.s32 @!p0 $0x88, s6;
	s7 =	simm.s32 @p2 $0x1082  }
0x22: {  	[simem:s7], [sflag:s8] =	dma.local @!p0 [hbm:s6], $0xF7A  }
0x23: {  	s9 =	sor.u32 $0xD0000000, s2;
	s6 =	simm.s32 $0x108;
	_ =	swait.ge @!p0 [sflag:s8], $0x0  }
0x24: {  	s3 =	sadd.s32 $0x88, s3;
	s6 =	simm.s32 @!p1 $0x1082;
	[sflag:s4] =	ssyncset.s32 $0xFFFFF086  }
0x25: {  	[simem:s6], [sflag:s4] =	dma.local [hbm:s3], $0xF7A  }
0x26: {  	[smem:$0x3F8F] =	sst s1;
	(tag) =	ssettag s2;
	_ =	strace s9  }
0x27: {  	s1 =	sld [smem:$0x3F9F]  }
0x28: {  	s2 =	sld [smem:$0x3FA0]  }
0x29: {  	s4 =	sld [smem:$0x3FA2]  }
0x2a: {  	p0 =	seq.s32 s5, $0x0;
	s5 =	sld [smem:$0x3FA3]  }
0x2b: {  	s6 =	sld [smem:$0x3FA4]  }
0x2c: {  	s7 =	sld [smem:$0x3FA5]  }
0x2d: {  	s3 =	simm.s32 $0x108;
	s8 =	sld [smem:$0x3FA6]  }
0x2e: {  	s3 =	simm.s32 @!p0 $0x1082;
	s9 =	sld [smem:$0x3FA7]  }
0x2f: {  	lr =	sadd.s32 s0, s3;
	s0 =	sld [smem:$0x3F9E]  }
0x30: {  	s3 =	sld [smem:$0x3FA1]  }
0x31: {  	[smem:$0x3FAA] =	sst s10  }
0x32: {  	s10 =	sld [smem:$0x3FA8];
	_ =	sdelay $0x3  }
0x33: {  	p0 =	seq.s32 s10, $0x1;
	s10 =	sld [smem:$0x3FAA];
	_ =	sdelay $0x3  }
0x34: {  	[smem:$0x3FAA] =	sst s10  }
0x35: {  	s10 =	sld [smem:$0x3FA9];
	_ =	sdelay $0x3  }
0x36: {  	p1 =	seq.s32 s10, $0x1;
	s10 =	sld [smem:$0x3FAA];
	_ =	sdelay $0x3  }
0x37: {  	[smem:$0x3FAA] =	sst s10  }
0x38: {  	s10 =	sld [smem:$0x3FAB]  }
0x39: {  	_ = 	snop;
	(pc) =	sbr.ind lr, $3  }
0x3a: {  	_ = 	snop  }
0x3b: {  	_ = 	snop  }
0x3c: {  	p2 =	seq.s32 s10, $0x1;
	s10 =	sld [smem:$0x3FAA]  }
0x3d: {  	_ =	shalt  }
0x3e: {  	_ =	shalt  }
0x3f: {  	_ =	shalt  }
0x40: {  	_ =	shalt  }
0x41: {  	_ =	shalt  }
0x42: {  	_ =	shalt  }
0x43: {  	_ =	shalt  }
0x44: {  	_ =	shalt  }
0x45: {  	_ =	shalt  }
0x46: {  	_ =	shalt  }
0x47: {  	_ =	shalt  }
0x48: {  	_ =	shalt  }
0x49: {  	_ =	shalt  }
0x4a: {  	_ =	shalt  }
0x4b: {  	_ =	shalt  }
0x4c: {  	_ =	shalt  }
0x4d: {  	_ =	shalt  }
0x4e: {  	_ =	shalt  }
0x4f: {  	_ =	shalt  }
0x50: {  	_ =	shalt  }
0x51: {  	_ =	shalt  }
0x52: {  	_ =	shalt  }
0x53: {  	_ =	shalt  }
0x54: {  	_ =	shalt  }
0x55: {  	_ =	shalt  }
0x56: {  	_ =	shalt  }
0x57: {  	_ =	shalt  }
0x58: {  	_ =	shalt  }
0x59: {  	_ =	shalt  }
0x5a: {  	_ =	shalt  }
0x5b: {  	_ =	shalt  }
0x5c: {  	_ =	shalt  }
0x5d: {  	_ =	shalt  }
0x5e: {  	_ =	shalt  }
0x5f: {  	_ =	shalt  }
0x60: {  	_ =	shalt  }
0x61: {  	_ =	shalt  }
0x62: {  	_ =	shalt  }
0x63: {  	_ =	shalt  }
0x64: {  	_ =	shalt  }
0x65: {  	_ =	shalt  }
0x66: {  	_ =	shalt  }
0x67: {  	_ =	shalt  }
0x68: {  	_ =	shalt  }
0x69: {  	_ =	shalt  }
0x6a: {  	_ =	shalt  }
0x6b: {  	_ =	shalt  }
0x6c: {  	_ =	shalt  }
0x6d: {  	_ =	shalt  }
0x6e: {  	_ =	shalt  }
0x6f: {  	_ =	shalt  }
0x70: {  	_ =	shalt  }
0x71: {  	_ =	shalt  }
0x72: {  	_ =	shalt  }
0x73: {  	_ =	shalt  }
0x74: {  	_ =	shalt  }
0x75: {  	_ =	shalt  }
0x76: {  	_ =	shalt  }
0x77: {  	_ =	shalt  }
0x78: {  	_ =	shalt  }
0x79: {  	_ =	shalt  }
0x7a: {  	_ =	shalt  }
0x7b: {  	_ =	shalt  }
0x7c: {  	_ =	shalt  }
0x7d: {  	_ =	shalt  }
0x7e: {  	_ =	shalt  }
0x7f: {  	_ =	shalt  }
0x80: {  	_ =	shalt  }
0x81: {  	_ =	shalt  }
0x82: {  	_ =	shalt  }
0x83: {  	_ =	shalt  }
0x84: {  	_ =	shalt  }
0x85: {  	_ =	shalt  }
0x86: {  	_ =	shalt  }
0x87: {  	_ =	shalt  }
.Lfunc_end0:
.L_simem_size_0:
called_computation.1_lowered:
.L_overlay_start_0:
0x88: {  	s2 =	sld [smem:$0x3FD9]  }
0x89: {  	s3 =	sld [smem:$0x3FFE];
	_ =	sdelay $0x1  }
0x8a: {  	s1 =	srdreg.scid  }
0x8b: {  	s0 =	sand.u32 $0x1, s1  }
0x8c: {  	s16 =	sshll.u32 s0, $0xA;
	s2 =	sadd.s32 s3, s2  }
0x8d: {  	s2 =	sadd.s32 s2, s16  }
0x8e: {  	[smem:$0x3FB6] =	sst s2  }
0x8f: {  	_ = 	snop  }
0x90: {  	(tm) =	ssettm $0x1  }
0x91: {  	s17 =	sld [smem:$0x3FFB];
	_ =	sdelay $0x3  }
0x92: {  	_ =	strace s17  }
0x93: {  	s2 =	sld [smem:$0x3FFC];
	_ =	sdelay $0x3  }
0x94: {  	_ =	strace s2  }
0x95: {  	s2 =	sld [smem:$0x3FFD];
	_ =	sdelay $0x3  }
0x96: {  	_ =	strace s2  }
0x97: {  	_ =	strace $0x8FFFFFFF  }
0x98: {  	s18 =	sld [smem:$0x3FDB];
	_ =	sdelay $0x1  }
0x99: {  	s19 =	simm.s32 $_scs_section_size  }
0x9a: {  	s4 =	simm.s32 $_size__tile_overlayer_lowered;
	s5 =	simm.s32 $_tile_overlayer_lowered  }
0x9b: {  	s22 =	simm.s32 $0x1BFF;
	s21 =	sshll.u32 s5, $0x1;
	s2 =	sadd.s32 s19, s18  }
0x9c: {  	s6 =	simm.s32 $0x0;
	s20 =	sshll.u32 s4, $0x1;
	s4 =	sadd.s32 s21, s2  }
0x9d: {  	[timem:s6], [sflag:s22] =	dma.local [hbm:s4], s20  }
0x9e: {  	_ =	swait.ge [sflag:s22], s20  }
0x9f: {  	s3 =	ssub.s32 $0x0, s20;
	[sflag:s22] =	ssyncset.done $0x0  }
0xa0: {  	[sflag:s22] =	ssyncadd.s32 s3;
	_ =	sdelay $0x1  }
0xa1: {  	s23 =	simm.s32 $0x1B8B  }
0xa2: {  	_ =	swait.ge [sflag:s23], $0x1  }
0xa3: {  	[sflag:s23] =	ssyncset.done $0x0  }
0xa4: {  	s25 =	simm.s32 $0x1B8E;
	s24 =	sld [smem:$0x3FFE];
	[sflag:s23] =	ssyncadd.s32 $0xFFFFFFFF  }
0xa5: {  	s26 =	simm.s32 $execute0_lowered;
	[smem:$0x3FD2] =	sst s25  }
0xa6: {  	s4 =	sshll.u32 s26, $0x1;
	_ =	strace $0x80000049;
	[dreg:$0x1] =	wrdreg $0xFFFFFFFF  }
0xa7: {  	s28 =	simm.s32 $_size_execute0_lowered;
	s2 =	sadd.s32 s2, s4;
	[dreg:$0x0] =	wrdreg $0x0  }
0xa8: {  	s4 =	sshll.u32 s28, $0x1;
	[dreg:$0x2] =	wrdreg s2  }
0xa9: {  	[dreg:$0x3] =	wrdreg s4  }
0xaa: {  	[dreg:$0x4] =	wrdreg $0xC0  }
0xab: {  	_ =	task [dreg:s6], $0x5FFFF  }
0xac: {  	[dreg:$0x1] =	wrdreg $0xFFFFFFFF  }
0xad: {  	[dreg:$0x0] =	wrdreg $0x60  }
0xae: {  	[dreg:$0x2] =	wrdreg s24  }
0xaf: {  	[dreg:$0x3] =	wrdreg $0x78800  }
0xb0: {  	[dreg:$0x4] =	wrdreg $0x9  }
0xb1: {  	_ =	task.clear_ibuf [dreg:s6], $0x5FFFF;
	_ =	strace $0x90000049  }
0xb2: {  	s29 =	simm.s32 $0x9;
	_ =	strace $0x8000004B  }
0xb3: {  	_ =	swait.ge [sflag:s29], $0x1  }
0xb4: {  	[sflag:s29] =	ssyncadd.s32 $0xFFFFFFFF  }
0xb5: {  	_ =	strace $0x9000004B  }
0xb6: {  	_ =	sfence  }
0xb7: {  	s30 =	sld [smem:$0x0];
	_ =	sdelay $0x2  }
0xb8: {  	s31 =	sshll.u32 s1, $0xD;
	s1 =	sshrl.u32 s1, $0x2  }
0xb9: {  	s3 =	sand.u32 $0x4000, s31;
	s1 =	sadd.s32 s1, s30  }
0xba: {  	s0 =	sor.u32 s3, s0;
	s1 =	sshll.u32 s1, $0x11  }
0xbb: {  	s0 =	sor.u32 s1, s0  }
0xbc: {  	s0 =	sadd.s32 $0x8F2B, s0  }
0xbd: {  	[sflag:s0] =	ssyncadd.remote.s32 $0x1  }
0xbe: {  	_ =	sfence.sel $0xFFFF  }
0xbf: {  	[dreg:$0x0] =	wrdreg $0xFFFFFFFF;
	(pc) =	sbr.abs _section_cstart, $3  }
0xc0: {  	[dreg:$0x1] =	wrdreg $0xFFFFFFFF  }
0xc1: {  	_ =	task.clear_ibuf [dreg:s6], $0x2FFFF;
	_ =	strace $0x9FFFFFFF  }
0xc2: {  	(tm) =	ssettm $0x7FFFFFFF  }
0xc3: {  	_ =	shalt  }
tec
execute0_lowered:
.L_overlay_start_1:
0x0: {  	(tag) =	ssettag $0x1  }
0x1: {  	s0 =	rddreg [dreg:$0x0];
	s1 =	srdreg.scid  }
0x2: {  	s2 =	rddreg [dreg:$0x1];
	s10 =	stileid.u32  }
0x3: {  	s3 =	simm.s32 $0x0;
	s28 =	simm.s32 $0x1;
	s5 =	smul.u32 $0x1F400, s10  }
0x4: {  	s29 =	simm.s32 $0x0;
	s1 =	sand.u32 $0x1, s1;
	s6 =	smul.u32 $0x7D000, s10  }
0x5: {  	[smem:$0x7FF] =	sst s3;
	s7 =	sadd.s32 $0x3000, s0;
	s4 =	smul.u32 $0x138800, s1  }
0x6: {  	s25 =	smul.u32 $0x2710, s10;
	p0 =	sgt.u32 s10, $0x9;
	_ =	strace $0x8000004A  }
0x7: {  	s8 =	ssub.s32 $0x2, s1;
	s9 =	sshll.u32 s1, $0x4;
	s5 =	sadd.s32 s5, s4  }
0x8: {  	s1 =	smul.u32 $0x27100, s1;
	s15 =	sshrl.u32 s6, $0x2;
	s5 =	sshrl.u32 s5, $0x3  }
0x9: {  	s4 =	sadd.s32 $0x16A00, s0;
	s0 =	sadd.s32 s5, s0;
	s5 =	sadd.s32 s15, s2  }
0xa: {  	s16 =	sshrl.u32 s8, $0x1;
	s18 =	sor.u32 s10, s9;
	s17 =	sadd.s32 $0x2800, s5  }
0xb: {  	s6 =	ssub.s32 s8, s16;
	s19 =	sadd.s32 $0x5000, s5;
	[dreg:$0x3] =	wrdreg s17  }
0xc: {  	s8 =	smul.u32 $0x2710, s18;
	s20 =	sadd.s32 $0x7800, s5;
	[dreg:$0x4] =	wrdreg s19  }
0xd: {  	s1 =	sadd.s32 s25, s1;
	s21 =	sadd.s32 $0xA000, s5;
	[dreg:$0x5] =	wrdreg s20  }
0xe: {  	s25 =	simm.s32 $0x2880;
	s22 =	sadd.s32 $0xC800, s5;
	[dreg:$0x6] =	wrdreg s21  }
0xf: {  	s1 =	sadd.s32 $0x4E250, s1;
	s23 =	sadd.s32 $0xF000, s5;
	[dreg:$0x7] =	wrdreg s22  }
0x10: {  	s8 =	sshrl.u32 s8, $0x3;
	s24 =	sadd.s32 $0x11800, s5;
	[dreg:$0x8] =	wrdreg s23  }
0x11: {  	s31 =	sshrl.u32 s1, $0x3;
	s11 =	sadd.s32 $0x14000, s5;
	[dreg:$0x9] =	wrdreg s24  }
0x12: {  	s26 =	sadd.s32 $0x16800, s5;
	s30 =	sadd.s32 $0x19000, s5;
	[dreg:$0xa] =	wrdreg s11  }
0x13: {  	s16 =	sadd.s32 $0x1B800, s5;
	s18 =	sadd.s32 s7, s8;
	[dreg:$0xb] =	wrdreg s26  }
0x14: {  	[dreg:$0xc] =	wrdreg s30;
	s17 =	sadd.s32 $0x1E000, s5;
	s19 =	sadd.s32 $0x9C40, s18  }
0x15: {  	s20 =	sadd.s32 $0x3DC00, s0;
	s21 =	smax.u32 s6, $0x1;
	s22 =	sadd.s32 s31, s7  }
0x16: {  	v0 =	vimm.f32 $0.0e+00;
	s23 =	simm.s32 $0x3;
	s24 =	simm.s32 $0x2780;
	s26 =	simm.s32 $0x50  }
.LBB2_1:
0x17: {  	s0 =	simm.s32 $0x0;
	s1 =	simm.s32 $0x200  }
.LBB2_2:
0x18: {  	p1 =	sne.s32 s1, $0x9E00;
	[tilespmem:s0+$0x28F0] =	vst v0  }
0x19: {  	[tilespmem:s0+$0x2880] =	vst v0  }
0x1a: {  	[tilespmem:s0+$0x2890] =	vst v0  }
.Ltmp0:
0x1b: {  	[tilespmem:s0+$0x28A0] =	vst v0;
	(pc) =	sbr.rel @p1 .LBB2_2-.Ltmp0, $4  }
0x1c: {  	[tilespmem:s0+$0x28B0] =	vst v0  }
0x1d: {  	[tilespmem:s0+$0x28C0] =	vst v0  }
0x1e: {  	[tilespmem:s0+$0x28D0] =	vst v0  }
0x1f: {  	[tilespmem:s0+$0x28E0] =	vst v0;
	s0 =	sshra.s32 s1, $0x2;
	s1 =	sadd.s32 $0x200, s1  }
0x20: {  	[tilespmem:s0+$0x28F0] =	vst v0  }
0x21: {  	[tilespmem:s0+$0x2880] =	vst v0  }
0x22: {  	[tilespmem:s0+$0x2890] =	vst v0  }
0x23: {  	[tilespmem:s0+$0x28A0] =	vst v0  }
0x24: {  	[tilespmem:s0+$0x28B0] =	vst v0  }
0x25: {  	[tilespmem:s0+$0x28C0] =	vst v0  }
0x26: {  	[tilespmem:s0+$0x28D0] =	vst v0  }
0x27: {  	[tilespmem:s0+$0x28E0] =	vst v0;
	s0 =	simm.s32 @!p0 $0x2880;
	s1 =	simm.s32 @!p0 $0x3  }
0x28: {  	[spmem:s5] =	stream.linear.scatter @!p0 [tilespmem:s0], [sflag:$0x3], $0x2800, $0x38;
	[tilespmem:$0x1B100] =	vst v63  }
0x29: {  	_ =	swait.ge @!p0 [sflag:s1], $0x2800  }
0x2a: {  	[sflag:s1] =	ssyncset.done @!p0 $0x0  }
0x2b: {  	s6 =	rddreg [dreg:$0x3];
	[sflag:s1] =	ssyncadd.s32 @!p0 $0xFFFFD800  }
0x2c: {  	[spmem:s6] =	stream.linear.scatter @!p0 [tilespmem:s0], [sflag:$0x3], $0x2800, $0x38;
	[tilespmem:$0x1B100] =	vst v63  }
0x2d: {  	_ =	swait.ge @!p0 [sflag:s1], $0x2800  }
0x2e: {  	[sflag:s1] =	ssyncset.done @!p0 $0x0  }
0x2f: {  	s6 =	rddreg [dreg:$0x4];
	[sflag:s1] =	ssyncadd.s32 @!p0 $0xFFFFD800  }
0x30: {  	[spmem:s6] =	stream.linear.scatter @!p0 [tilespmem:s0], [sflag:$0x3], $0x2800, $0x38;
	[tilespmem:$0x1B100] =	vst v63  }
0x31: {  	_ =	swait.ge @!p0 [sflag:s1], $0x2800  }
0x32: {  	[sflag:s1] =	ssyncset.done @!p0 $0x0  }
0x33: {  	s6 =	rddreg [dreg:$0x5];
	[sflag:s1] =	ssyncadd.s32 @!p0 $0xFFFFD800  }
0x34: {  	[spmem:s6] =	stream.linear.scatter @!p0 [tilespmem:s0], [sflag:$0x3], $0x2800, $0x38;
	[tilespmem:$0x1B100] =	vst v63  }
0x35: {  	_ =	swait.ge @!p0 [sflag:s1], $0x2800  }
0x36: {  	[sflag:s1] =	ssyncset.done @!p0 $0x0  }
0x37: {  	s6 =	rddreg [dreg:$0x6];
	[sflag:s1] =	ssyncadd.s32 @!p0 $0xFFFFD800  }
0x38: {  	[spmem:s6] =	stream.linear.scatter @!p0 [tilespmem:s0], [sflag:$0x3], $0x2800, $0x38;
	[tilespmem:$0x1B100] =	vst v63  }
0x39: {  	_ =	swait.ge @!p0 [sflag:s1], $0x2800  }
0x3a: {  	[sflag:s1] =	ssyncset.done @!p0 $0x0  }
0x3b: {  	s6 =	rddreg [dreg:$0x7];
	[sflag:s1] =	ssyncadd.s32 @!p0 $0xFFFFD800  }
0x3c: {  	[spmem:s6] =	stream.linear.scatter @!p0 [tilespmem:s0], [sflag:$0x3], $0x2800, $0x38;
	[tilespmem:$0x1B100] =	vst v63  }
0x3d: {  	_ =	swait.ge @!p0 [sflag:s1], $0x2800  }
0x3e: {  	[sflag:s1] =	ssyncset.done @!p0 $0x0  }
0x3f: {  	s6 =	rddreg [dreg:$0x8];
	[sflag:s1] =	ssyncadd.s32 @!p0 $0xFFFFD800  }
0x40: {  	[spmem:s6] =	stream.linear.scatter @!p0 [tilespmem:s0], [sflag:$0x3], $0x2800, $0x38;
	[tilespmem:$0x1B100] =	vst v63  }
0x41: {  	_ =	swait.ge @!p0 [sflag:s1], $0x2800  }
0x42: {  	[sflag:s1] =	ssyncset.done @!p0 $0x0  }
0x43: {  	s6 =	rddreg [dreg:$0x9];
	[sflag:s1] =	ssyncadd.s32 @!p0 $0xFFFFD800  }
0x44: {  	[spmem:s6] =	stream.linear.scatter @!p0 [tilespmem:s0], [sflag:$0x3], $0x2800, $0x38;
	[tilespmem:$0x1B100] =	vst v63  }
0x45: {  	_ =	swait.ge @!p0 [sflag:s1], $0x2800  }
0x46: {  	[sflag:s1] =	ssyncset.done @!p0 $0x0  }
0x47: {  	s6 =	rddreg [dreg:$0xa];
	[sflag:s1] =	ssyncadd.s32 @!p0 $0xFFFFD800  }
0x48: {  	[spmem:s6] =	stream.linear.scatter @!p0 [tilespmem:s0], [sflag:$0x3], $0x2800, $0x38;
	[tilespmem:$0x1B100] =	vst v63  }
0x49: {  	_ =	swait.ge @!p0 [sflag:s1], $0x2800  }
0x4a: {  	[sflag:s1] =	ssyncset.done @!p0 $0x0  }
0x4b: {  	s6 =	rddreg [dreg:$0xb];
	[sflag:s1] =	ssyncadd.s32 @!p0 $0xFFFFD800  }
0x4c: {  	[spmem:s6] =	stream.linear.scatter @!p0 [tilespmem:s0], [sflag:$0x3], $0x2800, $0x38;
	[tilespmem:$0x1B100] =	vst v63  }
0x4d: {  	_ =	swait.ge @!p0 [sflag:s1], $0x2800  }
0x4e: {  	[sflag:s1] =	ssyncset.done @!p0 $0x0  }
0x4f: {  	s6 =	rddreg [dreg:$0xc];
	[sflag:s1] =	ssyncadd.s32 @!p0 $0xFFFFD800  }
0x50: {  	[spmem:s6] =	stream.linear.scatter @!p0 [tilespmem:s0], [sflag:$0x3], $0x2800, $0x38;
	[tilespmem:$0x1B100] =	vst v63  }
0x51: {  	_ =	swait.ge @!p0 [sflag:s1], $0x2800  }
0x52: {  	[sflag:s1] =	ssyncset.done @!p0 $0x0  }
0x53: {  	[sflag:s1] =	ssyncadd.s32 @!p0 $0xFFFFD800  }
0x54: {  	[spmem:s16] =	stream.linear.scatter @!p0 [tilespmem:s0], [sflag:$0x3], $0x2800, $0x38;
	[tilespmem:$0x1B100] =	vst v63  }
0x55: {  	_ =	swait.ge @!p0 [sflag:s1], $0x2800  }
0x56: {  	[sflag:s1] =	ssyncset.done @!p0 $0x0  }
0x57: {  	[sflag:s1] =	ssyncadd.s32 @!p0 $0xFFFFD800  }
0x58: {  	[spmem:s17] =	stream.linear.scatter @!p0 [tilespmem:s0], [sflag:$0x3], $0x1400, $0x38;
	[tilespmem:$0x1B100] =	vst v63  }
0x59: {  	_ =	swait.ge @!p0 [sflag:s1], $0x1400  }
0x5a: {  	[sflag:s1] =	ssyncset.done @!p0 $0x0  }
0x5b: {  	s13 =	simm.s32 $0x0;
	[sflag:s1] =	ssyncadd.s32 @!p0 $0xFFFFEC00  }
0x5c: {  	[tilespmem:s13], [sflag:$0x3] =	stream.linear.gather [hbm4b:s18+s13], $0x2710, $0x38;
	[tilespmem:$0x1B100] =	vst v63  }
0x5d: {  	_ =	swait.ge [sflag:s23], $0x2710  }
0x5e: {  	[sflag:s23] =	ssyncset.done $0x0  }
0x5f: {  	s14 =	simm.s32 $0x50;
	s0 =	sand.u32 $0x1, s13;
	[sflag:s23] =	ssyncadd.s32 $0xFFFFD8F0  }
0x60: {  	s8 =	simm.s32 $0x1;
	s15 =	sxor.u32 $0x1, s0;
	[bflag:$0x0] =	sbarrier.arrive $0xFFFF  }
0x61: {  	[tilespmem:s24], [sflag:$0x1] =	stream.linear.gather [hbm4b:s19+s13], $0x50, $0x38;
	[tilespmem:$0x1B100] =	vst v63  }
0x62: {  	s30 =	simm.s32 $0xA0;
	s7 =	smul.u32 $0xA000, s15;
	s9 =	sshll.u32 s15, $0x7  }
0x63: {  	[tilespmem:s25], [sflag:$0x1] =	stream.indirect.gather [hbm4b:s4+s14], $0x80, s13, s14, $0xb8;
	[tilespmem:$0x1B100] =	vst v63  }
0x64: {  	s11 =	sadd.s32 $0x1, s15;
	s9 =	sadd.s32 $0x2780, s9;
	s7 =	sshrl.u32 s7, $0x2  }
0x65: {  	[tilespmem:s9], [sflag:s11] =	stream.linear.gather [hbm4b:s22+s3], $0x50, $0x38;
	[tilespmem:$0x1B100] =	vst v63  }
0x66: {  	s10 =	smul.u32 $0xA000, s0;
	s6 =	sadd.s32 $0x1, s0;
	s7 =	sadd.s32 $0x2880, s7  }
0x67: {  	[tilespmem:s7], [sflag:s11] =	stream.indirect.gather [hbm4b:s4+s26], $0x80, s14, s26, $0xb8;
	[tilespmem:$0x1B100] =	vst v63  }
0x68: {  	s12 =	sshll.u32 s0, $0x7;
	s1 =	sand.u32 $0x1, s8;
	_ =	swait.ge [sflag:s6], $0x50  }
0x69: {  	s0 =	sadd.s32 $0xA, s22;
	s8 =	sxor.u32 $0x1, s1;
	[sflag:s6] =	ssyncset.done $0x0  }
0x6a: {  	s31 =	smul.u32 $0xA000, s1;
	s9 =	simm.s32 $0x2;
	[sflag:s6] =	ssyncadd.s32 $0xFFFFFFB0  }
0x6b: {  	s7 =	sadd.s32 $0x2780, s12;
	s11 =	sshrl.u32 s10, $0x2;
	_ =	swait.ge [sflag:s6], $0x2800  }
0x6c: {  	s10 =	sshll.u32 s8, $0x7;
	s12 =	smul.u32 $0xA000, s8;
	[sflag:s6] =	ssyncset.done $0x0  }
.LBB2_4:
0x6d: {  	s13 =	sshll.u32 s1, $0x7  }
0x6e: {  	s11 =	sadd.s32 $0x2880, s11;
	[sflag:s6] =	ssyncadd.s32 $0xFFFFD800;
	s14 =	smov.u32 s9  }
0x6f: {  	[spmem:s2] =	stream.indirect.scatter.add.f32 [tilespmem:s11], [sflag:$0x3], $0x80, s7, s26, $0xb8;
	[tilespmem:$0x1B100] =	vst v63  }
0x70: {  	s15 =	sadd.s32 $0x1, s9;
	s6 =	sshrl.u32 s12, $0x2;
	_ =	swait.ge [sflag:s23], $0x2800  }
0x71: {  	s8 =	sadd.s32 $0x1, s8;
	s7 =	sadd.s32 $0x2780, s10;
	[sflag:s23] =	ssyncset.done $0x0  }
0x72: {  	p1 =	sne.s32 s9, $0x7B;
	[sflag:s23] =	ssyncadd.s32 $0xFFFFD800  }
0x73: {  	[tilespmem:s7], [sflag:s8] =	stream.linear.gather [hbm4b:s0+s3], $0x50, $0x38;
	[tilespmem:$0x1B100] =	vst v63  }
0x74: {  	s11 =	sshrl.u32 s31, $0x2;
	s7 =	sadd.s32 $0x2880, s6;
	s6 =	sadd.s32 $0x1, s1  }
0x75: {  	[tilespmem:s7], [sflag:s8] =	stream.indirect.gather [hbm4b:s4+s26], $0x80, s30, s26, $0xb8;
	[tilespmem:$0x1B100] =	vst v63  }
.Ltmp1:
0x76: {  	s30 =	sadd.s32 $0x50, s30;
	_ =	swait.ge [sflag:s6], $0x50;
	(pc) =	sbr.rel @p1 .LBB2_4-.Ltmp1, $4  }
0x77: {  	s0 =	sadd.s32 $0xA, s0;
	s7 =	sadd.s32 $0x2780, s13;
	[sflag:s6] =	ssyncset.done $0x0  }
0x78: {  	s9 =	smov.u32 s15;
	s1 =	sand.u32 $0x1, s14;
	[sflag:s6] =	ssyncadd.s32 $0xFFFFFFB0  }
0x79: {  	s31 =	smul.u32 $0xA000, s1;
	s8 =	sxor.u32 $0x1, s1;
	_ =	swait.ge [sflag:s6], $0x2800  }
0x7a: {  	s10 =	sshll.u32 s8, $0x7;
	s12 =	smul.u32 $0xA000, s8;
	[sflag:s6] =	ssyncset.done $0x0  }
0x7b: {  	s9 =	sadd.s32 $0x2880, s11;
	[sflag:s6] =	ssyncadd.s32 $0xFFFFD800  }
0x7c: {  	[spmem:s2] =	stream.indirect.scatter.add.f32 [tilespmem:s9], [sflag:$0x3], $0x80, s7, s26, $0xb8;
	[tilespmem:$0x1B100] =	vst v63  }
0x7d: {  	_ =	swait.ge [sflag:s23], $0x2800  }
0x7e: {  	s13 =	sadd.s32 $0x2780, s10;
	[sflag:s23] =	ssyncset.done $0x0  }
0x7f: {  	s8 =	sadd.s32 $0x1, s8;
	s12 =	sshrl.u32 s12, $0x2;
	[sflag:s23] =	ssyncadd.s32 $0xFFFFD800  }
0x80: {  	[tilespmem:s13], [sflag:s8] =	stream.linear.gather [hbm4b:s0+s3], $0x50, $0x38;
	[tilespmem:$0x1B100] =	vst v63  }
0x81: {  	s15 =	sadd.s32 $0x1, s1;
	s14 =	sadd.s32 $0x2880, s12  }
0x82: {  	[tilespmem:s14], [sflag:s8] =	stream.indirect.gather [hbm4b:s4+s26], $0x80, s30, s26, $0xb8;
	[tilespmem:$0x1B100] =	vst v63  }
0x83: {  	_ =	swait.ge [sflag:s15], $0x50  }
0x84: {  	[sflag:s15] =	ssyncset.done $0x0  }
0x85: {  	[sflag:s15] =	ssyncadd.s32 $0xFFFFFFB0  }
0x86: {  	_ =	swait.ge [sflag:s15], $0x2800  }
0x87: {  	s31 =	sshrl.u32 s31, $0x2;
	s30 =	sshll.u32 s1, $0x7;
	[sflag:s15] =	ssyncset.done $0x0  }
0x88: {  	s1 =	sadd.s32 $0x2880, s31;
	s0 =	sadd.s32 $0x2780, s30;
	[sflag:s15] =	ssyncadd.s32 $0xFFFFD800  }
0x89: {  	[spmem:s2] =	stream.indirect.scatter.add.f32 [tilespmem:s1], [sflag:$0x3], $0x80, s0, s26, $0xb8;
	[tilespmem:$0x1B100] =	vst v63  }
0x8a: {  	_ =	swait.ge [sflag:s23], $0x2800  }
0x8b: {  	[sflag:s23] =	ssyncset.done $0x0  }
0x8c: {  	[sflag:s23] =	ssyncadd.s32 $0xFFFFD800  }
0x8d: {  	_ =	swait.ge [sflag:s28], $0x50  }
0x8e: {  	[sflag:s28] =	ssyncset.done $0x0  }
0x8f: {  	[sflag:s28] =	ssyncadd.s32 $0xFFFFFFB0  }
0x90: {  	_ =	swait.ge [sflag:s28], $0x2800  }
0x91: {  	[sflag:s28] =	ssyncset.done $0x0  }
0x92: {  	[sflag:s28] =	ssyncadd.s32 $0xFFFFD800  }
0x93: {  	[spmem:s2] =	stream.indirect.scatter.add.f32 [tilespmem:s25], [sflag:$0x3], $0x80, s24, s26, $0xb8;
	[tilespmem:$0x1B100] =	vst v63  }
0x94: {  	_ =	swait.ge [sflag:s23], $0x2800  }
0x95: {  	s29 =	sadd.s32 $0x1, s29;
	s0 =	stileid.u32;
	[sflag:s23] =	ssyncset.done $0x0  }
0x96: {  	p1 =	sne.s32 s29, s21;
	s0 =	sshll.u32 @!p0 s0, $0x6;
	[sflag:s23] =	ssyncadd.s32 $0xFFFFD800  }
0x97: {  	s1 =	sshrl.u32 @!p0 s5, $0x3;
	s0 =	sor.u32 @!p0 $0x1C03, s0;
	[bflag:$0x0] =	sbarrier.arrive $0xFFFF  }
0x98: {  	[hbm:s20], [sflag:s0] =	dma.local @!p0 [spmem:s1], $0x3E80  }
.Ltmp2:
0x99: {  	_ = 	snop;
	(pc) =	sbr.rel @p1 .LBB2_1-.Ltmp2, $4  }
0x9a: {  	s0 =	simm.s32 @!p0 $0x3  }
0x9b: {  	_ =	swait.ge @!p0 [sflag:s0], $0x3E80  }
0x9c: {  	[sflag:s0] =	ssyncset.done @!p0 $0x0  }
0x9d: {  	[sflag:s0] =	ssyncadd.s32 @!p0 $0xFFFFC180  }
0x9e: {  	_ =	sfence.sel $0x180000  }
0x9f: {  	[bflag:$0x0] =	sbarrier.arrive $0xFFFF  }
0xa0: {  	_ =	strace $0x9000004A  }
0xa1: {  	s0 =	stileid.u32;
	[bflag:$0x2] =	sbarrier.arrive $0xFFFF  }
0xa2: {  	p0 =	sne.s32 s0, $0x0;
	s0 =	rddreg [dreg:$0x2]  }
0xa3: {  	s0 =	sadd.s32 @!p0 $0x100000, s0  }
0xa4: {  	[sflag:s0] =	ssyncadd.tile.s32 @!p0 $0x1;
	_ =	shalt  }
.Lfunc_end2:
_tile_overlayer_lowered:
.L_overlay_start_2:
0xa5: {  	(tag) =	ssettag $0x2  }
0xa6: {  	s0 =	rddreg [dreg:$0x0];
	s2 =	stileid.u32  }
0xa7: {  	s1 =	rddreg [dreg:$0x1];
	p0 =	sne.s32 s2, $0x0  }
0xa8: {  	s3 =	rddreg [dreg:$0x2];
	[bflag:$0x3] =	sbarrier.arrive $0xFFFF;
	s2 =	simm.s32 @!p0 $0x1C03  }
0xa9: {  	[timem:s3], [sflag:s2] =	dma.local @!p0 [hbm:s0], s1  }
0xaa: {  	s0 =	simm.s32 @!p0 $0x3  }
0xab: {  	_ =	swait.ge @!p0 [sflag:s0], s1  }
0xac: {  	s1 =	ssub.s32 @!p0 $0x0, s1;
	[sflag:s0] =	ssyncset.done @!p0 $0x0  }
0xad: {  	[sflag:s0] =	ssyncadd.s32 @!p0 s1  }
0xae: {  	[bflag:$0x3] =	sbarrier.arrive $0xFFFF  }
0xaf: {  	_ =	shalt  }

// kernel: kernel.7.cloned.1.call-start
scs
__scs_entry_jumppad:
0x0: {  	(pc) =	sbr.rel $0x88, $3  }
0x1: {  	(tag) =	ssettag $0x0;
	lr =	simm.s32 $0x1  }
0x2: {  	[smem:$0x3F8F] =	sst lr;
	_ =	strace $0xD0000000  }
0x3: {  	_ = 	snop  }
0x4: {  	_ = 	snop  }
0x5: {  	_ = 	snop  }
0x6: {  	_ = 	snop  }
0x7: {  	_ = 	snop  }
__scs_overlays_trampoline_lowered:
0x8: {  	[smem:$0x3F9E] =	sst s0  }
0x9: {  	[smem:$0x3F9F] =	sst s1  }
0xa: {  	[smem:$0x3FA0] =	sst s2  }
0xb: {  	[smem:$0x3FA1] =	sst s3  }
0xc: {  	[smem:$0x3FA2] =	sst s4  }
0xd: {  	[smem:$0x3FA3] =	sst s5  }
0xe: {  	[smem:$0x3FA4] =	sst s6  }
0xf: {  	[smem:$0x3FA5] =	sst s7  }
0x10: {  	[smem:$0x3FA6] =	sst s8  }
0x11: {  	[smem:$0x3FA7] =	sst s9;
	s0 =	simm.s32 @!p0 $0x0  }
0x12: {  	s1 =	sld [smem:$0x3F8D];
	s0 =	simm.s32 @p0 $0x1  }
0x13: {  	[smem:$0x3FA8] =	sst s0;
	s0 =	simm.s32 @!p1 $0x0  }
0x14: {  	s2 =	sld [smem:$0x3F8C];
	s0 =	simm.s32 @p1 $0x1  }
0x15: {  	[smem:$0x3FA9] =	sst s0;
	s0 =	simm.s32 @!p2 $0x0  }
0x16: {  	s3 =	sld [smem:$0x3FDB];
	s0 =	simm.s32 @p2 $0x1  }
0x17: {  	s4 =	simm.s32 $0x1BF5;
	[smem:$0x3FAB] =	sst s0  }
0x18: {  	s0 =	sld [smem:$0x3F8E];
	_ =	swait.ge [sflag:s4], $0x0  }
0x19: {  	s7 =	sld [smem:$0x3F8F]  }
0x1a: {  	s8 =	sadd.s32 $0xFFFFE003, lr  }
0x1b: {  	s9 =	sadd.s32 $0xFFFFFEF7, lr;
	s5 =	simm.s32 $0xFFFFFFFF;
	p2 =	slt.u32 s8, $0xFFFFF086  }
0x1c: {  	p1 =	slt.u32 s9, $0xF7A;
	s5 =	simm.s32 @!p2 $0x0  }
0x1d: {  	s5 =	simm.s32 @p1 $0x1;
	p0 =	seq.s32 s7, s2  }
0x1e: {  	s7 =	smul.u32 @!p0 $0xF7A, s2;
	p2 =	seq.s32 @!p0 s5, $0x0  }
0x1f: {  	s9 =	smul.u32 $0xF7A, s1;
	s8 =	simm.s32 @!p0 $0x1BF5;
	p2 =	por !p2, p0  }
0x20: {  	[sflag:s8] =	ssyncset.s32 @!p0 $0xFFFFF086;
	s6 =	sadd.s32 @!p0 s3, s7;
	s7 =	simm.s32 @!p0 $0x108  }
0x21: {  	s3 =	sadd.s32 s3, s9;
	s6 =	sadd.s32 @!p0 $0x88, s6;
	s7 =	simm.s32 @p2 $0x1082  }
0x22: {  	[simem:s7], [sflag:s8] =	dma.local @!p0 [hbm:s6], $0xF7A  }
0x23: {  	s9 =	sor.u32 $0xD0000000, s2;
	s6 =	simm.s32 $0x108;
	_ =	swait.ge @!p0 [sflag:s8], $0x0  }
0x24: {  	s3 =	sadd.s32 $0x88, s3;
	s6 =	simm.s32 @!p1 $0x1082;
	[sflag:s4] =	ssyncset.s32 $0xFFFFF086  }
0x25: {  	[simem:s6], [sflag:s4] =	dma.local [hbm:s3], $0xF7A  }
0x26: {  	[smem:$0x3F8F] =	sst s1;
	(tag) =	ssettag s2;
	_ =	strace s9  }
0x27: {  	s1 =	sld [smem:$0x3F9F]  }
0x28: {  	s2 =	sld [smem:$0x3FA0]  }
0x29: {  	s4 =	sld [smem:$0x3FA2]  }
0x2a: {  	p0 =	seq.s32 s5, $0x0;
	s5 =	sld [smem:$0x3FA3]  }
0x2b: {  	s6 =	sld [smem:$0x3FA4]  }
0x2c: {  	s7 =	sld [smem:$0x3FA5]  }
0x2d: {  	s3 =	simm.s32 $0x108;
	s8 =	sld [smem:$0x3FA6]  }
0x2e: {  	s3 =	simm.s32 @!p0 $0x1082;
	s9 =	sld [smem:$0x3FA7]  }
0x2f: {  	lr =	sadd.s32 s0, s3;
	s0 =	sld [smem:$0x3F9E]  }
0x30: {  	s3 =	sld [smem:$0x3FA1]  }
0x31: {  	[smem:$0x3FAA] =	sst s10  }
0x32: {  	s10 =	sld [smem:$0x3FA8];
	_ =	sdelay $0x3  }
0x33: {  	p0 =	seq.s32 s10, $0x1;
	s10 =	sld [smem:$0x3FAA];
	_ =	sdelay $0x3  }
0x34: {  	[smem:$0x3FAA] =	sst s10  }
0x35: {  	s10 =	sld [smem:$0x3FA9];
	_ =	sdelay $0x3  }
0x36: {  	p1 =	seq.s32 s10, $0x1;
	s10 =	sld [smem:$0x3FAA];
	_ =	sdelay $0x3  }
0x37: {  	[smem:$0x3FAA] =	sst s10  }
0x38: {  	s10 =	sld [smem:$0x3FAB]  }
0x39: {  	_ = 	snop;
	(pc) =	sbr.ind lr, $3  }
0x3a: {  	_ = 	snop  }
0x3b: {  	_ = 	snop  }
0x3c: {  	p2 =	seq.s32 s10, $0x1;
	s10 =	sld [smem:$0x3FAA]  }
0x3d: {  	_ =	shalt  }
0x3e: {  	_ =	shalt  }
0x3f: {  	_ =	shalt  }
0x40: {  	_ =	shalt  }
0x41: {  	_ =	shalt  }
0x42: {  	_ =	shalt  }
0x43: {  	_ =	shalt  }
0x44: {  	_ =	shalt  }
0x45: {  	_ =	shalt  }
0x46: {  	_ =	shalt  }
0x47: {  	_ =	shalt  }
0x48: {  	_ =	shalt  }
0x49: {  	_ =	shalt  }
0x4a: {  	_ =	shalt  }
0x4b: {  	_ =	shalt  }
0x4c: {  	_ =	shalt  }
0x4d: {  	_ =	shalt  }
0x4e: {  	_ =	shalt  }
0x4f: {  	_ =	shalt  }
0x50: {  	_ =	shalt  }
0x51: {  	_ =	shalt  }
0x52: {  	_ =	shalt  }
0x53: {  	_ =	shalt  }
0x54: {  	_ =	shalt  }
0x55: {  	_ =	shalt  }
0x56: {  	_ =	shalt  }
0x57: {  	_ =	shalt  }
0x58: {  	_ =	shalt  }
0x59: {  	_ =	shalt  }
0x5a: {  	_ =	shalt  }
0x5b: {  	_ =	shalt  }
0x5c: {  	_ =	shalt  }
0x5d: {  	_ =	shalt  }
0x5e: {  	_ =	shalt  }
0x5f: {  	_ =	shalt  }
0x60: {  	_ =	shalt  }
0x61: {  	_ =	shalt  }
0x62: {  	_ =	shalt  }
0x63: {  	_ =	shalt  }
0x64: {  	_ =	shalt  }
0x65: {  	_ =	shalt  }
0x66: {  	_ =	shalt  }
0x67: {  	_ =	shalt  }
0x68: {  	_ =	shalt  }
0x69: {  	_ =	shalt  }
0x6a: {  	_ =	shalt  }
0x6b: {  	_ =	shalt  }
0x6c: {  	_ =	shalt  }
0x6d: {  	_ =	shalt  }
0x6e: {  	_ =	shalt  }
0x6f: {  	_ =	shalt  }
0x70: {  	_ =	shalt  }
0x71: {  	_ =	shalt  }
0x72: {  	_ =	shalt  }
0x73: {  	_ =	shalt  }
0x74: {  	_ =	shalt  }
0x75: {  	_ =	shalt  }
0x76: {  	_ =	shalt  }
0x77: {  	_ =	shalt  }
0x78: {  	_ =	shalt  }
0x79: {  	_ =	shalt  }
0x7a: {  	_ =	shalt  }
0x7b: {  	_ =	shalt  }
0x7c: {  	_ =	shalt  }
0x7d: {  	_ =	shalt  }
0x7e: {  	_ =	shalt  }
0x7f: {  	_ =	shalt  }
0x80: {  	_ =	shalt  }
0x81: {  	_ =	shalt  }
0x82: {  	_ =	shalt  }
0x83: {  	_ =	shalt  }
0x84: {  	_ =	shalt  }
0x85: {  	_ =	shalt  }
0x86: {  	_ =	shalt  }
0x87: {  	_ =	shalt  }
.Lfunc_end0:
.L_simem_size_0:
called_computation_lowered:
.L_overlay_start_0:
0x88: {  	s2 =	sld [smem:$0x3FD9]  }
0x89: {  	s3 =	sld [smem:$0x3FFE];
	_ =	sdelay $0x1  }
0x8a: {  	s1 =	srdreg.scid  }
0x8b: {  	s0 =	sand.u32 $0x1, s1  }
0x8c: {  	s17 =	sshll.u32 s0, $0xA;
	s2 =	sadd.s32 s3, s2  }
0x8d: {  	s2 =	sadd.s32 s2, s17  }
0x8e: {  	[smem:$0x3FB6] =	sst s2  }
0x8f: {  	_ = 	snop  }
0x90: {  	s2 =	sld [smem:$0x3FC9];
	(tm) =	ssettm $0x1  }
0x91: {  	s18 =	sld [smem:$0x3FFB];
	_ =	sdelay $0x3  }
0x92: {  	_ =	strace s18  }
0x93: {  	s3 =	sld [smem:$0x3FFC];
	_ =	sdelay $0x3  }
0x94: {  	_ =	strace s3  }
0x95: {  	s3 =	sld [smem:$0x3FFD];
	_ =	sdelay $0x3  }
0x96: {  	_ =	strace s3  }
0x97: {  	_ =	strace $0x8FFFFFFF  }
0x98: {  	s19 =	sld [smem:$0x3FDB];
	_ =	sdelay $0x1  }
0x99: {  	s4 =	simm.s32 $_scs_section_size  }
0x9a: {  	s5 =	simm.s32 $_size__tile_overlayer_lowered;
	s6 =	simm.s32 $_tile_overlayer_lowered  }
0x9b: {  	s22 =	simm.s32 $0x1BFF;
	s21 =	sshll.u32 s6, $0x1;
	s3 =	sadd.s32 s4, s19  }
0x9c: {  	s7 =	simm.s32 $0x0;
	s20 =	sshll.u32 s5, $0x1;
	s5 =	sadd.s32 s21, s3  }
0x9d: {  	[timem:s7], [sflag:s22] =	dma.local [hbm:s5], s20  }
0x9e: {  	_ =	swait.ge [sflag:s22], s20  }
0x9f: {  	s4 =	ssub.s32 $0x0, s20;
	[sflag:s22] =	ssyncset.done $0x0  }
0xa0: {  	[sflag:s22] =	ssyncadd.s32 s4;
	_ =	sdelay $0x1  }
0xa1: {  	s23 =	simm.s32 $0x1B8B  }
0xa2: {  	_ =	swait.ge [sflag:s23], $0x1  }
0xa3: {  	[sflag:s23] =	ssyncset.done $0x0  }
0xa4: {  	s25 =	simm.s32 $0x1B8E;
	s24 =	sld [smem:$0x3FFE];
	[sflag:s23] =	ssyncadd.s32 $0xFFFFFFFF  }
0xa5: {  	s26 =	simm.s32 $execute0_lowered;
	[smem:$0x3FD2] =	sst s25  }
0xa6: {  	s5 =	sshll.u32 s26, $0x1;
	_ =	strace $0x80000046;
	[dreg:$0x1] =	wrdreg $0xFFFFFFFF  }
0xa7: {  	s28 =	simm.s32 $_size_execute0_lowered;
	s3 =	sadd.s32 s3, s5;
	[dreg:$0x0] =	wrdreg $0x0  }
0xa8: {  	s5 =	sshll.u32 s28, $0x1;
	[dreg:$0x2] =	wrdreg s3  }
0xa9: {  	[dreg:$0x3] =	wrdreg s5  }
0xaa: {  	[dreg:$0x4] =	wrdreg $0xC0  }
0xab: {  	_ =	task [dreg:s7], $0x5FFFF  }
0xac: {  	[dreg:$0x1] =	wrdreg $0xFFFFFFFF  }
0xad: {  	[dreg:$0x0] =	wrdreg $0x60  }
0xae: {  	[dreg:$0x2] =	wrdreg s24  }
0xaf: {  	[dreg:$0x3] =	wrdreg s2  }
0xb0: {  	[dreg:$0x4] =	wrdreg $0xA4000  }
0xb1: {  	[dreg:$0x5] =	wrdreg $0x9  }
0xb2: {  	_ =	task.clear_ibuf [dreg:s7], $0x6FFFF;
	_ =	strace $0x90000046  }
0xb3: {  	s29 =	simm.s32 $0x9;
	_ =	strace $0x80000048  }
0xb4: {  	_ =	swait.ge [sflag:s29], $0x1  }
0xb5: {  	[sflag:s29] =	ssyncadd.s32 $0xFFFFFFFF  }
0xb6: {  	_ =	strace $0x90000048  }
0xb7: {  	_ =	sfence  }
0xb8: {  	s30 =	sld [smem:$0x0];
	_ =	sdelay $0x2  }
0xb9: {  	s31 =	sshll.u32 s1, $0xD;
	s1 =	sshrl.u32 s1, $0x2  }
0xba: {  	s3 =	sand.u32 $0x4000, s31;
	s1 =	sadd.s32 s1, s30  }
0xbb: {  	s0 =	sor.u32 s3, s0;
	s1 =	sshll.u32 s1, $0x11  }
0xbc: {  	s0 =	sor.u32 s1, s0  }
0xbd: {  	s0 =	sadd.s32 $0x8F2B, s0  }
0xbe: {  	[sflag:s0] =	ssyncadd.remote.s32 $0x1  }
0xbf: {  	_ =	sfence.sel $0xFFFF  }
0xc0: {  	[dreg:$0x0] =	wrdreg $0xFFFFFFFF;
	(pc) =	sbr.abs _section_cstart, $3  }
0xc1: {  	[dreg:$0x1] =	wrdreg $0xFFFFFFFF  }
0xc2: {  	_ =	task.clear_ibuf [dreg:s7], $0x2FFFF;
	_ =	strace $0x9FFFFFFF  }
0xc3: {  	(tm) =	ssettm $0x7FFFFFFF  }
tec
execute0_lowered:
.L_overlay_start_1:
0x0: {  	(tag) =	ssettag $0x1  }
0x1: {  	s0 =	rddreg [dreg:$0x0]  }
0x2: {  	s1 =	rddreg [dreg:$0x1]  }
0x3: {  	s2 =	rddreg [dreg:$0x2]  }
0x4: {  	s3 =	srdreg.scid;
	s10 =	stileid.u32  }
0x5: {  	s4 =	simm.s32 $0x0;
	s29 =	simm.s32 $0x50;
	s7 =	smul.u32 $0x1F400, s10  }
0x6: {  	s31 =	simm.s32 $0x6;
	s3 =	sand.u32 $0x1, s3;
	s8 =	smul.u32 $0x7D000, s10  }
0x7: {  	[smem:$0x7FF] =	sst s4;
	s5 =	sadd.s32 $0x16A00, s0;
	s6 =	smul.u32 $0x138800, s3  }
0x8: {  	p0 =	sgt.u32 s10, $0x9;
	_ =	strace $0x80000047;
	s9 =	ssub.s32 $0x2, s3  }
0x9: {  	s3 =	sshll.u32 s3, $0x4;
	s20 =	sshrl.u32 s9, $0x1;
	s7 =	sadd.s32 s7, s6  }
0xa: {  	s8 =	sshrl.u32 s8, $0x2;
	s3 =	sor.u32 s10, s3;
	s7 =	sshrl.u32 s7, $0x3  }
0xb: {  	s6 =	sadd.s32 $0x3000, s0;
	s0 =	sadd.s32 s7, s0;
	s7 =	sadd.s32 s8, s2  }
0xc: {  	s9 =	ssub.s32 s9, s20;
	s12 =	smul.u32 $0x2710, s3;
	s8 =	sadd.s32 $0x2800, s7  }
0xd: {  	s3 =	smul.u32 $0x27100, s3;
	s21 =	sadd.s32 $0x5000, s7;
	[dreg:$0x4] =	wrdreg s8  }
0xe: {  	s30 =	sshrl.u32 s12, $0x3;
	s22 =	sadd.s32 $0x7800, s7;
	[dreg:$0x5] =	wrdreg s21  }
0xf: {  	s23 =	sadd.s32 $0xA000, s7;
	s24 =	sadd.s32 $0xC800, s7;
	[dreg:$0x6] =	wrdreg s22  }
0x10: {  	s25 =	sadd.s32 $0xF000, s7;
	s26 =	sadd.s32 $0x11800, s7;
	[dreg:$0x7] =	wrdreg s23  }
0x11: {  	s16 =	sadd.s32 $0x14000, s7;
	s17 =	sadd.s32 $0x16800, s7;
	[dreg:$0x8] =	wrdreg s24  }
.Ltmp0:
0x12: {  	s18 =	sadd.s32 $0x19000, s7;
	[dreg:$0x9] =	wrdreg s25;
	(pc) =	sbr.rel .LBB2_1-.Ltmp0, $4  }
0x13: {  	s19 =	sadd.s32 s6, s30;
	s20 =	sadd.s32 $0x1B800, s7;
	[dreg:$0xa] =	wrdreg s26  }
0x14: {  	s21 =	sadd.s32 $0x1E000, s7;
	s22 =	sadd.s32 $0x9C40, s19;
	s23 =	sadd.s32 s5, s3  }
0x15: {  	s24 =	sadd.s32 $0x4F8A00, s0;
	s25 =	smax.u32 s9, $0x1;
	s26 =	sadd.s32 $0xA, s19  }
0x16: {  	v0 =	vimm.f32 $0.0e+00;
	s28 =	sadd.s32 $0x9C4A, s19;
	s0 =	simm.s32 $0x3;
	s3 =	simm.s32 $0x0  }
.LBB2_9:
0x17: {  	s8 =	stileid.u32  }
0x18: {  	[bflag:$0x0] =	sbarrier.arrive $0xFFFF;
	s3 =	sadd.s32 $0x1, s3;
	s8 =	sshll.u32 @!p0 s8, $0x6  }
0x19: {  	s9 =	sshrl.u32 @!p0 s7, $0x3;
	p1 =	sne.s32 s3, s25;
	s8 =	sor.u32 @!p0 $0x1C06, s8  }
0x1a: {  	[hbm:s24], [sflag:s8] =	dma.local @!p0 [spmem:s9], $0x3E80  }
.Ltmp1:
0x1b: {  	_ = 	snop;
	(pc) =	sbr.rel @!p1 .LBB2_10-.Ltmp1, $4  }
0x1c: {  	s8 =	simm.s32 @!p0 $0x6  }
0x1d: {  	_ =	swait.ge @!p0 [sflag:s8], $0x3E80  }
0x1e: {  	[sflag:s8] =	ssyncset.done @!p0 $0x0  }
0x1f: {  	[sflag:s8] =	ssyncadd.s32 @!p0 $0xFFFFC180  }
.LBB2_1:
0x20: {  	s8 =	simm.s32 $0x0;
	s9 =	simm.s32 $0x200  }
.LBB2_2:
0x21: {  	p1 =	sne.s32 s9, $0x9E00;
	[tilespmem:s8+$0x5470] =	vst v0  }
0x22: {  	[tilespmem:s8+$0x5400] =	vst v0  }
0x23: {  	[tilespmem:s8+$0x5410] =	vst v0  }
.Ltmp2:
0x24: {  	[tilespmem:s8+$0x5420] =	vst v0;
	(pc) =	sbr.rel @p1 .LBB2_2-.Ltmp2, $4  }
0x25: {  	[tilespmem:s8+$0x5430] =	vst v0  }
0x26: {  	[tilespmem:s8+$0x5440] =	vst v0  }
0x27: {  	[tilespmem:s8+$0x5450] =	vst v0  }
0x28: {  	[tilespmem:s8+$0x5460] =	vst v0;
	s8 =	sshra.s32 s9, $0x2;
	s9 =	sadd.s32 $0x200, s9  }
0x29: {  	[tilespmem:s8+$0x5470] =	vst v0  }
0x2a: {  	[tilespmem:s8+$0x5400] =	vst v0  }
0x2b: {  	[tilespmem:s8+$0x5410] =	vst v0  }
0x2c: {  	[tilespmem:s8+$0x5420] =	vst v0  }
0x2d: {  	[tilespmem:s8+$0x5430] =	vst v0  }
0x2e: {  	[tilespmem:s8+$0x5440] =	vst v0  }
0x2f: {  	[tilespmem:s8+$0x5450] =	vst v0  }
0x30: {  	[tilespmem:s8+$0x5460] =	vst v0;
	s8 =	simm.s32 @!p0 $0x5400;
	s9 =	simm.s32 @!p0 $0x6  }
0x31: {  	[spmem:s7] =	stream.linear.scatter @!p0 [tilespmem:s8], [sflag:$0x6], $0x2800, $0x38;
	[tilespmem:$0x1DC80] =	vst v63  }
0x32: {  	_ =	swait.ge @!p0 [sflag:s9], $0x2800  }
0x33: {  	[sflag:s9] =	ssyncset.done @!p0 $0x0  }
0x34: {  	s10 =	rddreg [dreg:$0x4];
	[sflag:s9] =	ssyncadd.s32 @!p0 $0xFFFFD800  }
0x35: {  	[spmem:s10] =	stream.linear.scatter @!p0 [tilespmem:s8], [sflag:$0x6], $0x2800, $0x38;
	[tilespmem:$0x1DC80] =	vst v63  }
0x36: {  	_ =	swait.ge @!p0 [sflag:s9], $0x2800  }
0x37: {  	[sflag:s9] =	ssyncset.done @!p0 $0x0  }
0x38: {  	s10 =	rddreg [dreg:$0x5];
	[sflag:s9] =	ssyncadd.s32 @!p0 $0xFFFFD800  }
0x39: {  	[spmem:s10] =	stream.linear.scatter @!p0 [tilespmem:s8], [sflag:$0x6], $0x2800, $0x38;
	[tilespmem:$0x1DC80] =	vst v63  }
0x3a: {  	_ =	swait.ge @!p0 [sflag:s9], $0x2800  }
0x3b: {  	[sflag:s9] =	ssyncset.done @!p0 $0x0  }
0x3c: {  	s10 =	rddreg [dreg:$0x6];
	[sflag:s9] =	ssyncadd.s32 @!p0 $0xFFFFD800  }
0x3d: {  	[spmem:s10] =	stream.linear.scatter @!p0 [tilespmem:s8], [sflag:$0x6], $0x2800, $0x38;
	[tilespmem:$0x1DC80] =	vst v63  }
0x3e: {  	_ =	swait.ge @!p0 [sflag:s9], $0x2800  }
0x3f: {  	[sflag:s9] =	ssyncset.done @!p0 $0x0  }
0x40: {  	s10 =	rddreg [dreg:$0x7];
	[sflag:s9] =	ssyncadd.s32 @!p0 $0xFFFFD800  }
0x41: {  	[spmem:s10] =	stream.linear.scatter @!p0 [tilespmem:s8], [sflag:$0x6], $0x2800, $0x38;
	[tilespmem:$0x1DC80] =	vst v63  }
0x42: {  	_ =	swait.ge @!p0 [sflag:s9], $0x2800  }
0x43: {  	[sflag:s9] =	ssyncset.done @!p0 $0x0  }
0x44: {  	s10 =	rddreg [dreg:$0x8];
	[sflag:s9] =	ssyncadd.s32 @!p0 $0xFFFFD800  }
0x45: {  	[spmem:s10] =	stream.linear.scatter @!p0 [tilespmem:s8], [sflag:$0x6], $0x2800, $0x38;
	[tilespmem:$0x1DC80] =	vst v63  }
0x46: {  	_ =	swait.ge @!p0 [sflag:s9], $0x2800  }
0x47: {  	[sflag:s9] =	ssyncset.done @!p0 $0x0  }
0x48: {  	s10 =	rddreg [dreg:$0x9];
	[sflag:s9] =	ssyncadd.s32 @!p0 $0xFFFFD800  }
0x49: {  	[spmem:s10] =	stream.linear.scatter @!p0 [tilespmem:s8], [sflag:$0x6], $0x2800, $0x38;
	[tilespmem:$0x1DC80] =	vst v63  }
0x4a: {  	_ =	swait.ge @!p0 [sflag:s9], $0x2800  }
0x4b: {  	[sflag:s9] =	ssyncset.done @!p0 $0x0  }
0x4c: {  	s10 =	rddreg [dreg:$0xa];
	[sflag:s9] =	ssyncadd.s32 @!p0 $0xFFFFD800  }
0x4d: {  	[spmem:s10] =	stream.linear.scatter @!p0 [tilespmem:s8], [sflag:$0x6], $0x2800, $0x38;
	[tilespmem:$0x1DC80] =	vst v63  }
0x4e: {  	_ =	swait.ge @!p0 [sflag:s9], $0x2800  }
0x4f: {  	[sflag:s9] =	ssyncset.done @!p0 $0x0  }
0x50: {  	[sflag:s9] =	ssyncadd.s32 @!p0 $0xFFFFD800  }
0x51: {  	[spmem:s16] =	stream.linear.scatter @!p0 [tilespmem:s8], [sflag:$0x6], $0x2800, $0x38;
	[tilespmem:$0x1DC80] =	vst v63  }
0x52: {  	_ =	swait.ge @!p0 [sflag:s9], $0x2800  }
0x53: {  	[sflag:s9] =	ssyncset.done @!p0 $0x0  }
0x54: {  	[sflag:s9] =	ssyncadd.s32 @!p0 $0xFFFFD800  }
0x55: {  	[spmem:s17] =	stream.linear.scatter @!p0 [tilespmem:s8], [sflag:$0x6], $0x2800, $0x38;
	[tilespmem:$0x1DC80] =	vst v63  }
0x56: {  	_ =	swait.ge @!p0 [sflag:s9], $0x2800  }
0x57: {  	[sflag:s9] =	ssyncset.done @!p0 $0x0  }
0x58: {  	[sflag:s9] =	ssyncadd.s32 @!p0 $0xFFFFD800  }
0x59: {  	[spmem:s18] =	stream.linear.scatter @!p0 [tilespmem:s8], [sflag:$0x6], $0x2800, $0x38;
	[tilespmem:$0x1DC80] =	vst v63  }
0x5a: {  	_ =	swait.ge @!p0 [sflag:s9], $0x2800  }
0x5b: {  	[sflag:s9] =	ssyncset.done @!p0 $0x0  }
0x5c: {  	[sflag:s9] =	ssyncadd.s32 @!p0 $0xFFFFD800  }
0x5d: {  	[spmem:s20] =	stream.linear.scatter @!p0 [tilespmem:s8], [sflag:$0x6], $0x2800, $0x38;
	[tilespmem:$0x1DC80] =	vst v63  }
0x5e: {  	_ =	swait.ge @!p0 [sflag:s9], $0x2800  }
0x5f: {  	[sflag:s9] =	ssyncset.done @!p0 $0x0  }
0x60: {  	[sflag:s9] =	ssyncadd.s32 @!p0 $0xFFFFD800  }
0x61: {  	[spmem:s21] =	stream.linear.scatter @!p0 [tilespmem:s8], [sflag:$0x6], $0x1400, $0x38;
	[tilespmem:$0x1DC80] =	vst v63  }
0x62: {  	_ =	swait.ge @!p0 [sflag:s9], $0x1400  }
0x63: {  	[sflag:s9] =	ssyncset.done @!p0 $0x0  }
0x64: {  	[sflag:s9] =	ssyncadd.s32 @!p0 $0xFFFFEC00  }
0x65: {  	s30 =	simm.s32 $0x0;
	[bflag:$0x0] =	sbarrier.arrive $0xFFFF  }
0x66: {  	[tilespmem:s30], [sflag:$0x3] =	stream.linear.gather [hbm4b:s19+s30], $0x50, $0x38;
	[tilespmem:$0x1DC80] =	vst v63  }
0x67: {  	s10 =	simm.s32 $0x200  }
0x68: {  	[tilespmem:s10], [sflag:$0x3] =	stream.linear.gather [hbm4b:s22+s30], $0x50, $0x38;
	[tilespmem:$0x1DC80] =	vst v63  }
0x69: {  	s11 =	simm.s32 $0x80  }
0x6a: {  	[tilespmem:s11], [sflag:$0x4] =	stream.linear.gather [hbm4b:s26+s30], $0x50, $0x38;
	[tilespmem:$0x1DC80] =	vst v63  }
0x6b: {  	s13 =	simm.s32 $0x280  }
0x6c: {  	[tilespmem:s13], [sflag:$0x4] =	stream.linear.gather [hbm4b:s28+s30], $0x50, $0x38;
	[tilespmem:$0x1DC80] =	vst v63  }
0x6d: {  	_ =	swait.ge [sflag:s0], $0x50  }
0x6e: {  	[sflag:s0] =	ssyncset.done $0x0  }
0x6f: {  	[sflag:s0] =	ssyncadd.s32 $0xFFFFFFB0  }
0x70: {  	_ =	swait.ge [sflag:s0], $0x50  }
.Ltmp3:
0x71: {  	[sflag:s0] =	ssyncset.done $0x0;
	(pc) =	sbr.rel .LBB2_4-.Ltmp3, $4  }
0x72: {  	s14 =	simm.s32 $0x400;
	[sflag:s0] =	ssyncadd.s32 $0xFFFFFFB0  }
0x73: {  	[tilespmem:s14], [sflag:$0x1] =	stream.linear.gather [hbm4b:s23+s30], $0x2800, $0x38;
	[tilespmem:$0x1DC80] =	vst v63  }
0x74: {  	s15 =	simm.s32 $0x5400  }
0x75: {  	[tilespmem:s15], [sflag:$0x1] =	stream.indirect.gather [hbm4b:s1+s29], $0x80, s30, s29, $0xb8;
	[tilespmem:$0x1DC80] =	vst v63  }
.LBB2_5:
0x76: {  	s9 =	sadd.s32 $0x2, s30  }
0x77: {  	s10 =	smul.u32 $0xAB, s9;
	_ =	sdelay $0x1  }
0x78: {  	s10 =	sshrl.u32 s10, $0x9  }
0x79: {  	s11 =	smul.u32 $0x50, s9;
	s10 =	sand.u32 $0x7F, s10  }
0x7a: {  	s10 =	smul.u32 $0x3, s10;
	_ =	sdelay $0x1  }
0x7b: {  	s14 =	sadd.s32 s12, s11;
	s9 =	ssub.s32 s9, s10  }
0x7c: {  	s10 =	sshrl.u32 s14, $0x3;
	s9 =	sand.u32 $0xFF, s9  }
0x7d: {  	s10 =	sadd.s32 s6, s10;
	s15 =	sadd.s32 $0x3, s9;
	s9 =	sshll.u32 s9, $0x7  }
0x7e: {  	[tilespmem:s9], [sflag:s15] =	stream.linear.gather [hbm4b:s10+s4], $0x50, $0x38;
	[tilespmem:$0x1DC80] =	vst v63  }
0x7f: {  	s9 =	sor.u32 $0x200, s9;
	s10 =	sadd.s32 $0x9C40, s10  }
0x80: {  	[tilespmem:s9], [sflag:s15] =	stream.linear.gather [hbm4b:s10+s4], $0x50, $0x38;
	[tilespmem:$0x1DC80] =	vst v63  }
.LBB2_7:
0x81: {  	s9 =	sadd.s32 $0x1, s30  }
0x82: {  	s10 =	smul.u32 $0xAB, s9;
	_ =	sdelay $0x1  }
0x83: {  	s10 =	sshrl.u32 s10, $0x9  }
0x84: {  	s10 =	sand.u32 $0x7F, s10  }
0x85: {  	s10 =	smul.u32 $0x3, s10;
	_ =	sdelay $0x1  }
0x86: {  	s10 =	ssub.s32 s9, s10  }
0x87: {  	s10 =	sand.u32 $0xFF, s10  }
0x88: {  	s11 =	sadd.s32 $0x3, s10  }
0x89: {  	_ =	swait.ge [sflag:s11], $0x50  }
0x8a: {  	[sflag:s11] =	ssyncset.done $0x0  }
0x8b: {  	s13 =	smul.u32 $0x50, s9;
	[sflag:s11] =	ssyncadd.s32 $0xFFFFFFB0  }
0x8c: {  	s14 =	sxor.u32 $0x1, s8;
	_ =	swait.ge [sflag:s11], $0x50  }
0x8d: {  	s15 =	smul.u32 $0x2800, s14;
	s13 =	sadd.s32 s12, s13;
	[sflag:s11] =	ssyncset.done $0x0  }
0x8e: {  	[sflag:s11] =	ssyncadd.s32 $0xFFFFFFB0;
	s11 =	sshll.u32 s13, $0x4  }
0x8f: {  	s14 =	sadd.s32 $0x1, s14;
	s13 =	sor.u32 $0x400, s15;
	s11 =	sadd.s32 s5, s11  }
0x90: {  	[tilespmem:s13], [sflag:s14] =	stream.linear.gather [hbm4b:s11+s4], $0x2800, $0x38;
	[tilespmem:$0x1DC80] =	vst v63  }
0x91: {  	s10 =	sshll.u32 s10, $0x7;
	s15 =	sadd.s32 $0x5400, s15  }
0x92: {  	[tilespmem:s15], [sflag:s14] =	stream.indirect.gather [hbm4b:s1+s29], $0x80, s10, s29, $0xb8;
	[tilespmem:$0x1DC80] =	vst v63  }
.LBB2_8:
0x93: {  	s10 =	smul.u32 $0xAB, s30;
	_ =	sdelay $0x1  }
0x94: {  	s10 =	sshrl.u32 s10, $0x9  }
0x95: {  	s11 =	sadd.s32 $0x1, s8;
	s10 =	sand.u32 $0x7F, s10  }
0x96: {  	_ =	swait.ge [sflag:s11], $0x2800;
	s10 =	smul.u32 $0x3, s10  }
0x97: {  	[sflag:s11] =	ssyncset.done $0x0  }
0x98: {  	[sflag:s11] =	ssyncadd.s32 $0xFFFFD800;
	s10 =	ssub.s32 s30, s10  }
0x99: {  	s15 =	smul.u32 $0x2800, s8;
	_ =	swait.ge [sflag:s11], $0x2800;
	s10 =	sand.u32 $0xFB, s10  }
0x9a: {  	[sflag:s11] =	ssyncset.done $0x0;
	s10 =	sshll.u32 s10, $0x7  }
0x9b: {  	s13 =	sor.u32 $0x400, s15;
	[sflag:s11] =	ssyncadd.s32 $0xFFFFD800;
	s10 =	sor.u32 $0x200, s10  }
0x9c: {  	[spmem:s2] =	stream.indirect.scatter.add.f32 [tilespmem:s13], [sflag:$0x6], $0x80, s10, s29, $0xb8;
	[tilespmem:$0x1DC80] =	vst v63  }
0x9d: {  	_ =	swait.ge [sflag:s31], $0x2800  }
0x9e: {  	p1 =	slt.u32 s9, $0x7D;
	[sflag:s31] =	ssyncset.done $0x0  }
.Ltmp4:
0x9f: {  	s8 =	sadd.s32 $0x5400, s15;
	[sflag:s31] =	ssyncadd.s32 $0xFFFFD800;
	(pc) =	sbr.rel @!p1 .LBB2_9-.Ltmp4, $4  }
0xa0: {  	[spmem:s2] =	stream.indirect.scatter.add.f32 [tilespmem:s8], [sflag:$0x6], $0x80, s10, s29, $0xb8;
	[tilespmem:$0x1DC80] =	vst v63  }
0xa1: {  	_ =	swait.ge [sflag:s31], $0x2800  }
0xa2: {  	[sflag:s31] =	ssyncset.done $0x0  }
0xa3: {  	s30 =	smov.u32 s9;
	[sflag:s31] =	ssyncadd.s32 $0xFFFFD800  }
.LBB2_4:
0xa4: {  	p1 =	sgt.u32 s30, $0x7A  }
.Ltmp5:
0xa5: {  	_ = 	snop;
	(pc) =	sbr.rel @!p1 .LBB2_5-.Ltmp5, $2  }
0xa6: {  	_ =	sdelay $0x2  }
0xa7: {  	s8 =	sand.u32 $0x1, s30  }
0xa8: {  	p1 =	seq.s32 s30, $0x7C  }
.Ltmp6:
0xa9: {  	_ = 	snop;
	(pc) =	sbr.rel @p1 .LBB2_8-.Ltmp6, $4  }
.Ltmp7:
0xaa: {  	_ = 	snop;
	(pc) =	sbr.rel @!p1 .LBB2_7-.Ltmp7, $4  }
0xab: {  	_ = 	snop  }
0xac: {  	_ = 	snop  }
0xad: {  	s9 =	simm.s32 $0x7D  }
0xae: {  	_ = 	snop  }
.LBB2_10:
0xaf: {  	_ =	sfence.sel $0x180000  }
0xb0: {  	[bflag:$0x0] =	sbarrier.arrive $0xFFFF  }
0xb1: {  	_ =	strace $0x90000047  }
0xb2: {  	s0 =	stileid.u32;
	[bflag:$0x2] =	sbarrier.arrive $0xFFFF  }
0xb3: {  	p0 =	sne.s32 s0, $0x0;
	s0 =	rddreg [dreg:$0x3]  }
0xb4: {  	s0 =	sadd.s32 @!p0 $0x100000, s0  }
0xb5: {  	[sflag:s0] =	ssyncadd.tile.s32 @!p0 $0x1;
	_ =	shalt  }
.Lfunc_end2:
_tile_overlayer_lowered:
.L_overlay_start_2:
0xb6: {  	(tag) =	ssettag $0x2  }
0xb7: {  	s0 =	rddreg [dreg:$0x0];
	s2 =	stileid.u32  }
0xb8: {  	s1 =	rddreg [dreg:$0x1];
	p0 =	sne.s32 s2, $0x0  }
0xb9: {  	s3 =	rddreg [dreg:$0x2];
	[bflag:$0x3] =	sbarrier.arrive $0xFFFF;
	s2 =	simm.s32 @!p0 $0x1C06  }
0xba: {  	[timem:s3], [sflag:s2] =	dma.local @!p0 [hbm:s0], s1  }
0xbb: {  	s0 =	simm.s32 @!p0 $0x6  }
0xbc: {  	_ =	swait.ge @!p0 [sflag:s0], s1  }
0xbd: {  	s1 =	ssub.s32 @!p0 $0x0, s1;
	[sflag:s0] =	ssyncset.done @!p0 $0x0  }
0xbe: {  	[sflag:s0] =	ssyncadd.s32 @!p0 s1  }
0xbf: {  	[bflag:$0x3] =	sbarrier.arrive $0xFFFF  }
0xc0: {  	_ =	shalt  }

</sc_bundles>
